<compile_context>
chip_gen: v7x
topology: tpu7x:2x2x1
jax: 0.10.2.dev20260603
libtpu: 0.0.44.dev20260713+nightly
codegen_flags: <defaults>
</compile_context>

<pallas_src>
import functools
import math

import jax
import jax.numpy as jnp
from jax import lax
from jax.experimental import pallas as pl
from jax.experimental.pallas import tpu as pltpu
from jax.experimental.pallas import tpu_sc as plsc

DATA_LEN = 100000
RHO = 0.001
LR_DUAL = 0.001
MARGIN = 1.0
LAM = 1.0
LOG_RHO = math.log(RHO)

B = 4096
NC, NS = 2, 16
NW = NC * NS
PER_W = B // NW
CHUNK = 3136
PAD_LEN = NW * CHUNK

R_BLK = 512
NBR = B // R_BLK
C_BLK = 1024
NCB = B // C_BLK

LOG2E = 1.4426950408889634
LN2 = 0.6931471805599453
SQRT_LOG2E = LOG2E ** 0.5
KEY_PAD = -(2 ** 30)

_MESH = dict(core_axis_name="c", subcore_axis_name="s", num_cores=NC,
             num_subcores=NS)



def _sc_compact_body(yt_hbm, psc_hbm, psr_hbm, key_hbm, idx_hbm, alpha_hbm,
                     ppA_hbm, apA_hbm, kpA_hbm, pnA_hbm,
                     ppB_hbm, apB_hbm, kpB_hbm, pnB_hbm, cnt_hbm,
                     ytf_v, psc_v, psr_v, key_v, idx_v, a_v,
                     tgtp_v, tgtn_v, cnt_v, pp_s, ap_s, kp_s, pn_s, sem):
    cid = lax.axis_index("c")
    sid = lax.axis_index("s")
    wid = cid * NS + sid
    base = wid * PER_W
    d_yt = pltpu.async_copy(yt_hbm, ytf_v, sem)
    d_psc = pltpu.async_copy(psc_hbm.at[pl.ds(base, PER_W)], psc_v, sem)
    d_psr = pltpu.async_copy(psr_hbm.at[pl.ds(base, PER_W)], psr_v, sem)
    d_key = pltpu.async_copy(key_hbm.at[pl.ds(base, PER_W)], key_v, sem)
    d_idx = pltpu.async_copy(idx_hbm.at[pl.ds(base, PER_W)], idx_v, sem)
    d_idx.wait()
    d_ga = pltpu.async_copy(alpha_hbm.at[idx_v], a_v, sem)
    d_yt.wait()

    def pbody(k, s16):
        return s16 + ytf_v[pl.ds(k * 16, 16)]

    acc16 = lax.fori_loop(0, wid * 8, pbody, jnp.zeros((16,), jnp.float32))
    npos_before = jnp.sum(acc16).astype(jnp.int32)
    nneg_before = base - npos_before

    lanes = lax.iota(jnp.int32, 16)
    cpos = jnp.int32(0)
    cneg = jnp.int32(0)
    for v in range(PER_W // 16):
        yv = ytf_v[pl.ds(base + v * 16, 16)]
        posm = yv == 1.0
        pinc = posm.astype(jnp.int32)
        cs = plsc.cumsum(pinc)
        padbase = B + base + v * 16
        tgt_p = jnp.where(posm, npos_before + cpos + cs - 1, padbase + lanes)
        tgt_n = jnp.where(posm, padbase + lanes,
                          nneg_before + cneg + (lanes + 1 - cs) - 1)
        tgtp_v[pl.ds(v * 16, 16)] = tgt_p
        tgtn_v[pl.ds(v * 16, 16)] = tgt_n
        nposv = jnp.sum(pinc)
        cpos = cpos + nposv
        cneg = cneg + (16 - nposv)

    d_psc.wait()
    d_psr.wait()
    d_key.wait()
    d_ga.wait()
    d_pp = pltpu.async_copy(psc_v, pp_s.at[tgtp_v], sem)
    d_ap = pltpu.async_copy(a_v, ap_s.at[tgtp_v], sem)
    d_kp = pltpu.async_copy(key_v, kp_s.at[tgtp_v], sem)
    d_pn = pltpu.async_copy(psr_v, pn_s.at[tgtn_v], sem)
    d_pp.wait()
    d_ap.wait()
    d_kp.wait()
    d_pn.wait()
    plsc.subcore_barrier()

    @pl.when(sid == 0)
    def _flush():
        @pl.when(cid == 0)
        def _a():
            pltpu.sync_copy(pp_s.at[pl.ds(0, B)], ppA_hbm)
            pltpu.sync_copy(ap_s.at[pl.ds(0, B)], apA_hbm)
            pltpu.sync_copy(kp_s.at[pl.ds(0, B)], kpA_hbm)
            pltpu.sync_copy(pn_s.at[pl.ds(0, B)], pnA_hbm)

        @pl.when(cid == 1)
        def _b():
            pltpu.sync_copy(pp_s.at[pl.ds(0, B)], ppB_hbm)
            pltpu.sync_copy(ap_s.at[pl.ds(0, B)], apB_hbm)
            pltpu.sync_copy(kp_s.at[pl.ds(0, B)], kpB_hbm)
            pltpu.sync_copy(pn_s.at[pl.ds(0, B)], pnB_hbm)

    @pl.when(sid == NS - 1)
    def _write_counts():
        tot_pos = npos_before + cpos

        @pl.when(cid == 1)
        def _tot():
            cnt_v[...] = jnp.where(lanes == 0, tot_pos,
                                   jnp.where(lanes == 1, B - tot_pos, 0))
            pltpu.sync_copy(cnt_v.at[pl.ds(0, 8)], cnt_hbm.at[pl.ds(0, 8)])

        @pl.when(cid == 0)
        def _fh():
            cnt_v[...] = jnp.where(lanes == 0, tot_pos,
                                   jnp.where(lanes == 1, B // 2 - tot_pos, 0))
            pltpu.sync_copy(cnt_v.at[pl.ds(0, 8)], cnt_hbm.at[pl.ds(8, 8)])


def _sc_compact(yt, psc, psr, key, idx, alpha_pad):
    f32 = jnp.float32
    arr = lambda dt: jax.ShapeDtypeStruct((B,), dt)
    return pl.kernel(
        _sc_compact_body,
        out_type=(arr(f32), arr(f32), arr(jnp.int32), arr(f32),
                  arr(f32), arr(f32), arr(jnp.int32), arr(f32),
                  jax.ShapeDtypeStruct((16,), jnp.int32)),
        mesh=plsc.VectorSubcoreMesh(**_MESH),
        scratch_types=[
            pltpu.VMEM((B,), f32),
            pltpu.VMEM((PER_W,), f32),
            pltpu.VMEM((PER_W,), f32),
            pltpu.VMEM((PER_W,), jnp.int32),
            pltpu.VMEM((PER_W,), jnp.int32),
            pltpu.VMEM((PER_W,), f32),
            pltpu.VMEM((PER_W,), jnp.int32),
            pltpu.VMEM((PER_W,), jnp.int32),
            pltpu.VMEM((16,), jnp.int32),
            pltpu.VMEM_SHARED((2 * B,), f32),
            pltpu.VMEM_SHARED((2 * B,), f32),
            pltpu.VMEM_SHARED((2 * B,), jnp.int32),
            pltpu.VMEM_SHARED((2 * B,), f32),
            pltpu.SemaphoreType.DMA,
        ],
        compiler_params=pltpu.CompilerParams(needs_layout_passes=False),
    )(yt, psc, psr, key, idx, alpha_pad)



def _main_chunk(cc, lanec_g, pnA_row, pnB_row, pr, cr2, nnfh, num_neg,
                accS, accT):
    pc = jnp.where(lanec_g < nnfh,
                   pnA_row[:, cc * C_BLK:(cc + 1) * C_BLK],
                   pnB_row[:, cc * C_BLK:(cc + 1) * C_BLK])
    negmask = lanec_g < num_neg
    h = jnp.maximum(pc - pr, 0.0)
    e2 = jnp.where(negmask, h * h + cr2, -jnp.inf)
    nabs = lax.bitcast_convert_type(
        lax.bitcast_convert_type(e2, jnp.int32) | jnp.int32(-2147483648),
        jnp.float32)
    u = jnp.exp2(nabs)
    l2 = jnp.log2(1.0 + u)
    m2 = jnp.maximum(e2, 0.0)
    th = jnp.tanh(e2 * (LN2 * 0.5))
    accS[...] += _lanefold(m2 + l2)
    accT[...] += _lanefold(th)


def _dup_chunk(cc, lanec_g, kpA_row, kpB_row, kr, npfh, num_pos, accL):
    kc0 = jnp.where(lanec_g < npfh,
                    kpA_row[:, cc * C_BLK:(cc + 1) * C_BLK],
                    kpB_row[:, cc * C_BLK:(cc + 1) * C_BLK])
    kc = jnp.where(lanec_g < num_pos, kc0, jnp.int32(KEY_PAD))
    delta = lax.bitcast_convert_type(kc - kr - 1, jnp.uint32)
    hit = (delta < jnp.uint32(4095)).astype(jnp.float32)
    accL[...] += _lanefold(hit)


def _lanefold(x):
    out = x[:, 0:128]
    for q in range(1, C_BLK // 128):
        out = out + x[:, q * 128:(q + 1) * 128]
    return out


def _tc_dense_body(cnt, ppA_col, apA_col, kpA_col, ppB_col, apB_col, kpB_col,
                   pnA_row, kpA_row, pnB_row, kpB_row,
                   a_new_ref, win_ref, kout_ref, loss_ref,
                   accS, accT, accL, smacc):
    r = pl.program_id(0)
    num_pos = cnt[0]
    num_neg = cnt[1]
    npfh = cnt[8]
    nnfh = cnt[9]

    accS[...] = jnp.zeros((R_BLK, 128), jnp.float32)
    accT[...] = jnp.zeros((R_BLK, 128), jnp.float32)
    accL[...] = jnp.zeros((R_BLK, 128), jnp.float32)

    row_active = r * R_BLK < num_pos
    lanec = lax.broadcasted_iota(jnp.int32, (1, C_BLK), 1)
    rowi = lax.broadcasted_iota(jnp.int32, (R_BLK, 1), 0) + r * R_BLK
    rowselA = rowi < npfh
    pr = jnp.where(rowselA, ppA_col[...], ppB_col[...])
    ar = jnp.where(rowselA, apA_col[...], apB_col[...])
    kr = jnp.where(rowselA, kpA_col[...], kpB_col[...])
    cr2 = (LOG_RHO - ar) * LOG2E
    kout_ref[...] = kr

    for cc in range(NCB):
        lanec_g = lanec + cc * C_BLK

        @pl.when(row_active & (cc * C_BLK < num_neg) & (cc * C_BLK < num_pos))
        def _both(cc=cc, lanec_g=lanec_g):
            _main_chunk(cc, lanec_g, pnA_row, pnB_row, pr, cr2, nnfh, num_neg,
                        accS, accT)
            _dup_chunk(cc, lanec_g, kpA_row, kpB_row, kr, npfh, num_pos, accL)

        @pl.when(row_active & (cc * C_BLK < num_neg) & (cc * C_BLK >= num_pos))
        def _main_only(cc=cc, lanec_g=lanec_g):
            _main_chunk(cc, lanec_g, pnA_row, pnB_row, pr, cr2, nnfh, num_neg,
                        accS, accT)

        @pl.when(row_active & (cc * C_BLK >= num_neg) & (cc * C_BLK < num_pos))
        def _dup_only(cc=cc, lanec_g=lanec_g):
            _dup_chunk(cc, lanec_g, kpA_row, kpB_row, kr, npfh, num_pos, accL)

    np_f = num_pos.astype(jnp.float32)
    nn_f = num_neg.astype(jnp.float32)
    nact = (num_neg + (C_BLK - 1)) // C_BLK
    W = 0.5 * ((nact * C_BLK).astype(jnp.float32)
               + jnp.sum(accT[...], axis=1, keepdims=True))
    S = LN2 * jnp.sum(accS[...], axis=1, keepdims=True)
    a_new_ref[...] = ar - LR_DUAL * (1.0 - W / nn_f)
    rowmask = rowi < num_pos
    lose = jnp.sum(accL[...], axis=1, keepdims=True) > 0.0
    win_ref[...] = jnp.where(rowmask & (~lose), 1.0, 0.0)
    part_S = jnp.sum(jnp.where(rowmask, S, 0.0))
    part_a = jnp.sum(jnp.where(rowmask, ar, 0.0))

    @pl.when(r == 0)
    def _init():
        smacc[0] = part_S
        smacc[1] = part_a

    @pl.when(r > 0)
    def _accum():
        smacc[0] = smacc[0] + part_S
        smacc[1] = smacc[1] + part_a

    @pl.when(r == NBR - 1)
    def _loss():
        val = (LAM / RHO) * smacc[0] / (np_f * nn_f) + smacc[1] / np_f
        loss_ref[...] = jnp.reshape(val, (1, 1))


def _tc_dense(cnt, ppA, apA, kpA, ppB, apB, kpB, pnA, pnB):
    col_spec = pl.BlockSpec((R_BLK, 1), lambda r: (r, 0))
    row_spec = pl.BlockSpec((1, B), lambda r: (0, 0))
    c2 = lambda x: x.reshape(B, 1)
    r2 = lambda x: x.reshape(1, B)
    return pl.pallas_call(
        _tc_dense_body,
        grid=(NBR,),
        in_specs=[pl.BlockSpec(memory_space=pltpu.SMEM),
                  col_spec, col_spec, col_spec, col_spec, col_spec, col_spec,
                  row_spec, row_spec, row_spec, row_spec],
        out_specs=[pl.BlockSpec((R_BLK, 1), lambda r: (r, 0)),
                   pl.BlockSpec((R_BLK, 1), lambda r: (r, 0)),
                   pl.BlockSpec((R_BLK, 1), lambda r: (r, 0)),
                   pl.BlockSpec((1, 1), lambda r: (0, 0))],
        out_shape=[jax.ShapeDtypeStruct((B, 1), jnp.float32),
                   jax.ShapeDtypeStruct((B, 1), jnp.float32),
                   jax.ShapeDtypeStruct((B, 1), jnp.int32),
                   jax.ShapeDtypeStruct((1, 1), jnp.float32)],
        scratch_shapes=[pltpu.VMEM((R_BLK, 128), jnp.float32),
                        pltpu.VMEM((R_BLK, 128), jnp.float32),
                        pltpu.VMEM((R_BLK, 128), jnp.float32),
                        pltpu.SMEM((2,), jnp.float32)],
    )(cnt, c2(ppA), c2(apA), c2(kpA), c2(ppB), c2(apB), c2(kpB),
      r2(pnA), r2(kpA), r2(pnB), r2(kpB))



def _sc_scatter_body(alpha_hbm, key_hbm, val_hbm, win_hbm, out_hbm,
                     tbl_v, key_v, val_v, win_v):
    wid = lax.axis_index("s") * NC + lax.axis_index("c")
    lo = wid * CHUNK
    pltpu.sync_copy(alpha_hbm.at[pl.ds(lo, CHUNK)], tbl_v)
    pltpu.sync_copy(key_hbm, key_v)
    pltpu.sync_copy(val_hbm, val_v)
    pltpu.sync_copy(win_hbm, win_v)

    def body(k, carry):
        off = pl.multiple_of(k * 16, 16)
        iv = key_v[pl.ds(off, 16)] >> 13
        vv = val_v[pl.ds(off, 16)]
        wv = win_v[pl.ds(off, 16)]
        msk = (iv >= lo) & (iv < lo + CHUNK) & (wv > 0.0)
        plsc.store_scatter(tbl_v, [iv - lo], vv, mask=msk)
        return carry

    lax.fori_loop(0, B // 16, body, 0, unroll=8)
    pltpu.sync_copy(tbl_v, out_hbm.at[pl.ds(lo, CHUNK)])


def _sc_scatter(alpha_pad, keys, vals, win):
    return pl.kernel(
        _sc_scatter_body,
        out_type=jax.ShapeDtypeStruct((PAD_LEN,), jnp.float32),
        mesh=plsc.VectorSubcoreMesh(**_MESH),
        scratch_types=[
            pltpu.VMEM((CHUNK,), jnp.float32),
            pltpu.VMEM((B,), jnp.int32),
            pltpu.VMEM((B,), jnp.float32),
            pltpu.VMEM((B,), jnp.float32),
        ],
        compiler_params=pltpu.CompilerParams(needs_layout_passes=False),
    )(alpha_pad, keys, vals, win)



def kernel(y_pred, y_true, index, alpha):
    p = y_pred.reshape(B)
    yt = y_true.reshape(B)
    index = index.reshape(B).astype(jnp.int32)
    alpha_pad = jnp.pad(alpha.reshape(DATA_LEN), (0, PAD_LEN - DATA_LEN))

    slot = jnp.arange(B, dtype=jnp.int32)
    key = index * 8192 + slot
    psc = p * SQRT_LOG2E
    psr = (p + MARGIN) * SQRT_LOG2E

    (ppA, apA, kpA, pnA, ppB, apB, kpB, pnB, cnt) = _sc_compact(
        yt, psc, psr, key, index, alpha_pad)

    a_new, win, kout, loss = _tc_dense(cnt, ppA, apA, kpA, ppB, apB, kpB,
                                       pnA, pnB)

    alpha_out = _sc_scatter(alpha_pad, kout.reshape(B), a_new.reshape(B),
                            win.reshape(B))
    return loss.reshape(()), alpha_out[:DATA_LEN].reshape(DATA_LEN, 1)

# --- scband reference (transcript-rebuilt; emitter-appended) ---
"""Pipeline reference for scband-softplus-67405216744114 (READ-ONLY COPY).

The authoritative reference and input builder live on the scoring server;
editing this copy changes nothing except your own understanding.
"""

import jax, jax.numpy as jnp
import numpy as np
import math

DATA_LEN = 100000
RHO = 0.001
LR_DUAL = 0.001
MARGIN = 1.0
LAM = 1.0
BATCH = 4096


def setup_inputs(seed: int = 0) -> dict:
    key = jax.random.key(seed)
    k1, k2, k3 = jax.random.split(key, 3)
    y_pred = jax.random.normal(k1, (BATCH, 1), dtype=jnp.float32)
    y_true = jax.random.randint(k2, (BATCH, 1), 0, 2).astype(jnp.float32)
    index = jax.random.randint(k3, (BATCH,), 0, DATA_LEN).astype(jnp.int32)
    # learned/state buffer: dual variables alpha initialized to zeros, shape [data_len, 1]
    alpha = jnp.zeros((DATA_LEN, 1), dtype=jnp.float32)
    return {"y_pred": y_pred, "y_true": y_true, "index": index, "alpha": alpha}


def _squared_hinge(margin, t):
    # torch squared hinge surrogate: max(margin - t, 0)^2
    return jnp.maximum(margin - t, 0.0) ** 2


def reference(y_pred, y_true, index, alpha):
    y_pred = y_pred.reshape(-1, 1)
    y_true = y_true.reshape(-1, 1)
    index = index.reshape(-1)
    pos_mask = (y_true == 1).squeeze()
    neg_mask = (y_true == 0).squeeze()
    pos_f = pos_mask.astype(jnp.float32)
    neg_f = neg_mask.astype(jnp.float32)
    num_pos = jnp.sum(pos_f)
    num_neg = jnp.sum(neg_f)
    pair_mask = pos_f[:, None] * neg_f[None, :]           # [B, B]
    diff = y_pred - y_pred.reshape(-1)[None, :]           # [B, B] pairwise f_i - f_j
    surr_loss = _squared_hinge(MARGIN, diff)              # [B, B] pairwise
    a = alpha[index]                                      # gather [B, 1]
    exponent = (surr_loss - a) / LAM + math.log(RHO)
    exponent_ = (surr_loss - a) / LAM
    w = jax.nn.sigmoid(exponent_ + math.log(RHO))
    loss = LAM / RHO * (jnp.sum(jax.nn.softplus(exponent) * pair_mask)
                        / (num_pos * num_neg)) + jnp.sum(a.squeeze() * pos_f) / num_pos
    # dual variable update (detached), scatter-overwrite into alpha
    w_mean = jnp.sum(jax.lax.stop_gradient(w) * pair_mask, axis=1, keepdims=True) / num_neg
    a_new = a - LR_DUAL * (1.0 - w_mean)
    idx_safe = jnp.where(pos_mask, index, DATA_LEN)
    alpha_new = alpha.at[idx_safe].set(a_new, mode='drop')
    return (loss, alpha_new)

if __name__ == "__main__":
    import jax
    _d = setup_inputs()
    print(jax.jit(kernel)(*tuple(_d.values())))

</pallas_src>

<mosaic_0001>
#map = affine_map<(d0, d1) -> (0)>
module attributes {stable_mosaic.version = 14 : i64} {
  func.func @_sc_compact_body(%arg0: i32, %arg1: i32, %arg2: memref<4096xf32, #tpu.memory_space<hbm>>, %arg3: memref<4096xf32, #tpu.memory_space<hbm>>, %arg4: memref<4096xf32, #tpu.memory_space<hbm>>, %arg5: memref<4096xi32, #tpu.memory_space<hbm>>, %arg6: memref<4096xi32, #tpu.memory_space<hbm>>, %arg7: memref<100352xf32, #tpu.memory_space<hbm>>, %arg8: memref<4096xf32, #tpu.memory_space<hbm>>, %arg9: memref<4096xf32, #tpu.memory_space<hbm>>, %arg10: memref<4096xi32, #tpu.memory_space<hbm>>, %arg11: memref<4096xf32, #tpu.memory_space<hbm>>, %arg12: memref<4096xf32, #tpu.memory_space<hbm>>, %arg13: memref<4096xf32, #tpu.memory_space<hbm>>, %arg14: memref<4096xi32, #tpu.memory_space<hbm>>, %arg15: memref<4096xf32, #tpu.memory_space<hbm>>, %arg16: memref<16xi32, #tpu.memory_space<hbm>>, %arg17: memref<4096xf32, #tpu.memory_space<vmem>>, %arg18: memref<128xf32, #tpu.memory_space<vmem>>, %arg19: memref<128xf32, #tpu.memory_space<vmem>>, %arg20: memref<128xi32, #tpu.memory_space<vmem>>, %arg21: memref<128xi32, #tpu.memory_space<vmem>>, %arg22: memref<128xf32, #tpu.memory_space<vmem>>, %arg23: memref<128xi32, #tpu.memory_space<vmem>>, %arg24: memref<128xi32, #tpu.memory_space<vmem>>, %arg25: memref<16xi32, #tpu.memory_space<vmem>>, %arg26: memref<8192xf32, #tpu.memory_space<vmem_shared>>, %arg27: memref<8192xf32, #tpu.memory_space<vmem_shared>>, %arg28: memref<8192xi32, #tpu.memory_space<vmem_shared>>, %arg29: memref<8192xf32, #tpu.memory_space<vmem_shared>>, %arg30: memref<!tpu.dma_semaphore, #tpu.memory_space<semaphore_mem>>) attributes {dimension_semantics = [#tpu.dimension_semantics<core_parallel>, #tpu.dimension_semantics<subcore_parallel>], iteration_bounds = array<i64: 2, 16>, scalar_prefetch = 0 : i64, scratch_operands = 14 : i64, tpu.core_type = #tpu.core_type<sc_vector_subcore>, window_params = [{transform_indices = #map}, {transform_indices = #map}, {transform_indices = #map}, {transform_indices = #map}, {transform_indices = #map}, {transform_indices = #map}, {transform_indices = #map}, {transform_indices = #map}, {transform_indices = #map}, {transform_indices = #map}, {transform_indices = #map}, {transform_indices = #map}, {transform_indices = #map}, {transform_indices = #map}, {transform_indices = #map}]} {
    %mul3A = arith.constant 16 : i32
    %mul3A_0 = arith.muli %arg0, %mul3A : i32
    %add3A = arith.addi %mul3A_0, %arg1 : i32
    %mul3A_1 = arith.constant 128 : i32
    %mul3A_2 = arith.muli %add3A, %mul3A_1 : i32
    tpu.enqueue_dma source(%arg2 : memref<4096xf32, #tpu.memory_space<hbm>>) target(%arg17 : memref<4096xf32, #tpu.memory_space<vmem>>) target_semaphore(%arg30 : memref<!tpu.dma_semaphore, #tpu.memory_space<semaphore_mem>>)
    %dma_start3A = tpu.memref_slice %arg3[%mul3A_2] : memref<4096xf32, #tpu.memory_space<hbm>> -> memref<128xf32, #tpu.memory_space<hbm>>
    %dma_start3A_3 = tpu.memref_slice %arg3[%mul3A_2] : memref<4096xf32, #tpu.memory_space<hbm>> -> memref<128xf32, #tpu.memory_space<hbm>>
    tpu.enqueue_dma source(%dma_start3A_3 : memref<128xf32, #tpu.memory_space<hbm>>) target(%arg18 : memref<128xf32, #tpu.memory_space<vmem>>) target_semaphore(%arg30 : memref<!tpu.dma_semaphore, #tpu.memory_space<semaphore_mem>>)
    %dma_start3A_4 = tpu.memref_slice %arg4[%mul3A_2] : memref<4096xf32, #tpu.memory_space<hbm>> -> memref<128xf32, #tpu.memory_space<hbm>>
    %dma_start3A_5 = tpu.memref_slice %arg4[%mul3A_2] : memref<4096xf32, #tpu.memory_space<hbm>> -> memref<128xf32, #tpu.memory_space<hbm>>
    tpu.enqueue_dma source(%dma_start3A_5 : memref<128xf32, #tpu.memory_space<hbm>>) target(%arg19 : memref<128xf32, #tpu.memory_space<vmem>>) target_semaphore(%arg30 : memref<!tpu.dma_semaphore, #tpu.memory_space<semaphore_mem>>)
    %dma_start3A_6 = tpu.memref_slice %arg5[%mul3A_2] : memref<4096xi32, #tpu.memory_space<hbm>> -> memref<128xi32, #tpu.memory_space<hbm>>
    %dma_start3A_7 = tpu.memref_slice %arg5[%mul3A_2] : memref<4096xi32, #tpu.memory_space<hbm>> -> memref<128xi32, #tpu.memory_space<hbm>>
    tpu.enqueue_dma source(%dma_start3A_7 : memref<128xi32, #tpu.memory_space<hbm>>) target(%arg20 : memref<128xi32, #tpu.memory_space<vmem>>) target_semaphore(%arg30 : memref<!tpu.dma_semaphore, #tpu.memory_space<semaphore_mem>>)
    %dma_start3A_8 = tpu.memref_slice %arg6[%mul3A_2] : memref<4096xi32, #tpu.memory_space<hbm>> -> memref<128xi32, #tpu.memory_space<hbm>>
    %dma_start3A_9 = tpu.memref_slice %arg6[%mul3A_2] : memref<4096xi32, #tpu.memory_space<hbm>> -> memref<128xi32, #tpu.memory_space<hbm>>
    tpu.enqueue_dma source(%dma_start3A_9 : memref<128xi32, #tpu.memory_space<hbm>>) target(%arg21 : memref<128xi32, #tpu.memory_space<vmem>>) target_semaphore(%arg30 : memref<!tpu.dma_semaphore, #tpu.memory_space<semaphore_mem>>)
    %dma_wait3A = tpu.memref_slice %arg6[%mul3A_2] : memref<4096xi32, #tpu.memory_space<hbm>> -> memref<128xi32, #tpu.memory_space<hbm>>
    %dma_wait3A_10 = tpu.memref_slice %arg6[%mul3A_2] : memref<4096xi32, #tpu.memory_space<hbm>> -> memref<128xi32, #tpu.memory_space<hbm>>
    tpu.wait_dma2 semaphore(%arg30 : memref<!tpu.dma_semaphore, #tpu.memory_space<semaphore_mem>>) src(%dma_wait3A_10 : memref<128xi32, #tpu.memory_space<hbm>>) dst(%arg21 : memref<128xi32, #tpu.memory_space<vmem>>)
    %dma_start3A_11 = arith.constant 0 : i32
    %dma_start3A_12 = tpu.memref_slice %arg7[%dma_start3A_11] : memref<100352xf32, #tpu.memory_space<hbm>> -> memref<100352xf32, #tpu.memory_space<hbm>>
    tpu.enqueue_indirect_dma source(%dma_start3A_12 : memref<100352xf32, #tpu.memory_space<hbm>>) target(%arg22 : memref<128xf32, #tpu.memory_space<vmem>>) offsets(%arg21 : memref<128xi32, #tpu.memory_space<vmem>>) semaphore(%arg30 : memref<!tpu.dma_semaphore, #tpu.memory_space<semaphore_mem>>)
    tpu.wait_dma2 semaphore(%arg30 : memref<!tpu.dma_semaphore, #tpu.memory_space<semaphore_mem>>) src(%arg2 : memref<4096xf32, #tpu.memory_space<hbm>>) dst(%arg17 : memref<4096xf32, #tpu.memory_space<vmem>>)
    %mul3A_13 = arith.constant 8 : i32
    %mul3A_14 = arith.muli %add3A, %mul3A_13 : i32
    %broadcast_in_dim3A = arith.constant 0.000000e+00 : f32
    %broadcast_in_dim3A_15 = vector.broadcast %broadcast_in_dim3A : f32 to vector<16xf32>
    %while3A = arith.constant 0 : i32
    %while3A_16 = arith.subi %mul3A_14, %while3A : i32
    %while3A_17 = arith.addi %while3A, %while3A_16 : i32
    %while3A_18 = arith.constant 1 : i32
    %while3A_19 = arith.divsi %while3A_16, %while3A_18 : i32
    %while3A_20 = arith.muli %while3A_19, %while3A_18 : i32
    %while3A_21 = arith.addi %while3A, %while3A_20 : i32
    %while3A_22 = arith.constant 1 : i32
    %while3A_23 = scf.for %while3A_453 = %while3A to %while3A_21 step %while3A_22 iter_args(%while3A_454 = %broadcast_in_dim3A_15) -> (vector<16xf32>)  : i32 {
      %mul3A_455 = arith.constant 16 : i32
      %mul3A_456 = arith.muli %while3A_453, %mul3A_455 : i32
      %get3A_457 = arith.index_cast %mul3A_456 : i32 to index
      %get3A_458 = tpu.vector_load %arg17[%get3A_457] {strides = array<i32>} : memref<4096xf32, #tpu.memory_space<vmem>>, vector<16xf32>,
      %add3A_459 = arith.addf %while3A_454, %get3A_458 : vector<16xf32>
      scf.yield %add3A_459 : vector<16xf32>
    }
    %while3A_24 = arith.constant 1 : i32
    %while3A_25 = scf.for %while3A_453 = %while3A_21 to %while3A_17 step %while3A_24 iter_args(%while3A_454 = %while3A_23) -> (vector<16xf32>)  : i32 {
      %mul3A_455 = arith.constant 16 : i32
      %mul3A_456 = arith.muli %while3A_453, %mul3A_455 : i32
      %get3A_457 = arith.index_cast %mul3A_456 : i32 to index
      %get3A_458 = tpu.vector_load %arg17[%get3A_457] {strides = array<i32>} : memref<4096xf32, #tpu.memory_space<vmem>>, vector<16xf32>,
      %add3A_459 = arith.addf %while3A_454, %get3A_458 : vector<16xf32>
      scf.yield %add3A_459 : vector<16xf32>
    }
    %reduce_sum3A = arith.constant true
    %reduce_sum3A_26 = vector.broadcast %reduce_sum3A : i1 to vector<16xi1>
    %reduce_sum3A_27 = tpu.scan <sum>, %while3A_25 masked %reduce_sum3A_26 : vector<16xf32>, vector<16xi1> -> vector<16xf32>
    %reduce_sum3A_28 = vector.extract %reduce_sum3A_27[15] : f32 from vector<16xf32>
    %convert_element_type3A = arith.fptosi %reduce_sum3A_28 : f32 to i32
    %sub3A = arith.subi %mul3A_2, %convert_element_type3A : i32
    %iota3A = tpu.iota {dimensions = array<i32: 0>} : vector<16xi32>
    %add3A_29 = arith.constant 0 : i32
    %add3A_30 = arith.addi %mul3A_2, %add3A_29 : i32
    %get3A = arith.index_cast %add3A_30 : i32 to index
    %get3A_31 = tpu.vector_load %arg17[%get3A] {strides = array<i32>} : memref<4096xf32, #tpu.memory_space<vmem>>, vector<16xf32>,
    %eq3A = arith.constant 1.000000e+00 : f32
    %eq3A_32 = vector.broadcast %eq3A : f32 to vector<16xf32>
    %eq3A_33 = arith.cmpf oeq, %get3A_31, %eq3A_32 : vector<16xf32>
    %convert_element_type3A_34 = arith.extui %eq3A_33 : vector<16xi1> to vector<16xi32>
    %broadcast_in_dim3A_35 = arith.constant true
    %broadcast_in_dim3A_36 = vector.broadcast %broadcast_in_dim3A_35 : i1 to vector<16xi1>
    %masked_cumsum3A = tpu.scan <sum>, %convert_element_type3A_34 masked %broadcast_in_dim3A_36 : vector<16xi32>, vector<16xi1> -> vector<16xi32>
    %add3A_37 = arith.constant 4096 : i32
    %add3A_38 = arith.addi %add3A_37, %mul3A_2 : i32
    %add3A_39 = arith.constant 0 : i32
    %add3A_40 = arith.addi %add3A_38, %add3A_39 : i32
    %add3A_41 = arith.constant 0 : i32
    %add3A_42 = arith.addi %convert_element_type3A, %add3A_41 : i32
    %add3A_43 = vector.broadcast %add3A_42 : i32 to vector<16xi32>
    %add3A_44 = arith.addi %add3A_43, %masked_cumsum3A : vector<16xi32>
    %sub3A_45 = arith.constant 1 : i32
    %sub3A_46 = vector.broadcast %sub3A_45 : i32 to vector<16xi32>
    %sub3A_47 = arith.subi %add3A_44, %sub3A_46 : vector<16xi32>
    %add3A_48 = vector.broadcast %add3A_40 : i32 to vector<16xi32>
    %add3A_49 = arith.addi %add3A_48, %iota3A : vector<16xi32>
    %select_n3A = arith.select %eq3A_33, %sub3A_47, %add3A_49 : vector<16xi1>, vector<16xi32>
    %add3A_50 = vector.broadcast %add3A_40 : i32 to vector<16xi32>
    %add3A_51 = arith.addi %add3A_50, %iota3A : vector<16xi32>
    %add3A_52 = arith.constant 0 : i32
    %add3A_53 = arith.addi %sub3A, %add3A_52 : i32
    %add3A_54 = arith.constant 1 : i32
    %add3A_55 = vector.broadcast %add3A_54 : i32 to vector<16xi32>
    %add3A_56 = arith.addi %iota3A, %add3A_55 : vector<16xi32>
    %sub3A_57 = arith.subi %add3A_56, %masked_cumsum3A : vector<16xi32>
    %add3A_58 = vector.broadcast %add3A_53 : i32 to vector<16xi32>
    %add3A_59 = arith.addi %add3A_58, %sub3A_57 : vector<16xi32>
    %sub3A_60 = arith.constant 1 : i32
    %sub3A_61 = vector.broadcast %sub3A_60 : i32 to vector<16xi32>
    %sub3A_62 = arith.subi %add3A_59, %sub3A_61 : vector<16xi32>
    %select_n3A_63 = arith.select %eq3A_33, %add3A_51, %sub3A_62 : vector<16xi1>, vector<16xi32>
    %swap3A = arith.constant 0 : index
    %swap3A_64 = tpu.vector_load %arg23[%swap3A] {strides = array<i32>} : memref<128xi32, #tpu.memory_space<vmem>>, vector<16xi32>,
    tpu.vector_store %arg23[%swap3A], %select_n3A {strides = array<i32>} : memref<128xi32, #tpu.memory_space<vmem>>, vector<16xi32>,
    %swap3A_65 = arith.constant 0 : index
    %swap3A_66 = tpu.vector_load %arg24[%swap3A_65] {strides = array<i32>} : memref<128xi32, #tpu.memory_space<vmem>>, vector<16xi32>,
    tpu.vector_store %arg24[%swap3A_65], %select_n3A_63 {strides = array<i32>} : memref<128xi32, #tpu.memory_space<vmem>>, vector<16xi32>,
    %reduce_sum3A_67 = arith.constant true
    %reduce_sum3A_68 = vector.broadcast %reduce_sum3A_67 : i1 to vector<16xi1>
    %reduce_sum3A_69 = tpu.scan <sum>, %convert_element_type3A_34 masked %reduce_sum3A_68 : vector<16xi32>, vector<16xi1> -> vector<16xi32>
    %reduce_sum3A_70 = vector.extract %reduce_sum3A_69[15] : i32 from vector<16xi32>
    %add3A_71 = arith.constant 0 : i32
    %add3A_72 = arith.addi %add3A_71, %reduce_sum3A_70 : i32
    %sub3A_73 = arith.constant 16 : i32
    %sub3A_74 = arith.subi %sub3A_73, %reduce_sum3A_70 : i32
    %add3A_75 = arith.constant 0 : i32
    %add3A_76 = arith.addi %add3A_75, %sub3A_74 : i32
    %add3A_77 = arith.constant 16 : i32
    %add3A_78 = arith.addi %mul3A_2, %add3A_77 : i32
    %get3A_79 = arith.index_cast %add3A_78 : i32 to index
    %get3A_80 = tpu.vector_load %arg17[%get3A_79] {strides = array<i32>} : memref<4096xf32, #tpu.memory_space<vmem>>, vector<16xf32>,
    %eq3A_81 = arith.constant 1.000000e+00 : f32
    %eq3A_82 = vector.broadcast %eq3A_81 : f32 to vector<16xf32>
    %eq3A_83 = arith.cmpf oeq, %get3A_80, %eq3A_82 : vector<16xf32>
    %convert_element_type3A_84 = arith.extui %eq3A_83 : vector<16xi1> to vector<16xi32>
    %broadcast_in_dim3A_85 = arith.constant true
    %broadcast_in_dim3A_86 = vector.broadcast %broadcast_in_dim3A_85 : i1 to vector<16xi1>
    %masked_cumsum3A_87 = tpu.scan <sum>, %convert_element_type3A_84 masked %broadcast_in_dim3A_86 : vector<16xi32>, vector<16xi1> -> vector<16xi32>
    %add3A_88 = arith.constant 4096 : i32
    %add3A_89 = arith.addi %add3A_88, %mul3A_2 : i32
    %add3A_90 = arith.constant 16 : i32
    %add3A_91 = arith.addi %add3A_89, %add3A_90 : i32
    %add3A_92 = arith.addi %convert_element_type3A, %add3A_72 : i32
    %add3A_93 = vector.broadcast %add3A_92 : i32 to vector<16xi32>
    %add3A_94 = arith.addi %add3A_93, %masked_cumsum3A_87 : vector<16xi32>
    %sub3A_95 = arith.constant 1 : i32
    %sub3A_96 = vector.broadcast %sub3A_95 : i32 to vector<16xi32>
    %sub3A_97 = arith.subi %add3A_94, %sub3A_96 : vector<16xi32>
    %add3A_98 = vector.broadcast %add3A_91 : i32 to vector<16xi32>
    %add3A_99 = arith.addi %add3A_98, %iota3A : vector<16xi32>
    %select_n3A_100 = arith.select %eq3A_83, %sub3A_97, %add3A_99 : vector<16xi1>, vector<16xi32>
    %add3A_101 = vector.broadcast %add3A_91 : i32 to vector<16xi32>
    %add3A_102 = arith.addi %add3A_101, %iota3A : vector<16xi32>
    %add3A_103 = arith.addi %sub3A, %add3A_76 : i32
    %add3A_104 = arith.constant 1 : i32
    %add3A_105 = vector.broadcast %add3A_104 : i32 to vector<16xi32>
    %add3A_106 = arith.addi %iota3A, %add3A_105 : vector<16xi32>
    %sub3A_107 = arith.subi %add3A_106, %masked_cumsum3A_87 : vector<16xi32>
    %add3A_108 = vector.broadcast %add3A_103 : i32 to vector<16xi32>
    %add3A_109 = arith.addi %add3A_108, %sub3A_107 : vector<16xi32>
    %sub3A_110 = arith.constant 1 : i32
    %sub3A_111 = vector.broadcast %sub3A_110 : i32 to vector<16xi32>
    %sub3A_112 = arith.subi %add3A_109, %sub3A_111 : vector<16xi32>
    %select_n3A_113 = arith.select %eq3A_83, %add3A_102, %sub3A_112 : vector<16xi1>, vector<16xi32>
    %swap3A_114 = arith.constant 16 : index
    %swap3A_115 = tpu.vector_load %arg23[%swap3A_114] {strides = array<i32>} : memref<128xi32, #tpu.memory_space<vmem>>, vector<16xi32>,
    tpu.vector_store %arg23[%swap3A_114], %select_n3A_100 {strides = array<i32>} : memref<128xi32, #tpu.memory_space<vmem>>, vector<16xi32>,
    %swap3A_116 = arith.constant 16 : index
    %swap3A_117 = tpu.vector_load %arg24[%swap3A_116] {strides = array<i32>} : memref<128xi32, #tpu.memory_space<vmem>>, vector<16xi32>,
    tpu.vector_store %arg24[%swap3A_116], %select_n3A_113 {strides = array<i32>} : memref<128xi32, #tpu.memory_space<vmem>>, vector<16xi32>,
    %reduce_sum3A_118 = arith.constant true
    %reduce_sum3A_119 = vector.broadcast %reduce_sum3A_118 : i1 to vector<16xi1>
    %reduce_sum3A_120 = tpu.scan <sum>, %convert_element_type3A_84 masked %reduce_sum3A_119 : vector<16xi32>, vector<16xi1> -> vector<16xi32>
    %reduce_sum3A_121 = vector.extract %reduce_sum3A_120[15] : i32 from vector<16xi32>
    %add3A_122 = arith.addi %add3A_72, %reduce_sum3A_121 : i32
    %sub3A_123 = arith.constant 16 : i32
    %sub3A_124 = arith.subi %sub3A_123, %reduce_sum3A_121 : i32
    %add3A_125 = arith.addi %add3A_76, %sub3A_124 : i32
    %add3A_126 = arith.constant 32 : i32
    %add3A_127 = arith.addi %mul3A_2, %add3A_126 : i32
    %get3A_128 = arith.index_cast %add3A_127 : i32 to index
    %get3A_129 = tpu.vector_load %arg17[%get3A_128] {strides = array<i32>} : memref<4096xf32, #tpu.memory_space<vmem>>, vector<16xf32>,
    %eq3A_130 = arith.constant 1.000000e+00 : f32
    %eq3A_131 = vector.broadcast %eq3A_130 : f32 to vector<16xf32>
    %eq3A_132 = arith.cmpf oeq, %get3A_129, %eq3A_131 : vector<16xf32>
    %convert_element_type3A_133 = arith.extui %eq3A_132 : vector<16xi1> to vector<16xi32>
    %broadcast_in_dim3A_134 = arith.constant true
    %broadcast_in_dim3A_135 = vector.broadcast %broadcast_in_dim3A_134 : i1 to vector<16xi1>
    %masked_cumsum3A_136 = tpu.scan <sum>, %convert_element_type3A_133 masked %broadcast_in_dim3A_135 : vector<16xi32>, vector<16xi1> -> vector<16xi32>
    %add3A_137 = arith.constant 4096 : i32
    %add3A_138 = arith.addi %add3A_137, %mul3A_2 : i32
    %add3A_139 = arith.constant 32 : i32
    %add3A_140 = arith.addi %add3A_138, %add3A_139 : i32
    %add3A_141 = arith.addi %convert_element_type3A, %add3A_122 : i32
    %add3A_142 = vector.broadcast %add3A_141 : i32 to vector<16xi32>
    %add3A_143 = arith.addi %add3A_142, %masked_cumsum3A_136 : vector<16xi32>
    %sub3A_144 = arith.constant 1 : i32
    %sub3A_145 = vector.broadcast %sub3A_144 : i32 to vector<16xi32>
    %sub3A_146 = arith.subi %add3A_143, %sub3A_145 : vector<16xi32>
    %add3A_147 = vector.broadcast %add3A_140 : i32 to vector<16xi32>
    %add3A_148 = arith.addi %add3A_147, %iota3A : vector<16xi32>
    %select_n3A_149 = arith.select %eq3A_132, %sub3A_146, %add3A_148 : vector<16xi1>, vector<16xi32>
    %add3A_150 = vector.broadcast %add3A_140 : i32 to vector<16xi32>
    %add3A_151 = arith.addi %add3A_150, %iota3A : vector<16xi32>
    %add3A_152 = arith.addi %sub3A, %add3A_125 : i32
    %add3A_153 = arith.constant 1 : i32
    %add3A_154 = vector.broadcast %add3A_153 : i32 to vector<16xi32>
    %add3A_155 = arith.addi %iota3A, %add3A_154 : vector<16xi32>
    %sub3A_156 = arith.subi %add3A_155, %masked_cumsum3A_136 : vector<16xi32>
    %add3A_157 = vector.broadcast %add3A_152 : i32 to vector<16xi32>
    %add3A_158 = arith.addi %add3A_157, %sub3A_156 : vector<16xi32>
    %sub3A_159 = arith.constant 1 : i32
    %sub3A_160 = vector.broadcast %sub3A_159 : i32 to vector<16xi32>
    %sub3A_161 = arith.subi %add3A_158, %sub3A_160 : vector<16xi32>
    %select_n3A_162 = arith.select %eq3A_132, %add3A_151, %sub3A_161 : vector<16xi1>, vector<16xi32>
    %swap3A_163 = arith.constant 32 : index
    %swap3A_164 = tpu.vector_load %arg23[%swap3A_163] {strides = array<i32>} : memref<128xi32, #tpu.memory_space<vmem>>, vector<16xi32>,
    tpu.vector_store %arg23[%swap3A_163], %select_n3A_149 {strides = array<i32>} : memref<128xi32, #tpu.memory_space<vmem>>, vector<16xi32>,
    %swap3A_165 = arith.constant 32 : index
    %swap3A_166 = tpu.vector_load %arg24[%swap3A_165] {strides = array<i32>} : memref<128xi32, #tpu.memory_space<vmem>>, vector<16xi32>,
    tpu.vector_store %arg24[%swap3A_165], %select_n3A_162 {strides = array<i32>} : memref<128xi32, #tpu.memory_space<vmem>>, vector<16xi32>,
    %reduce_sum3A_167 = arith.constant true
    %reduce_sum3A_168 = vector.broadcast %reduce_sum3A_167 : i1 to vector<16xi1>
    %reduce_sum3A_169 = tpu.scan <sum>, %convert_element_type3A_133 masked %reduce_sum3A_168 : vector<16xi32>, vector<16xi1> -> vector<16xi32>
    %reduce_sum3A_170 = vector.extract %reduce_sum3A_169[15] : i32 from vector<16xi32>
    %add3A_171 = arith.addi %add3A_122, %reduce_sum3A_170 : i32
    %sub3A_172 = arith.constant 16 : i32
    %sub3A_173 = arith.subi %sub3A_172, %reduce_sum3A_170 : i32
    %add3A_174 = arith.addi %add3A_125, %sub3A_173 : i32
    %add3A_175 = arith.constant 48 : i32
    %add3A_176 = arith.addi %mul3A_2, %add3A_175 : i32
    %get3A_177 = arith.index_cast %add3A_176 : i32 to index
    %get3A_178 = tpu.vector_load %arg17[%get3A_177] {strides = array<i32>} : memref<4096xf32, #tpu.memory_space<vmem>>, vector<16xf32>,
    %eq3A_179 = arith.constant 1.000000e+00 : f32
    %eq3A_180 = vector.broadcast %eq3A_179 : f32 to vector<16xf32>
    %eq3A_181 = arith.cmpf oeq, %get3A_178, %eq3A_180 : vector<16xf32>
    %convert_element_type3A_182 = arith.extui %eq3A_181 : vector<16xi1> to vector<16xi32>
    %broadcast_in_dim3A_183 = arith.constant true
    %broadcast_in_dim3A_184 = vector.broadcast %broadcast_in_dim3A_183 : i1 to vector<16xi1>
    %masked_cumsum3A_185 = tpu.scan <sum>, %convert_element_type3A_182 masked %broadcast_in_dim3A_184 : vector<16xi32>, vector<16xi1> -> vector<16xi32>
    %add3A_186 = arith.constant 4096 : i32
    %add3A_187 = arith.addi %add3A_186, %mul3A_2 : i32
    %add3A_188 = arith.constant 48 : i32
    %add3A_189 = arith.addi %add3A_187, %add3A_188 : i32
    %add3A_190 = arith.addi %convert_element_type3A, %add3A_171 : i32
    %add3A_191 = vector.broadcast %add3A_190 : i32 to vector<16xi32>
    %add3A_192 = arith.addi %add3A_191, %masked_cumsum3A_185 : vector<16xi32>
    %sub3A_193 = arith.constant 1 : i32
    %sub3A_194 = vector.broadcast %sub3A_193 : i32 to vector<16xi32>
    %sub3A_195 = arith.subi %add3A_192, %sub3A_194 : vector<16xi32>
    %add3A_196 = vector.broadcast %add3A_189 : i32 to vector<16xi32>
    %add3A_197 = arith.addi %add3A_196, %iota3A : vector<16xi32>
    %select_n3A_198 = arith.select %eq3A_181, %sub3A_195, %add3A_197 : vector<16xi1>, vector<16xi32>
    %add3A_199 = vector.broadcast %add3A_189 : i32 to vector<16xi32>
    %add3A_200 = arith.addi %add3A_199, %iota3A : vector<16xi32>
    %add3A_201 = arith.addi %sub3A, %add3A_174 : i32
    %add3A_202 = arith.constant 1 : i32
    %add3A_203 = vector.broadcast %add3A_202 : i32 to vector<16xi32>
    %add3A_204 = arith.addi %iota3A, %add3A_203 : vector<16xi32>
    %sub3A_205 = arith.subi %add3A_204, %masked_cumsum3A_185 : vector<16xi32>
    %add3A_206 = vector.broadcast %add3A_201 : i32 to vector<16xi32>
    %add3A_207 = arith.addi %add3A_206, %sub3A_205 : vector<16xi32>
    %sub3A_208 = arith.constant 1 : i32
    %sub3A_209 = vector.broadcast %sub3A_208 : i32 to vector<16xi32>
    %sub3A_210 = arith.subi %add3A_207, %sub3A_209 : vector<16xi32>
    %select_n3A_211 = arith.select %eq3A_181, %add3A_200, %sub3A_210 : vector<16xi1>, vector<16xi32>
    %swap3A_212 = arith.constant 48 : index
    %swap3A_213 = tpu.vector_load %arg23[%swap3A_212] {strides = array<i32>} : memref<128xi32, #tpu.memory_space<vmem>>, vector<16xi32>,
    tpu.vector_store %arg23[%swap3A_212], %select_n3A_198 {strides = array<i32>} : memref<128xi32, #tpu.memory_space<vmem>>, vector<16xi32>,
    %swap3A_214 = arith.constant 48 : index
    %swap3A_215 = tpu.vector_load %arg24[%swap3A_214] {strides = array<i32>} : memref<128xi32, #tpu.memory_space<vmem>>, vector<16xi32>,
    tpu.vector_store %arg24[%swap3A_214], %select_n3A_211 {strides = array<i32>} : memref<128xi32, #tpu.memory_space<vmem>>, vector<16xi32>,
    %reduce_sum3A_216 = arith.constant true
    %reduce_sum3A_217 = vector.broadcast %reduce_sum3A_216 : i1 to vector<16xi1>
    %reduce_sum3A_218 = tpu.scan <sum>, %convert_element_type3A_182 masked %reduce_sum3A_217 : vector<16xi32>, vector<16xi1> -> vector<16xi32>
    %reduce_sum3A_219 = vector.extract %reduce_sum3A_218[15] : i32 from vector<16xi32>
    %add3A_220 = arith.addi %add3A_171, %reduce_sum3A_219 : i32
    %sub3A_221 = arith.constant 16 : i32
    %sub3A_222 = arith.subi %sub3A_221, %reduce_sum3A_219 : i32
    %add3A_223 = arith.addi %add3A_174, %sub3A_222 : i32
    %add3A_224 = arith.constant 64 : i32
    %add3A_225 = arith.addi %mul3A_2, %add3A_224 : i32
    %get3A_226 = arith.index_cast %add3A_225 : i32 to index
    %get3A_227 = tpu.vector_load %arg17[%get3A_226] {strides = array<i32>} : memref<4096xf32, #tpu.memory_space<vmem>>, vector<16xf32>,
    %eq3A_228 = arith.constant 1.000000e+00 : f32
    %eq3A_229 = vector.broadcast %eq3A_228 : f32 to vector<16xf32>
    %eq3A_230 = arith.cmpf oeq, %get3A_227, %eq3A_229 : vector<16xf32>
    %convert_element_type3A_231 = arith.extui %eq3A_230 : vector<16xi1> to vector<16xi32>
    %broadcast_in_dim3A_232 = arith.constant true
    %broadcast_in_dim3A_233 = vector.broadcast %broadcast_in_dim3A_232 : i1 to vector<16xi1>
    %masked_cumsum3A_234 = tpu.scan <sum>, %convert_element_type3A_231 masked %broadcast_in_dim3A_233 : vector<16xi32>, vector<16xi1> -> vector<16xi32>
    %add3A_235 = arith.constant 4096 : i32
    %add3A_236 = arith.addi %add3A_235, %mul3A_2 : i32
    %add3A_237 = arith.constant 64 : i32
    %add3A_238 = arith.addi %add3A_236, %add3A_237 : i32
    %add3A_239 = arith.addi %convert_element_type3A, %add3A_220 : i32
    %add3A_240 = vector.broadcast %add3A_239 : i32 to vector<16xi32>
    %add3A_241 = arith.addi %add3A_240, %masked_cumsum3A_234 : vector<16xi32>
    %sub3A_242 = arith.constant 1 : i32
    %sub3A_243 = vector.broadcast %sub3A_242 : i32 to vector<16xi32>
    %sub3A_244 = arith.subi %add3A_241, %sub3A_243 : vector<16xi32>
    %add3A_245 = vector.broadcast %add3A_238 : i32 to vector<16xi32>
    %add3A_246 = arith.addi %add3A_245, %iota3A : vector<16xi32>
    %select_n3A_247 = arith.select %eq3A_230, %sub3A_244, %add3A_246 : vector<16xi1>, vector<16xi32>
    %add3A_248 = vector.broadcast %add3A_238 : i32 to vector<16xi32>
    %add3A_249 = arith.addi %add3A_248, %iota3A : vector<16xi32>
    %add3A_250 = arith.addi %sub3A, %add3A_223 : i32
    %add3A_251 = arith.constant 1 : i32
    %add3A_252 = vector.broadcast %add3A_251 : i32 to vector<16xi32>
    %add3A_253 = arith.addi %iota3A, %add3A_252 : vector<16xi32>
    %sub3A_254 = arith.subi %add3A_253, %masked_cumsum3A_234 : vector<16xi32>
    %add3A_255 = vector.broadcast %add3A_250 : i32 to vector<16xi32>
    %add3A_256 = arith.addi %add3A_255, %sub3A_254 : vector<16xi32>
    %sub3A_257 = arith.constant 1 : i32
    %sub3A_258 = vector.broadcast %sub3A_257 : i32 to vector<16xi32>
    %sub3A_259 = arith.subi %add3A_256, %sub3A_258 : vector<16xi32>
    %select_n3A_260 = arith.select %eq3A_230, %add3A_249, %sub3A_259 : vector<16xi1>, vector<16xi32>
    %swap3A_261 = arith.constant 64 : index
    %swap3A_262 = tpu.vector_load %arg23[%swap3A_261] {strides = array<i32>} : memref<128xi32, #tpu.memory_space<vmem>>, vector<16xi32>,
    tpu.vector_store %arg23[%swap3A_261], %select_n3A_247 {strides = array<i32>} : memref<128xi32, #tpu.memory_space<vmem>>, vector<16xi32>,
    %swap3A_263 = arith.constant 64 : index
    %swap3A_264 = tpu.vector_load %arg24[%swap3A_263] {strides = array<i32>} : memref<128xi32, #tpu.memory_space<vmem>>, vector<16xi32>,
    tpu.vector_store %arg24[%swap3A_263], %select_n3A_260 {strides = array<i32>} : memref<128xi32, #tpu.memory_space<vmem>>, vector<16xi32>,
    %reduce_sum3A_265 = arith.constant true
    %reduce_sum3A_266 = vector.broadcast %reduce_sum3A_265 : i1 to vector<16xi1>
    %reduce_sum3A_267 = tpu.scan <sum>, %convert_element_type3A_231 masked %reduce_sum3A_266 : vector<16xi32>, vector<16xi1> -> vector<16xi32>
    %reduce_sum3A_268 = vector.extract %reduce_sum3A_267[15] : i32 from vector<16xi32>
    %add3A_269 = arith.addi %add3A_220, %reduce_sum3A_268 : i32
    %sub3A_270 = arith.constant 16 : i32
    %sub3A_271 = arith.subi %sub3A_270, %reduce_sum3A_268 : i32
    %add3A_272 = arith.addi %add3A_223, %sub3A_271 : i32
    %add3A_273 = arith.constant 80 : i32
    %add3A_274 = arith.addi %mul3A_2, %add3A_273 : i32
    %get3A_275 = arith.index_cast %add3A_274 : i32 to index
    %get3A_276 = tpu.vector_load %arg17[%get3A_275] {strides = array<i32>} : memref<4096xf32, #tpu.memory_space<vmem>>, vector<16xf32>,
    %eq3A_277 = arith.constant 1.000000e+00 : f32
    %eq3A_278 = vector.broadcast %eq3A_277 : f32 to vector<16xf32>
    %eq3A_279 = arith.cmpf oeq, %get3A_276, %eq3A_278 : vector<16xf32>
    %convert_element_type3A_280 = arith.extui %eq3A_279 : vector<16xi1> to vector<16xi32>
    %broadcast_in_dim3A_281 = arith.constant true
    %broadcast_in_dim3A_282 = vector.broadcast %broadcast_in_dim3A_281 : i1 to vector<16xi1>
    %masked_cumsum3A_283 = tpu.scan <sum>, %convert_element_type3A_280 masked %broadcast_in_dim3A_282 : vector<16xi32>, vector<16xi1> -> vector<16xi32>
    %add3A_284 = arith.constant 4096 : i32
    %add3A_285 = arith.addi %add3A_284, %mul3A_2 : i32
    %add3A_286 = arith.constant 80 : i32
    %add3A_287 = arith.addi %add3A_285, %add3A_286 : i32
    %add3A_288 = arith.addi %convert_element_type3A, %add3A_269 : i32
    %add3A_289 = vector.broadcast %add3A_288 : i32 to vector<16xi32>
    %add3A_290 = arith.addi %add3A_289, %masked_cumsum3A_283 : vector<16xi32>
    %sub3A_291 = arith.constant 1 : i32
    %sub3A_292 = vector.broadcast %sub3A_291 : i32 to vector<16xi32>
    %sub3A_293 = arith.subi %add3A_290, %sub3A_292 : vector<16xi32>
    %add3A_294 = vector.broadcast %add3A_287 : i32 to vector<16xi32>
    %add3A_295 = arith.addi %add3A_294, %iota3A : vector<16xi32>
    %select_n3A_296 = arith.select %eq3A_279, %sub3A_293, %add3A_295 : vector<16xi1>, vector<16xi32>
    %add3A_297 = vector.broadcast %add3A_287 : i32 to vector<16xi32>
    %add3A_298 = arith.addi %add3A_297, %iota3A : vector<16xi32>
    %add3A_299 = arith.addi %sub3A, %add3A_272 : i32
    %add3A_300 = arith.constant 1 : i32
    %add3A_301 = vector.broadcast %add3A_300 : i32 to vector<16xi32>
    %add3A_302 = arith.addi %iota3A, %add3A_301 : vector<16xi32>
    %sub3A_303 = arith.subi %add3A_302, %masked_cumsum3A_283 : vector<16xi32>
    %add3A_304 = vector.broadcast %add3A_299 : i32 to vector<16xi32>
    %add3A_305 = arith.addi %add3A_304, %sub3A_303 : vector<16xi32>
    %sub3A_306 = arith.constant 1 : i32
    %sub3A_307 = vector.broadcast %sub3A_306 : i32 to vector<16xi32>
    %sub3A_308 = arith.subi %add3A_305, %sub3A_307 : vector<16xi32>
    %select_n3A_309 = arith.select %eq3A_279, %add3A_298, %sub3A_308 : vector<16xi1>, vector<16xi32>
    %swap3A_310 = arith.constant 80 : index
    %swap3A_311 = tpu.vector_load %arg23[%swap3A_310] {strides = array<i32>} : memref<128xi32, #tpu.memory_space<vmem>>, vector<16xi32>,
    tpu.vector_store %arg23[%swap3A_310], %select_n3A_296 {strides = array<i32>} : memref<128xi32, #tpu.memory_space<vmem>>, vector<16xi32>,
    %swap3A_312 = arith.constant 80 : index
    %swap3A_313 = tpu.vector_load %arg24[%swap3A_312] {strides = array<i32>} : memref<128xi32, #tpu.memory_space<vmem>>, vector<16xi32>,
    tpu.vector_store %arg24[%swap3A_312], %select_n3A_309 {strides = array<i32>} : memref<128xi32, #tpu.memory_space<vmem>>, vector<16xi32>,
    %reduce_sum3A_314 = arith.constant true
    %reduce_sum3A_315 = vector.broadcast %reduce_sum3A_314 : i1 to vector<16xi1>
    %reduce_sum3A_316 = tpu.scan <sum>, %convert_element_type3A_280 masked %reduce_sum3A_315 : vector<16xi32>, vector<16xi1> -> vector<16xi32>
    %reduce_sum3A_317 = vector.extract %reduce_sum3A_316[15] : i32 from vector<16xi32>
    %add3A_318 = arith.addi %add3A_269, %reduce_sum3A_317 : i32
    %sub3A_319 = arith.constant 16 : i32
    %sub3A_320 = arith.subi %sub3A_319, %reduce_sum3A_317 : i32
    %add3A_321 = arith.addi %add3A_272, %sub3A_320 : i32
    %add3A_322 = arith.constant 96 : i32
    %add3A_323 = arith.addi %mul3A_2, %add3A_322 : i32
    %get3A_324 = arith.index_cast %add3A_323 : i32 to index
    %get3A_325 = tpu.vector_load %arg17[%get3A_324] {strides = array<i32>} : memref<4096xf32, #tpu.memory_space<vmem>>, vector<16xf32>,
    %eq3A_326 = arith.constant 1.000000e+00 : f32
    %eq3A_327 = vector.broadcast %eq3A_326 : f32 to vector<16xf32>
    %eq3A_328 = arith.cmpf oeq, %get3A_325, %eq3A_327 : vector<16xf32>
    %convert_element_type3A_329 = arith.extui %eq3A_328 : vector<16xi1> to vector<16xi32>
    %broadcast_in_dim3A_330 = arith.constant true
    %broadcast_in_dim3A_331 = vector.broadcast %broadcast_in_dim3A_330 : i1 to vector<16xi1>
    %masked_cumsum3A_332 = tpu.scan <sum>, %convert_element_type3A_329 masked %broadcast_in_dim3A_331 : vector<16xi32>, vector<16xi1> -> vector<16xi32>
    %add3A_333 = arith.constant 4096 : i32
    %add3A_334 = arith.addi %add3A_333, %mul3A_2 : i32
    %add3A_335 = arith.constant 96 : i32
    %add3A_336 = arith.addi %add3A_334, %add3A_335 : i32
    %add3A_337 = arith.addi %convert_element_type3A, %add3A_318 : i32
    %add3A_338 = vector.broadcast %add3A_337 : i32 to vector<16xi32>
    %add3A_339 = arith.addi %add3A_338, %masked_cumsum3A_332 : vector<16xi32>
    %sub3A_340 = arith.constant 1 : i32
    %sub3A_341 = vector.broadcast %sub3A_340 : i32 to vector<16xi32>
    %sub3A_342 = arith.subi %add3A_339, %sub3A_341 : vector<16xi32>
    %add3A_343 = vector.broadcast %add3A_336 : i32 to vector<16xi32>
    %add3A_344 = arith.addi %add3A_343, %iota3A : vector<16xi32>
    %select_n3A_345 = arith.select %eq3A_328, %sub3A_342, %add3A_344 : vector<16xi1>, vector<16xi32>
    %add3A_346 = vector.broadcast %add3A_336 : i32 to vector<16xi32>
    %add3A_347 = arith.addi %add3A_346, %iota3A : vector<16xi32>
    %add3A_348 = arith.addi %sub3A, %add3A_321 : i32
    %add3A_349 = arith.constant 1 : i32
    %add3A_350 = vector.broadcast %add3A_349 : i32 to vector<16xi32>
    %add3A_351 = arith.addi %iota3A, %add3A_350 : vector<16xi32>
    %sub3A_352 = arith.subi %add3A_351, %masked_cumsum3A_332 : vector<16xi32>
    %add3A_353 = vector.broadcast %add3A_348 : i32 to vector<16xi32>
    %add3A_354 = arith.addi %add3A_353, %sub3A_352 : vector<16xi32>
    %sub3A_355 = arith.constant 1 : i32
    %sub3A_356 = vector.broadcast %sub3A_355 : i32 to vector<16xi32>
    %sub3A_357 = arith.subi %add3A_354, %sub3A_356 : vector<16xi32>
    %select_n3A_358 = arith.select %eq3A_328, %add3A_347, %sub3A_357 : vector<16xi1>, vector<16xi32>
    %swap3A_359 = arith.constant 96 : index
    %swap3A_360 = tpu.vector_load %arg23[%swap3A_359] {strides = array<i32>} : memref<128xi32, #tpu.memory_space<vmem>>, vector<16xi32>,
    tpu.vector_store %arg23[%swap3A_359], %select_n3A_345 {strides = array<i32>} : memref<128xi32, #tpu.memory_space<vmem>>, vector<16xi32>,
    %swap3A_361 = arith.constant 96 : index
    %swap3A_362 = tpu.vector_load %arg24[%swap3A_361] {strides = array<i32>} : memref<128xi32, #tpu.memory_space<vmem>>, vector<16xi32>,
    tpu.vector_store %arg24[%swap3A_361], %select_n3A_358 {strides = array<i32>} : memref<128xi32, #tpu.memory_space<vmem>>, vector<16xi32>,
    %reduce_sum3A_363 = arith.constant true
    %reduce_sum3A_364 = vector.broadcast %reduce_sum3A_363 : i1 to vector<16xi1>
    %reduce_sum3A_365 = tpu.scan <sum>, %convert_element_type3A_329 masked %reduce_sum3A_364 : vector<16xi32>, vector<16xi1> -> vector<16xi32>
    %reduce_sum3A_366 = vector.extract %reduce_sum3A_365[15] : i32 from vector<16xi32>
    %add3A_367 = arith.addi %add3A_318, %reduce_sum3A_366 : i32
    %sub3A_368 = arith.constant 16 : i32
    %sub3A_369 = arith.subi %sub3A_368, %reduce_sum3A_366 : i32
    %add3A_370 = arith.addi %add3A_321, %sub3A_369 : i32
    %add3A_371 = arith.constant 112 : i32
    %add3A_372 = arith.addi %mul3A_2, %add3A_371 : i32
    %get3A_373 = arith.index_cast %add3A_372 : i32 to index
    %get3A_374 = tpu.vector_load %arg17[%get3A_373] {strides = array<i32>} : memref<4096xf32, #tpu.memory_space<vmem>>, vector<16xf32>,
    %eq3A_375 = arith.constant 1.000000e+00 : f32
    %eq3A_376 = vector.broadcast %eq3A_375 : f32 to vector<16xf32>
    %eq3A_377 = arith.cmpf oeq, %get3A_374, %eq3A_376 : vector<16xf32>
    %convert_element_type3A_378 = arith.extui %eq3A_377 : vector<16xi1> to vector<16xi32>
    %broadcast_in_dim3A_379 = arith.constant true
    %broadcast_in_dim3A_380 = vector.broadcast %broadcast_in_dim3A_379 : i1 to vector<16xi1>
    %masked_cumsum3A_381 = tpu.scan <sum>, %convert_element_type3A_378 masked %broadcast_in_dim3A_380 : vector<16xi32>, vector<16xi1> -> vector<16xi32>
    %add3A_382 = arith.constant 4096 : i32
    %add3A_383 = arith.addi %add3A_382, %mul3A_2 : i32
    %add3A_384 = arith.constant 112 : i32
    %add3A_385 = arith.addi %add3A_383, %add3A_384 : i32
    %add3A_386 = arith.addi %convert_element_type3A, %add3A_367 : i32
    %add3A_387 = vector.broadcast %add3A_386 : i32 to vector<16xi32>
    %add3A_388 = arith.addi %add3A_387, %masked_cumsum3A_381 : vector<16xi32>
    %sub3A_389 = arith.constant 1 : i32
    %sub3A_390 = vector.broadcast %sub3A_389 : i32 to vector<16xi32>
    %sub3A_391 = arith.subi %add3A_388, %sub3A_390 : vector<16xi32>
    %add3A_392 = vector.broadcast %add3A_385 : i32 to vector<16xi32>
    %add3A_393 = arith.addi %add3A_392, %iota3A : vector<16xi32>
    %select_n3A_394 = arith.select %eq3A_377, %sub3A_391, %add3A_393 : vector<16xi1>, vector<16xi32>
    %add3A_395 = vector.broadcast %add3A_385 : i32 to vector<16xi32>
    %add3A_396 = arith.addi %add3A_395, %iota3A : vector<16xi32>
    %add3A_397 = arith.addi %sub3A, %add3A_370 : i32
    %add3A_398 = arith.constant 1 : i32
    %add3A_399 = vector.broadcast %add3A_398 : i32 to vector<16xi32>
    %add3A_400 = arith.addi %iota3A, %add3A_399 : vector<16xi32>
    %sub3A_401 = arith.subi %add3A_400, %masked_cumsum3A_381 : vector<16xi32>
    %add3A_402 = vector.broadcast %add3A_397 : i32 to vector<16xi32>
    %add3A_403 = arith.addi %add3A_402, %sub3A_401 : vector<16xi32>
    %sub3A_404 = arith.constant 1 : i32
    %sub3A_405 = vector.broadcast %sub3A_404 : i32 to vector<16xi32>
    %sub3A_406 = arith.subi %add3A_403, %sub3A_405 : vector<16xi32>
    %select_n3A_407 = arith.select %eq3A_377, %add3A_396, %sub3A_406 : vector<16xi1>, vector<16xi32>
    %swap3A_408 = arith.constant 112 : index
    %swap3A_409 = tpu.vector_load %arg23[%swap3A_408] {strides = array<i32>} : memref<128xi32, #tpu.memory_space<vmem>>, vector<16xi32>,
    tpu.vector_store %arg23[%swap3A_408], %select_n3A_394 {strides = array<i32>} : memref<128xi32, #tpu.memory_space<vmem>>, vector<16xi32>,
    %swap3A_410 = arith.constant 112 : index
    %swap3A_411 = tpu.vector_load %arg24[%swap3A_410] {strides = array<i32>} : memref<128xi32, #tpu.memory_space<vmem>>, vector<16xi32>,
    tpu.vector_store %arg24[%swap3A_410], %select_n3A_407 {strides = array<i32>} : memref<128xi32, #tpu.memory_space<vmem>>, vector<16xi32>,
    %reduce_sum3A_412 = arith.constant true
    %reduce_sum3A_413 = vector.broadcast %reduce_sum3A_412 : i1 to vector<16xi1>
    %reduce_sum3A_414 = tpu.scan <sum>, %convert_element_type3A_378 masked %reduce_sum3A_413 : vector<16xi32>, vector<16xi1> -> vector<16xi32>
    %reduce_sum3A_415 = vector.extract %reduce_sum3A_414[15] : i32 from vector<16xi32>
    %add3A_416 = arith.addi %add3A_367, %reduce_sum3A_415 : i32
    %sub3A_417 = arith.constant 16 : i32
    %sub3A_418 = arith.subi %sub3A_417, %reduce_sum3A_415 : i32
    %add3A_419 = arith.addi %add3A_370, %sub3A_418 : i32
    %dma_wait3A_420 = tpu.memref_slice %arg3[%mul3A_2] : memref<4096xf32, #tpu.memory_space<hbm>> -> memref<128xf32, #tpu.memory_space<hbm>>
    %dma_wait3A_421 = tpu.memref_slice %arg3[%mul3A_2] : memref<4096xf32, #tpu.memory_space<hbm>> -> memref<128xf32, #tpu.memory_space<hbm>>
    tpu.wait_dma2 semaphore(%arg30 : memref<!tpu.dma_semaphore, #tpu.memory_space<semaphore_mem>>) src(%dma_wait3A_421 : memref<128xf32, #tpu.memory_space<hbm>>) dst(%arg18 : memref<128xf32, #tpu.memory_space<vmem>>)
    %dma_wait3A_422 = tpu.memref_slice %arg4[%mul3A_2] : memref<4096xf32, #tpu.memory_space<hbm>> -> memref<128xf32, #tpu.memory_space<hbm>>
    %dma_wait3A_423 = tpu.memref_slice %arg4[%mul3A_2] : memref<4096xf32, #tpu.memory_space<hbm>> -> memref<128xf32, #tpu.memory_space<hbm>>
    tpu.wait_dma2 semaphore(%arg30 : memref<!tpu.dma_semaphore, #tpu.memory_space<semaphore_mem>>) src(%dma_wait3A_423 : memref<128xf32, #tpu.memory_space<hbm>>) dst(%arg19 : memref<128xf32, #tpu.memory_space<vmem>>)
    %dma_wait3A_424 = tpu.memref_slice %arg5[%mul3A_2] : memref<4096xi32, #tpu.memory_space<hbm>> -> memref<128xi32, #tpu.memory_space<hbm>>
    %dma_wait3A_425 = tpu.memref_slice %arg5[%mul3A_2] : memref<4096xi32, #tpu.memory_space<hbm>> -> memref<128xi32, #tpu.memory_space<hbm>>
    tpu.wait_dma2 semaphore(%arg30 : memref<!tpu.dma_semaphore, #tpu.memory_space<semaphore_mem>>) src(%dma_wait3A_425 : memref<128xi32, #tpu.memory_space<hbm>>) dst(%arg20 : memref<128xi32, #tpu.memory_space<vmem>>)
    %dma_wait3A_426 = arith.constant 0 : i32
    %dma_wait3A_427 = tpu.memref_slice %arg7[%dma_wait3A_426] : memref<100352xf32, #tpu.memory_space<hbm>> -> memref<100352xf32, #tpu.memory_space<hbm>>
    tpu.wait_indirect_dma semaphore(%arg30 : memref<!tpu.dma_semaphore, #tpu.memory_space<semaphore_mem>>) src(%dma_wait3A_427 : memref<100352xf32, #tpu.memory_space<hbm>>) dst(%arg22 : memref<128xf32, #tpu.memory_space<vmem>>)
    %dma_start3A_428 = arith.constant 0 : i32
    %dma_start3A_429 = tpu.memref_slice %arg26[%dma_start3A_428] : memref<8192xf32, #tpu.memory_space<vmem_shared>> -> memref<8192xf32, #tpu.memory_space<vmem_shared>>
    tpu.enqueue_indirect_dma source(%arg18 : memref<128xf32, #tpu.memory_space<vmem>>) target(%dma_start3A_429 : memref<8192xf32, #tpu.memory_space<vmem_shared>>) offsets(%arg23 : memref<128xi32, #tpu.memory_space<vmem>>) semaphore(%arg30 : memref<!tpu.dma_semaphore, #tpu.memory_space<semaphore_mem>>)
    %dma_start3A_430 = arith.constant 0 : i32
    %dma_start3A_431 = tpu.memref_slice %arg27[%dma_start3A_430] : memref<8192xf32, #tpu.memory_space<vmem_shared>> -> memref<8192xf32, #tpu.memory_space<vmem_shared>>
    tpu.enqueue_indirect_dma source(%arg22 : memref<128xf32, #tpu.memory_space<vmem>>) target(%dma_start3A_431 : memref<8192xf32, #tpu.memory_space<vmem_shared>>) offsets(%arg23 : memref<128xi32, #tpu.memory_space<vmem>>) semaphore(%arg30 : memref<!tpu.dma_semaphore, #tpu.memory_space<semaphore_mem>>)
    %dma_start3A_432 = arith.constant 0 : i32
    %dma_start3A_433 = tpu.memref_slice %arg28[%dma_start3A_432] : memref<8192xi32, #tpu.memory_space<vmem_shared>> -> memref<8192xi32, #tpu.memory_space<vmem_shared>>
    tpu.enqueue_indirect_dma source(%arg20 : memref<128xi32, #tpu.memory_space<vmem>>) target(%dma_start3A_433 : memref<8192xi32, #tpu.memory_space<vmem_shared>>) offsets(%arg23 : memref<128xi32, #tpu.memory_space<vmem>>) semaphore(%arg30 : memref<!tpu.dma_semaphore, #tpu.memory_space<semaphore_mem>>)
    %dma_start3A_434 = arith.constant 0 : i32
    %dma_start3A_435 = tpu.memref_slice %arg29[%dma_start3A_434] : memref<8192xf32, #tpu.memory_space<vmem_shared>> -> memref<8192xf32, #tpu.memory_space<vmem_shared>>
    tpu.enqueue_indirect_dma source(%arg19 : memref<128xf32, #tpu.memory_space<vmem>>) target(%dma_start3A_435 : memref<8192xf32, #tpu.memory_space<vmem_shared>>) offsets(%arg24 : memref<128xi32, #tpu.memory_space<vmem>>) semaphore(%arg30 : memref<!tpu.dma_semaphore, #tpu.memory_space<semaphore_mem>>)
    %dma_wait3A_436 = arith.constant 0 : i32
    %dma_wait3A_437 = tpu.memref_slice %arg26[%dma_wait3A_436] : memref<8192xf32, #tpu.memory_space<vmem_shared>> -> memref<8192xf32, #tpu.memory_space<vmem_shared>>
    tpu.wait_indirect_dma semaphore(%arg30 : memref<!tpu.dma_semaphore, #tpu.memory_space<semaphore_mem>>) src(%arg18 : memref<128xf32, #tpu.memory_space<vmem>>) dst(%dma_wait3A_437 : memref<8192xf32, #tpu.memory_space<vmem_shared>>)
    %dma_wait3A_438 = arith.constant 0 : i32
    %dma_wait3A_439 = tpu.memref_slice %arg27[%dma_wait3A_438] : memref<8192xf32, #tpu.memory_space<vmem_shared>> -> memref<8192xf32, #tpu.memory_space<vmem_shared>>
    tpu.wait_indirect_dma semaphore(%arg30 : memref<!tpu.dma_semaphore, #tpu.memory_space<semaphore_mem>>) src(%arg22 : memref<128xf32, #tpu.memory_space<vmem>>) dst(%dma_wait3A_439 : memref<8192xf32, #tpu.memory_space<vmem_shared>>)
    %dma_wait3A_440 = arith.constant 0 : i32
    %dma_wait3A_441 = tpu.memref_slice %arg28[%dma_wait3A_440] : memref<8192xi32, #tpu.memory_space<vmem_shared>> -> memref<8192xi32, #tpu.memory_space<vmem_shared>>
    tpu.wait_indirect_dma semaphore(%arg30 : memref<!tpu.dma_semaphore, #tpu.memory_space<semaphore_mem>>) src(%arg20 : memref<128xi32, #tpu.memory_space<vmem>>) dst(%dma_wait3A_441 : memref<8192xi32, #tpu.memory_space<vmem_shared>>)
    %dma_wait3A_442 = arith.constant 0 : i32
    %dma_wait3A_443 = tpu.memref_slice %arg29[%dma_wait3A_442] : memref<8192xf32, #tpu.memory_space<vmem_shared>> -> memref<8192xf32, #tpu.memory_space<vmem_shared>>
    tpu.wait_indirect_dma semaphore(%arg30 : memref<!tpu.dma_semaphore, #tpu.memory_space<semaphore_mem>>) src(%arg19 : memref<128xf32, #tpu.memory_space<vmem>>) dst(%dma_wait3A_443 : memref<8192xf32, #tpu.memory_space<vmem_shared>>)
    %barrier3A = arith.constant 0 : index
    tpu.barrier barrier_id(%barrier3A)
    %eq3A_444 = arith.constant 0 : i32
    %eq3A_445 = arith.cmpi eq, %arg1, %eq3A_444 : i32
    %convert_element_type3A_446 = arith.extui %eq3A_445 : i1 to i32
    %cond3A = arith.constant 0 : i32
    %cond3A_447 = arith.cmpi ne, %convert_element_type3A_446, %cond3A : i32
    scf.if %cond3A_447 {
      %eq3A_453 = arith.constant 0 : i32
      %eq3A_454 = arith.cmpi eq, %arg0, %eq3A_453 : i32
      %convert_element_type3A_455 = arith.extui %eq3A_454 : i1 to i32
      %cond3A_456 = arith.constant 0 : i32
      %cond3A_457 = arith.cmpi ne, %convert_element_type3A_455, %cond3A_456 : i32
      scf.if %cond3A_457 {
        "tpu.region"() ({
          %run_scoped3A = tpu.sem_alloc : memref<!tpu.dma_semaphore, #tpu.memory_space<semaphore_mem>>
          %dma_start3A_463 = arith.constant 0 : i32
          %dma_start3A_464 = tpu.memref_slice %arg26[%dma_start3A_463] : memref<8192xf32, #tpu.memory_space<vmem_shared>> -> memref<4096xf32, #tpu.memory_space<vmem_shared>>
          tpu.enqueue_dma source(%dma_start3A_464 : memref<4096xf32, #tpu.memory_space<vmem_shared>>) target(%arg8 : memref<4096xf32, #tpu.memory_space<hbm>>) target_semaphore(%run_scoped3A : memref<!tpu.dma_semaphore, #tpu.memory_space<semaphore_mem>>)
          %dma_wait3A_465 = arith.constant 0 : i32
          %dma_wait3A_466 = tpu.memref_slice %arg26[%dma_wait3A_465] : memref<8192xf32, #tpu.memory_space<vmem_shared>> -> memref<4096xf32, #tpu.memory_space<vmem_shared>>
          tpu.wait_dma2 semaphore(%run_scoped3A : memref<!tpu.dma_semaphore, #tpu.memory_space<semaphore_mem>>) src(%dma_wait3A_466 : memref<4096xf32, #tpu.memory_space<vmem_shared>>) dst(%arg8 : memref<4096xf32, #tpu.memory_space<hbm>>)
          tpu.yield
        }) : () -> ()
        "tpu.region"() ({
          %run_scoped3A = tpu.sem_alloc : memref<!tpu.dma_semaphore, #tpu.memory_space<semaphore_mem>>
          %dma_start3A_463 = arith.constant 0 : i32
          %dma_start3A_464 = tpu.memref_slice %arg27[%dma_start3A_463] : memref<8192xf32, #tpu.memory_space<vmem_shared>> -> memref<4096xf32, #tpu.memory_space<vmem_shared>>
          tpu.enqueue_dma source(%dma_start3A_464 : memref<4096xf32, #tpu.memory_space<vmem_shared>>) target(%arg9 : memref<4096xf32, #tpu.memory_space<hbm>>) target_semaphore(%run_scoped3A : memref<!tpu.dma_semaphore, #tpu.memory_space<semaphore_mem>>)
          %dma_wait3A_465 = arith.constant 0 : i32
          %dma_wait3A_466 = tpu.memref_slice %arg27[%dma_wait3A_465] : memref<8192xf32, #tpu.memory_space<vmem_shared>> -> memref<4096xf32, #tpu.memory_space<vmem_shared>>
          tpu.wait_dma2 semaphore(%run_scoped3A : memref<!tpu.dma_semaphore, #tpu.memory_space<semaphore_mem>>) src(%dma_wait3A_466 : memref<4096xf32, #tpu.memory_space<vmem_shared>>) dst(%arg9 : memref<4096xf32, #tpu.memory_space<hbm>>)
          tpu.yield
        }) : () -> ()
        "tpu.region"() ({
          %run_scoped3A = tpu.sem_alloc : memref<!tpu.dma_semaphore, #tpu.memory_space<semaphore_mem>>
          %dma_start3A_463 = arith.constant 0 : i32
          %dma_start3A_464 = tpu.memref_slice %arg28[%dma_start3A_463] : memref<8192xi32, #tpu.memory_space<vmem_shared>> -> memref<4096xi32, #tpu.memory_space<vmem_shared>>
          tpu.enqueue_dma source(%dma_start3A_464 : memref<4096xi32, #tpu.memory_space<vmem_shared>>) target(%arg10 : memref<4096xi32, #tpu.memory_space<hbm>>) target_semaphore(%run_scoped3A : memref<!tpu.dma_semaphore, #tpu.memory_space<semaphore_mem>>)
          %dma_wait3A_465 = arith.constant 0 : i32
          %dma_wait3A_466 = tpu.memref_slice %arg28[%dma_wait3A_465] : memref<8192xi32, #tpu.memory_space<vmem_shared>> -> memref<4096xi32, #tpu.memory_space<vmem_shared>>
          tpu.wait_dma2 semaphore(%run_scoped3A : memref<!tpu.dma_semaphore, #tpu.memory_space<semaphore_mem>>) src(%dma_wait3A_466 : memref<4096xi32, #tpu.memory_space<vmem_shared>>) dst(%arg10 : memref<4096xi32, #tpu.memory_space<hbm>>)
          tpu.yield
        }) : () -> ()
        "tpu.region"() ({
          %run_scoped3A = tpu.sem_alloc : memref<!tpu.dma_semaphore, #tpu.memory_space<semaphore_mem>>
          %dma_start3A_463 = arith.constant 0 : i32
          %dma_start3A_464 = tpu.memref_slice %arg29[%dma_start3A_463] : memref<8192xf32, #tpu.memory_space<vmem_shared>> -> memref<4096xf32, #tpu.memory_space<vmem_shared>>
          tpu.enqueue_dma source(%dma_start3A_464 : memref<4096xf32, #tpu.memory_space<vmem_shared>>) target(%arg11 : memref<4096xf32, #tpu.memory_space<hbm>>) target_semaphore(%run_scoped3A : memref<!tpu.dma_semaphore, #tpu.memory_space<semaphore_mem>>)
          %dma_wait3A_465 = arith.constant 0 : i32
          %dma_wait3A_466 = tpu.memref_slice %arg29[%dma_wait3A_465] : memref<8192xf32, #tpu.memory_space<vmem_shared>> -> memref<4096xf32, #tpu.memory_space<vmem_shared>>
          tpu.wait_dma2 semaphore(%run_scoped3A : memref<!tpu.dma_semaphore, #tpu.memory_space<semaphore_mem>>) src(%dma_wait3A_466 : memref<4096xf32, #tpu.memory_space<vmem_shared>>) dst(%arg11 : memref<4096xf32, #tpu.memory_space<hbm>>)
          tpu.yield
        }) : () -> ()
      } else {
      }
      %eq3A_458 = arith.constant 1 : i32
      %eq3A_459 = arith.cmpi eq, %arg0, %eq3A_458 : i32
      %convert_element_type3A_460 = arith.extui %eq3A_459 : i1 to i32
      %cond3A_461 = arith.constant 0 : i32
      %cond3A_462 = arith.cmpi ne, %convert_element_type3A_460, %cond3A_461 : i32
      scf.if %cond3A_462 {
        "tpu.region"() ({
          %run_scoped3A = tpu.sem_alloc : memref<!tpu.dma_semaphore, #tpu.memory_space<semaphore_mem>>
          %dma_start3A_463 = arith.constant 0 : i32
          %dma_start3A_464 = tpu.memref_slice %arg26[%dma_start3A_463] : memref<8192xf32, #tpu.memory_space<vmem_shared>> -> memref<4096xf32, #tpu.memory_space<vmem_shared>>
          tpu.enqueue_dma source(%dma_start3A_464 : memref<4096xf32, #tpu.memory_space<vmem_shared>>) target(%arg12 : memref<4096xf32, #tpu.memory_space<hbm>>) target_semaphore(%run_scoped3A : memref<!tpu.dma_semaphore, #tpu.memory_space<semaphore_mem>>)
          %dma_wait3A_465 = arith.constant 0 : i32
          %dma_wait3A_466 = tpu.memref_slice %arg26[%dma_wait3A_465] : memref<8192xf32, #tpu.memory_space<vmem_shared>> -> memref<4096xf32, #tpu.memory_space<vmem_shared>>
          tpu.wait_dma2 semaphore(%run_scoped3A : memref<!tpu.dma_semaphore, #tpu.memory_space<semaphore_mem>>) src(%dma_wait3A_466 : memref<4096xf32, #tpu.memory_space<vmem_shared>>) dst(%arg12 : memref<4096xf32, #tpu.memory_space<hbm>>)
          tpu.yield
        }) : () -> ()
        "tpu.region"() ({
          %run_scoped3A = tpu.sem_alloc : memref<!tpu.dma_semaphore, #tpu.memory_space<semaphore_mem>>
          %dma_start3A_463 = arith.constant 0 : i32
          %dma_start3A_464 = tpu.memref_slice %arg27[%dma_start3A_463] : memref<8192xf32, #tpu.memory_space<vmem_shared>> -> memref<4096xf32, #tpu.memory_space<vmem_shared>>
          tpu.enqueue_dma source(%dma_start3A_464 : memref<4096xf32, #tpu.memory_space<vmem_shared>>) target(%arg13 : memref<4096xf32, #tpu.memory_space<hbm>>) target_semaphore(%run_scoped3A : memref<!tpu.dma_semaphore, #tpu.memory_space<semaphore_mem>>)
          %dma_wait3A_465 = arith.constant 0 : i32
          %dma_wait3A_466 = tpu.memref_slice %arg27[%dma_wait3A_465] : memref<8192xf32, #tpu.memory_space<vmem_shared>> -> memref<4096xf32, #tpu.memory_space<vmem_shared>>
          tpu.wait_dma2 semaphore(%run_scoped3A : memref<!tpu.dma_semaphore, #tpu.memory_space<semaphore_mem>>) src(%dma_wait3A_466 : memref<4096xf32, #tpu.memory_space<vmem_shared>>) dst(%arg13 : memref<4096xf32, #tpu.memory_space<hbm>>)
          tpu.yield
        }) : () -> ()
        "tpu.region"() ({
          %run_scoped3A = tpu.sem_alloc : memref<!tpu.dma_semaphore, #tpu.memory_space<semaphore_mem>>
          %dma_start3A_463 = arith.constant 0 : i32
          %dma_start3A_464 = tpu.memref_slice %arg28[%dma_start3A_463] : memref<8192xi32, #tpu.memory_space<vmem_shared>> -> memref<4096xi32, #tpu.memory_space<vmem_shared>>
          tpu.enqueue_dma source(%dma_start3A_464 : memref<4096xi32, #tpu.memory_space<vmem_shared>>) target(%arg14 : memref<4096xi32, #tpu.memory_space<hbm>>) target_semaphore(%run_scoped3A : memref<!tpu.dma_semaphore, #tpu.memory_space<semaphore_mem>>)
          %dma_wait3A_465 = arith.constant 0 : i32
          %dma_wait3A_466 = tpu.memref_slice %arg28[%dma_wait3A_465] : memref<8192xi32, #tpu.memory_space<vmem_shared>> -> memref<4096xi32, #tpu.memory_space<vmem_shared>>
          tpu.wait_dma2 semaphore(%run_scoped3A : memref<!tpu.dma_semaphore, #tpu.memory_space<semaphore_mem>>) src(%dma_wait3A_466 : memref<4096xi32, #tpu.memory_space<vmem_shared>>) dst(%arg14 : memref<4096xi32, #tpu.memory_space<hbm>>)
          tpu.yield
        }) : () -> ()
        "tpu.region"() ({
          %run_scoped3A = tpu.sem_alloc : memref<!tpu.dma_semaphore, #tpu.memory_space<semaphore_mem>>
          %dma_start3A_463 = arith.constant 0 : i32
          %dma_start3A_464 = tpu.memref_slice %arg29[%dma_start3A_463] : memref<8192xf32, #tpu.memory_space<vmem_shared>> -> memref<4096xf32, #tpu.memory_space<vmem_shared>>
          tpu.enqueue_dma source(%dma_start3A_464 : memref<4096xf32, #tpu.memory_space<vmem_shared>>) target(%arg15 : memref<4096xf32, #tpu.memory_space<hbm>>) target_semaphore(%run_scoped3A : memref<!tpu.dma_semaphore, #tpu.memory_space<semaphore_mem>>)
          %dma_wait3A_465 = arith.constant 0 : i32
          %dma_wait3A_466 = tpu.memref_slice %arg29[%dma_wait3A_465] : memref<8192xf32, #tpu.memory_space<vmem_shared>> -> memref<4096xf32, #tpu.memory_space<vmem_shared>>
          tpu.wait_dma2 semaphore(%run_scoped3A : memref<!tpu.dma_semaphore, #tpu.memory_space<semaphore_mem>>) src(%dma_wait3A_466 : memref<4096xf32, #tpu.memory_space<vmem_shared>>) dst(%arg15 : memref<4096xf32, #tpu.memory_space<hbm>>)
          tpu.yield
        }) : () -> ()
      } else {
      }
    } else {
    }
    %eq3A_448 = arith.constant 15 : i32
    %eq3A_449 = arith.cmpi eq, %arg1, %eq3A_448 : i32
    %convert_element_type3A_450 = arith.extui %eq3A_449 : i1 to i32
    %cond3A_451 = arith.constant 0 : i32
    %cond3A_452 = arith.cmpi ne, %convert_element_type3A_450, %cond3A_451 : i32
    scf.if %cond3A_452 {
      %add3A_453 = arith.addi %convert_element_type3A, %add3A_416 : i32
      %eq3A_454 = arith.constant 1 : i32
      %eq3A_455 = arith.cmpi eq, %arg0, %eq3A_454 : i32
      %convert_element_type3A_456 = arith.extui %eq3A_455 : i1 to i32
      %cond3A_457 = arith.constant 0 : i32
      %cond3A_458 = arith.cmpi ne, %convert_element_type3A_456, %cond3A_457 : i32
      scf.if %cond3A_458 {
        %eq3A_464 = arith.constant 0 : i32
        %eq3A_465 = vector.broadcast %eq3A_464 : i32 to vector<16xi32>
        %eq3A_466 = arith.cmpi eq, %iota3A, %eq3A_465 : vector<16xi32>
        %eq3A_467 = arith.constant 1 : i32
        %eq3A_468 = vector.broadcast %eq3A_467 : i32 to vector<16xi32>
        %eq3A_469 = arith.cmpi eq, %iota3A, %eq3A_468 : vector<16xi32>
        %sub3A_470 = arith.constant 4096 : i32
        %sub3A_471 = arith.subi %sub3A_470, %add3A_453 : i32
        %jit3A = arith.constant 0 : i32
        %broadcast_in_dim3A_472 = vector.broadcast %sub3A_471 : i32 to vector<16xi32>
        %broadcast_in_dim3A_473 = vector.broadcast %jit3A : i32 to vector<16xi32>
        %select_n3A_474 = arith.select %eq3A_469, %broadcast_in_dim3A_472, %broadcast_in_dim3A_473 : vector<16xi1>, vector<16xi32>
        %broadcast_in_dim3A_475 = vector.broadcast %add3A_453 : i32 to vector<16xi32>
        %select_n3A_476 = arith.select %eq3A_466, %broadcast_in_dim3A_475, %select_n3A_474 : vector<16xi1>, vector<16xi32>
        %swap3A_477 = arith.constant 0 : index
        %swap3A_478 = tpu.vector_load %arg25[%swap3A_477] {strides = array<i32>} : memref<16xi32, #tpu.memory_space<vmem>>, vector<16xi32>,
        tpu.vector_store %arg25[%swap3A_477], %select_n3A_476 {strides = array<i32>} : memref<16xi32, #tpu.memory_space<vmem>>, vector<16xi32>,
        "tpu.region"() ({
          %run_scoped3A = tpu.sem_alloc : memref<!tpu.dma_semaphore, #tpu.memory_space<semaphore_mem>>
          %dma_start3A_479 = arith.constant 0 : i32
          %dma_start3A_480 = tpu.memref_slice %arg25[%dma_start3A_479] : memref<16xi32, #tpu.memory_space<vmem>> -> memref<8xi32, #tpu.memory_space<vmem>>
          %dma_start3A_481 = arith.constant 0 : i32
          %dma_start3A_482 = tpu.memref_slice %arg16[%dma_start3A_481] : memref<16xi32, #tpu.memory_space<hbm>> -> memref<8xi32, #tpu.memory_space<hbm>>
          %dma_start3A_483 = arith.constant 0 : i32
          %dma_start3A_484 = tpu.memref_slice %arg16[%dma_start3A_483] : memref<16xi32, #tpu.memory_space<hbm>> -> memref<8xi32, #tpu.memory_space<hbm>>
          %dma_start3A_485 = arith.constant 0 : i32
          %dma_start3A_486 = tpu.memref_slice %arg25[%dma_start3A_485] : memref<16xi32, #tpu.memory_space<vmem>> -> memref<8xi32, #tpu.memory_space<vmem>>
          tpu.enqueue_dma source(%dma_start3A_486 : memref<8xi32, #tpu.memory_space<vmem>>) target(%dma_start3A_484 : memref<8xi32, #tpu.memory_space<hbm>>) target_semaphore(%run_scoped3A : memref<!tpu.dma_semaphore, #tpu.memory_space<semaphore_mem>>)
          %dma_wait3A_487 = arith.constant 0 : i32
          %dma_wait3A_488 = tpu.memref_slice %arg25[%dma_wait3A_487] : memref<16xi32, #tpu.memory_space<vmem>> -> memref<8xi32, #tpu.memory_space<vmem>>
          %dma_wait3A_489 = arith.constant 0 : i32
          %dma_wait3A_490 = tpu.memref_slice %arg16[%dma_wait3A_489] : memref<16xi32, #tpu.memory_space<hbm>> -> memref<8xi32, #tpu.memory_space<hbm>>
          %dma_wait3A_491 = arith.constant 0 : i32
          %dma_wait3A_492 = tpu.memref_slice %arg16[%dma_wait3A_491] : memref<16xi32, #tpu.memory_space<hbm>> -> memref<8xi32, #tpu.memory_space<hbm>>
          %dma_wait3A_493 = arith.constant 0 : i32
          %dma_wait3A_494 = tpu.memref_slice %arg25[%dma_wait3A_493] : memref<16xi32, #tpu.memory_space<vmem>> -> memref<8xi32, #tpu.memory_space<vmem>>
          tpu.wait_dma2 semaphore(%run_scoped3A : memref<!tpu.dma_semaphore, #tpu.memory_space<semaphore_mem>>) src(%dma_wait3A_494 : memref<8xi32, #tpu.memory_space<vmem>>) dst(%dma_wait3A_492 : memref<8xi32, #tpu.memory_space<hbm>>)
          tpu.yield
        }) : () -> ()
      } else {
      }
      %eq3A_459 = arith.constant 0 : i32
      %eq3A_460 = arith.cmpi eq, %arg0, %eq3A_459 : i32
      %convert_element_type3A_461 = arith.extui %eq3A_460 : i1 to i32
      %cond3A_462 = arith.constant 0 : i32
      %cond3A_463 = arith.cmpi ne, %convert_element_type3A_461, %cond3A_462 : i32
      scf.if %cond3A_463 {
        %eq3A_464 = arith.constant 0 : i32
        %eq3A_465 = vector.broadcast %eq3A_464 : i32 to vector<16xi32>
        %eq3A_466 = arith.cmpi eq, %iota3A, %eq3A_465 : vector<16xi32>
        %eq3A_467 = arith.constant 1 : i32
        %eq3A_468 = vector.broadcast %eq3A_467 : i32 to vector<16xi32>
        %eq3A_469 = arith.cmpi eq, %iota3A, %eq3A_468 : vector<16xi32>
        %sub3A_470 = arith.constant 2048 : i32
        %sub3A_471 = arith.subi %sub3A_470, %add3A_453 : i32
        %jit3A = arith.constant 0 : i32
        %broadcast_in_dim3A_472 = vector.broadcast %sub3A_471 : i32 to vector<16xi32>
        %broadcast_in_dim3A_473 = vector.broadcast %jit3A : i32 to vector<16xi32>
        %select_n3A_474 = arith.select %eq3A_469, %broadcast_in_dim3A_472, %broadcast_in_dim3A_473 : vector<16xi1>, vector<16xi32>
        %broadcast_in_dim3A_475 = vector.broadcast %add3A_453 : i32 to vector<16xi32>
        %select_n3A_476 = arith.select %eq3A_466, %broadcast_in_dim3A_475, %select_n3A_474 : vector<16xi1>, vector<16xi32>
        %swap3A_477 = arith.constant 0 : index
        %swap3A_478 = tpu.vector_load %arg25[%swap3A_477] {strides = array<i32>} : memref<16xi32, #tpu.memory_space<vmem>>, vector<16xi32>,
        tpu.vector_store %arg25[%swap3A_477], %select_n3A_476 {strides = array<i32>} : memref<16xi32, #tpu.memory_space<vmem>>, vector<16xi32>,
        "tpu.region"() ({
          %run_scoped3A = tpu.sem_alloc : memref<!tpu.dma_semaphore, #tpu.memory_space<semaphore_mem>>
          %dma_start3A_479 = arith.constant 0 : i32
          %dma_start3A_480 = tpu.memref_slice %arg25[%dma_start3A_479] : memref<16xi32, #tpu.memory_space<vmem>> -> memref<8xi32, #tpu.memory_space<vmem>>
          %dma_start3A_481 = arith.constant 8 : i32
          %dma_start3A_482 = tpu.memref_slice %arg16[%dma_start3A_481] : memref<16xi32, #tpu.memory_space<hbm>> -> memref<8xi32, #tpu.memory_space<hbm>>
          %dma_start3A_483 = arith.constant 8 : i32
          %dma_start3A_484 = tpu.memref_slice %arg16[%dma_start3A_483] : memref<16xi32, #tpu.memory_space<hbm>> -> memref<8xi32, #tpu.memory_space<hbm>>
          %dma_start3A_485 = arith.constant 0 : i32
          %dma_start3A_486 = tpu.memref_slice %arg25[%dma_start3A_485] : memref<16xi32, #tpu.memory_space<vmem>> -> memref<8xi32, #tpu.memory_space<vmem>>
          tpu.enqueue_dma source(%dma_start3A_486 : memref<8xi32, #tpu.memory_space<vmem>>) target(%dma_start3A_484 : memref<8xi32, #tpu.memory_space<hbm>>) target_semaphore(%run_scoped3A : memref<!tpu.dma_semaphore, #tpu.memory_space<semaphore_mem>>)
          %dma_wait3A_487 = arith.constant 0 : i32
          %dma_wait3A_488 = tpu.memref_slice %arg25[%dma_wait3A_487] : memref<16xi32, #tpu.memory_space<vmem>> -> memref<8xi32, #tpu.memory_space<vmem>>
          %dma_wait3A_489 = arith.constant 8 : i32
          %dma_wait3A_490 = tpu.memref_slice %arg16[%dma_wait3A_489] : memref<16xi32, #tpu.memory_space<hbm>> -> memref<8xi32, #tpu.memory_space<hbm>>
          %dma_wait3A_491 = arith.constant 8 : i32
          %dma_wait3A_492 = tpu.memref_slice %arg16[%dma_wait3A_491] : memref<16xi32, #tpu.memory_space<hbm>> -> memref<8xi32, #tpu.memory_space<hbm>>
          %dma_wait3A_493 = arith.constant 0 : i32
          %dma_wait3A_494 = tpu.memref_slice %arg25[%dma_wait3A_493] : memref<16xi32, #tpu.memory_space<vmem>> -> memref<8xi32, #tpu.memory_space<vmem>>
          tpu.wait_dma2 semaphore(%run_scoped3A : memref<!tpu.dma_semaphore, #tpu.memory_space<semaphore_mem>>) src(%dma_wait3A_494 : memref<8xi32, #tpu.memory_space<vmem>>) dst(%dma_wait3A_492 : memref<8xi32, #tpu.memory_space<hbm>>)
          tpu.yield
        }) : () -> ()
      } else {
      }
    } else {
    }
    return
  }
}

#map = affine_map<(d0, d1) -> (0)>
module attributes {stable_mosaic.version = 14 : i64} {
  func.func @_sc_scatter_body(%arg0: i32, %arg1: i32, %arg2: memref<100352xf32, #tpu.memory_space<hbm>>, %arg3: memref<4096xi32, #tpu.memory_space<hbm>>, %arg4: memref<4096xf32, #tpu.memory_space<hbm>>, %arg5: memref<4096xf32, #tpu.memory_space<hbm>>, %arg6: memref<100352xf32, #tpu.memory_space<hbm>>, %arg7: memref<3136xf32, #tpu.memory_space<vmem>>, %arg8: memref<4096xi32, #tpu.memory_space<vmem>>, %arg9: memref<4096xf32, #tpu.memory_space<vmem>>, %arg10: memref<4096xf32, #tpu.memory_space<vmem>>) attributes {dimension_semantics = [#tpu.dimension_semantics<core_parallel>, #tpu.dimension_semantics<subcore_parallel>], iteration_bounds = array<i64: 2, 16>, scalar_prefetch = 0 : i64, scratch_operands = 4 : i64, tpu.core_type = #tpu.core_type<sc_vector_subcore>, window_params = [{transform_indices = #map}, {transform_indices = #map}, {transform_indices = #map}, {transform_indices = #map}, {transform_indices = #map}]} {
    %mul3A = arith.constant 2 : i32
    %mul3A_0 = arith.muli %arg1, %mul3A : i32
    %add3A = arith.addi %mul3A_0, %arg0 : i32
    %mul3A_1 = arith.constant 3136 : i32
    %mul3A_2 = arith.muli %add3A, %mul3A_1 : i32
    "tpu.region"() ({
      %run_scoped3A = tpu.sem_alloc : memref<!tpu.dma_semaphore, #tpu.memory_space<semaphore_mem>>
      %dma_start3A = tpu.memref_slice %arg2[%mul3A_2] : memref<100352xf32, #tpu.memory_space<hbm>> -> memref<3136xf32, #tpu.memory_space<hbm>>
      %dma_start3A_8 = tpu.memref_slice %arg2[%mul3A_2] : memref<100352xf32, #tpu.memory_space<hbm>> -> memref<3136xf32, #tpu.memory_space<hbm>>
      tpu.enqueue_dma source(%dma_start3A_8 : memref<3136xf32, #tpu.memory_space<hbm>>) target(%arg7 : memref<3136xf32, #tpu.memory_space<vmem>>) target_semaphore(%run_scoped3A : memref<!tpu.dma_semaphore, #tpu.memory_space<semaphore_mem>>)
      %dma_wait3A = tpu.memref_slice %arg2[%mul3A_2] : memref<100352xf32, #tpu.memory_space<hbm>> -> memref<3136xf32, #tpu.memory_space<hbm>>
      %dma_wait3A_9 = tpu.memref_slice %arg2[%mul3A_2] : memref<100352xf32, #tpu.memory_space<hbm>> -> memref<3136xf32, #tpu.memory_space<hbm>>
      tpu.wait_dma2 semaphore(%run_scoped3A : memref<!tpu.dma_semaphore, #tpu.memory_space<semaphore_mem>>) src(%dma_wait3A_9 : memref<3136xf32, #tpu.memory_space<hbm>>) dst(%arg7 : memref<3136xf32, #tpu.memory_space<vmem>>)
      tpu.yield
    }) : () -> ()
    "tpu.region"() ({
      %run_scoped3A = tpu.sem_alloc : memref<!tpu.dma_semaphore, #tpu.memory_space<semaphore_mem>>
      tpu.enqueue_dma source(%arg3 : memref<4096xi32, #tpu.memory_space<hbm>>) target(%arg8 : memref<4096xi32, #tpu.memory_space<vmem>>) target_semaphore(%run_scoped3A : memref<!tpu.dma_semaphore, #tpu.memory_space<semaphore_mem>>)
      tpu.wait_dma2 semaphore(%run_scoped3A : memref<!tpu.dma_semaphore, #tpu.memory_space<semaphore_mem>>) src(%arg3 : memref<4096xi32, #tpu.memory_space<hbm>>) dst(%arg8 : memref<4096xi32, #tpu.memory_space<vmem>>)
      tpu.yield
    }) : () -> ()
    "tpu.region"() ({
      %run_scoped3A = tpu.sem_alloc : memref<!tpu.dma_semaphore, #tpu.memory_space<semaphore_mem>>
      tpu.enqueue_dma source(%arg4 : memref<4096xf32, #tpu.memory_space<hbm>>) target(%arg9 : memref<4096xf32, #tpu.memory_space<vmem>>) target_semaphore(%run_scoped3A : memref<!tpu.dma_semaphore, #tpu.memory_space<semaphore_mem>>)
      tpu.wait_dma2 semaphore(%run_scoped3A : memref<!tpu.dma_semaphore, #tpu.memory_space<semaphore_mem>>) src(%arg4 : memref<4096xf32, #tpu.memory_space<hbm>>) dst(%arg9 : memref<4096xf32, #tpu.memory_space<vmem>>)
      tpu.yield
    }) : () -> ()
    "tpu.region"() ({
      %run_scoped3A = tpu.sem_alloc : memref<!tpu.dma_semaphore, #tpu.memory_space<semaphore_mem>>
      tpu.enqueue_dma source(%arg5 : memref<4096xf32, #tpu.memory_space<hbm>>) target(%arg10 : memref<4096xf32, #tpu.memory_space<vmem>>) target_semaphore(%run_scoped3A : memref<!tpu.dma_semaphore, #tpu.memory_space<semaphore_mem>>)
      tpu.wait_dma2 semaphore(%run_scoped3A : memref<!tpu.dma_semaphore, #tpu.memory_space<semaphore_mem>>) src(%arg5 : memref<4096xf32, #tpu.memory_space<hbm>>) dst(%arg10 : memref<4096xf32, #tpu.memory_space<vmem>>)
      tpu.yield
    }) : () -> ()
    %scan3A = arith.constant 0 : i32
    %scan3A_3 = arith.constant 0 : i32
    %scan3A_4 = arith.constant 256 : i32
    %scan3A_5 = arith.addi %scan3A_3, %scan3A_4 : i32
    %scan3A_6 = arith.constant 8 : i32
    scf.for %scan3A_8 = %scan3A_3 to %scan3A_5 step %scan3A_6  : i32 {
      %mul3A_9 = arith.constant 16 : i32
      %mul3A_10 = arith.muli %scan3A_8, %mul3A_9 : i32
      %multiple_of3A = tpu.assume_multiple %mul3A_10, 16 : i32
      %get3A = arith.index_cast %multiple_of3A : i32 to index
      %get3A_11 = tpu.vector_load %arg8[%get3A] {strides = array<i32>} : memref<4096xi32, #tpu.memory_space<vmem>>, vector<16xi32>,
      %shift_right_arithmetic3A = arith.constant 13 : i32
      %shift_right_arithmetic3A_12 = vector.broadcast %shift_right_arithmetic3A : i32 to vector<16xi32>
      %shift_right_arithmetic3A_13 = arith.shrsi %get3A_11, %shift_right_arithmetic3A_12 : vector<16xi32>
      %get3A_14 = arith.index_cast %multiple_of3A : i32 to index
      %get3A_15 = tpu.vector_load %arg9[%get3A_14] {strides = array<i32>} : memref<4096xf32, #tpu.memory_space<vmem>>, vector<16xf32>,
      %get3A_16 = arith.index_cast %multiple_of3A : i32 to index
      %get3A_17 = tpu.vector_load %arg10[%get3A_16] {strides = array<i32>} : memref<4096xf32, #tpu.memory_space<vmem>>, vector<16xf32>,
      %ge3A = vector.broadcast %mul3A_2 : i32 to vector<16xi32>
      %ge3A_18 = arith.cmpi sge, %shift_right_arithmetic3A_13, %ge3A : vector<16xi32>
      %add3A_19 = arith.constant 3136 : i32
      %add3A_20 = arith.addi %mul3A_2, %add3A_19 : i32
      %lt3A = vector.broadcast %add3A_20 : i32 to vector<16xi32>
      %lt3A_21 = arith.cmpi slt, %shift_right_arithmetic3A_13, %lt3A : vector<16xi32>
      %and3A = arith.andi %ge3A_18, %lt3A_21 : vector<16xi1>
      %gt3A = arith.constant 0.000000e+00 : f32
      %gt3A_22 = vector.broadcast %gt3A : f32 to vector<16xf32>
      %gt3A_23 = arith.cmpf ogt, %get3A_17, %gt3A_22 : vector<16xf32>
      %and3A_24 = arith.andi %and3A, %gt3A_23 : vector<16xi1>
      %sub3A = vector.broadcast %mul3A_2 : i32 to vector<16xi32>
      %sub3A_25 = arith.subi %shift_right_arithmetic3A_13, %sub3A : vector<16xi32>
      tpu.vector_store_idx %arg7[%sub3A_25], %get3A_15 masked %and3A_24 : memref<3136xf32, #tpu.memory_space<vmem>>[vector<16xi32>], vector<16xf32>, vector<16xi1>
      %scan3A_26 = arith.constant 1 : i32
      %scan3A_27 = arith.addi %scan3A_8, %scan3A_26 : i32
      %mul3A_28 = arith.constant 16 : i32
      %mul3A_29 = arith.muli %scan3A_27, %mul3A_28 : i32
      %multiple_of3A_30 = tpu.assume_multiple %mul3A_29, 16 : i32
      %get3A_31 = arith.index_cast %multiple_of3A_30 : i32 to index
      %get3A_32 = tpu.vector_load %arg8[%get3A_31] {strides = array<i32>} : memref<4096xi32, #tpu.memory_space<vmem>>, vector<16xi32>,
      %shift_right_arithmetic3A_33 = arith.constant 13 : i32
      %shift_right_arithmetic3A_34 = vector.broadcast %shift_right_arithmetic3A_33 : i32 to vector<16xi32>
      %shift_right_arithmetic3A_35 = arith.shrsi %get3A_32, %shift_right_arithmetic3A_34 : vector<16xi32>
      %get3A_36 = arith.index_cast %multiple_of3A_30 : i32 to index
      %get3A_37 = tpu.vector_load %arg9[%get3A_36] {strides = array<i32>} : memref<4096xf32, #tpu.memory_space<vmem>>, vector<16xf32>,
      %get3A_38 = arith.index_cast %multiple_of3A_30 : i32 to index
      %get3A_39 = tpu.vector_load %arg10[%get3A_38] {strides = array<i32>} : memref<4096xf32, #tpu.memory_space<vmem>>, vector<16xf32>,
      %ge3A_40 = vector.broadcast %mul3A_2 : i32 to vector<16xi32>
      %ge3A_41 = arith.cmpi sge, %shift_right_arithmetic3A_35, %ge3A_40 : vector<16xi32>
      %add3A_42 = arith.constant 3136 : i32
      %add3A_43 = arith.addi %mul3A_2, %add3A_42 : i32
      %lt3A_44 = vector.broadcast %add3A_43 : i32 to vector<16xi32>
      %lt3A_45 = arith.cmpi slt, %shift_right_arithmetic3A_35, %lt3A_44 : vector<16xi32>
      %and3A_46 = arith.andi %ge3A_41, %lt3A_45 : vector<16xi1>
      %gt3A_47 = arith.constant 0.000000e+00 : f32
      %gt3A_48 = vector.broadcast %gt3A_47 : f32 to vector<16xf32>
      %gt3A_49 = arith.cmpf ogt, %get3A_39, %gt3A_48 : vector<16xf32>
      %and3A_50 = arith.andi %and3A_46, %gt3A_49 : vector<16xi1>
      %sub3A_51 = vector.broadcast %mul3A_2 : i32 to vector<16xi32>
      %sub3A_52 = arith.subi %shift_right_arithmetic3A_35, %sub3A_51 : vector<16xi32>
      tpu.vector_store_idx %arg7[%sub3A_52], %get3A_37 masked %and3A_50 : memref<3136xf32, #tpu.memory_space<vmem>>[vector<16xi32>], vector<16xf32>, vector<16xi1>
      %scan3A_53 = arith.constant 2 : i32
      %scan3A_54 = arith.addi %scan3A_8, %scan3A_53 : i32
      %mul3A_55 = arith.constant 16 : i32
      %mul3A_56 = arith.muli %scan3A_54, %mul3A_55 : i32
      %multiple_of3A_57 = tpu.assume_multiple %mul3A_56, 16 : i32
      %get3A_58 = arith.index_cast %multiple_of3A_57 : i32 to index
      %get3A_59 = tpu.vector_load %arg8[%get3A_58] {strides = array<i32>} : memref<4096xi32, #tpu.memory_space<vmem>>, vector<16xi32>,
      %shift_right_arithmetic3A_60 = arith.constant 13 : i32
      %shift_right_arithmetic3A_61 = vector.broadcast %shift_right_arithmetic3A_60 : i32 to vector<16xi32>
      %shift_right_arithmetic3A_62 = arith.shrsi %get3A_59, %shift_right_arithmetic3A_61 : vector<16xi32>
      %get3A_63 = arith.index_cast %multiple_of3A_57 : i32 to index
      %get3A_64 = tpu.vector_load %arg9[%get3A_63] {strides = array<i32>} : memref<4096xf32, #tpu.memory_space<vmem>>, vector<16xf32>,
      %get3A_65 = arith.index_cast %multiple_of3A_57 : i32 to index
      %get3A_66 = tpu.vector_load %arg10[%get3A_65] {strides = array<i32>} : memref<4096xf32, #tpu.memory_space<vmem>>, vector<16xf32>,
      %ge3A_67 = vector.broadcast %mul3A_2 : i32 to vector<16xi32>
      %ge3A_68 = arith.cmpi sge, %shift_right_arithmetic3A_62, %ge3A_67 : vector<16xi32>
      %add3A_69 = arith.constant 3136 : i32
      %add3A_70 = arith.addi %mul3A_2, %add3A_69 : i32
      %lt3A_71 = vector.broadcast %add3A_70 : i32 to vector<16xi32>
      %lt3A_72 = arith.cmpi slt, %shift_right_arithmetic3A_62, %lt3A_71 : vector<16xi32>
      %and3A_73 = arith.andi %ge3A_68, %lt3A_72 : vector<16xi1>
      %gt3A_74 = arith.constant 0.000000e+00 : f32
      %gt3A_75 = vector.broadcast %gt3A_74 : f32 to vector<16xf32>
      %gt3A_76 = arith.cmpf ogt, %get3A_66, %gt3A_75 : vector<16xf32>
      %and3A_77 = arith.andi %and3A_73, %gt3A_76 : vector<16xi1>
      %sub3A_78 = vector.broadcast %mul3A_2 : i32 to vector<16xi32>
      %sub3A_79 = arith.subi %shift_right_arithmetic3A_62, %sub3A_78 : vector<16xi32>
      tpu.vector_store_idx %arg7[%sub3A_79], %get3A_64 masked %and3A_77 : memref<3136xf32, #tpu.memory_space<vmem>>[vector<16xi32>], vector<16xf32>, vector<16xi1>
      %scan3A_80 = arith.constant 3 : i32
      %scan3A_81 = arith.addi %scan3A_8, %scan3A_80 : i32
      %mul3A_82 = arith.constant 16 : i32
      %mul3A_83 = arith.muli %scan3A_81, %mul3A_82 : i32
      %multiple_of3A_84 = tpu.assume_multiple %mul3A_83, 16 : i32
      %get3A_85 = arith.index_cast %multiple_of3A_84 : i32 to index
      %get3A_86 = tpu.vector_load %arg8[%get3A_85] {strides = array<i32>} : memref<4096xi32, #tpu.memory_space<vmem>>, vector<16xi32>,
      %shift_right_arithmetic3A_87 = arith.constant 13 : i32
      %shift_right_arithmetic3A_88 = vector.broadcast %shift_right_arithmetic3A_87 : i32 to vector<16xi32>
      %shift_right_arithmetic3A_89 = arith.shrsi %get3A_86, %shift_right_arithmetic3A_88 : vector<16xi32>
      %get3A_90 = arith.index_cast %multiple_of3A_84 : i32 to index
      %get3A_91 = tpu.vector_load %arg9[%get3A_90] {strides = array<i32>} : memref<4096xf32, #tpu.memory_space<vmem>>, vector<16xf32>,
      %get3A_92 = arith.index_cast %multiple_of3A_84 : i32 to index
      %get3A_93 = tpu.vector_load %arg10[%get3A_92] {strides = array<i32>} : memref<4096xf32, #tpu.memory_space<vmem>>, vector<16xf32>,
      %ge3A_94 = vector.broadcast %mul3A_2 : i32 to vector<16xi32>
      %ge3A_95 = arith.cmpi sge, %shift_right_arithmetic3A_89, %ge3A_94 : vector<16xi32>
      %add3A_96 = arith.constant 3136 : i32
      %add3A_97 = arith.addi %mul3A_2, %add3A_96 : i32
      %lt3A_98 = vector.broadcast %add3A_97 : i32 to vector<16xi32>
      %lt3A_99 = arith.cmpi slt, %shift_right_arithmetic3A_89, %lt3A_98 : vector<16xi32>
      %and3A_100 = arith.andi %ge3A_95, %lt3A_99 : vector<16xi1>
      %gt3A_101 = arith.constant 0.000000e+00 : f32
      %gt3A_102 = vector.broadcast %gt3A_101 : f32 to vector<16xf32>
      %gt3A_103 = arith.cmpf ogt, %get3A_93, %gt3A_102 : vector<16xf32>
      %and3A_104 = arith.andi %and3A_100, %gt3A_103 : vector<16xi1>
      %sub3A_105 = vector.broadcast %mul3A_2 : i32 to vector<16xi32>
      %sub3A_106 = arith.subi %shift_right_arithmetic3A_89, %sub3A_105 : vector<16xi32>
      tpu.vector_store_idx %arg7[%sub3A_106], %get3A_91 masked %and3A_104 : memref<3136xf32, #tpu.memory_space<vmem>>[vector<16xi32>], vector<16xf32>, vector<16xi1>
      %scan3A_107 = arith.constant 4 : i32
      %scan3A_108 = arith.addi %scan3A_8, %scan3A_107 : i32
      %mul3A_109 = arith.constant 16 : i32
      %mul3A_110 = arith.muli %scan3A_108, %mul3A_109 : i32
      %multiple_of3A_111 = tpu.assume_multiple %mul3A_110, 16 : i32
      %get3A_112 = arith.index_cast %multiple_of3A_111 : i32 to index
      %get3A_113 = tpu.vector_load %arg8[%get3A_112] {strides = array<i32>} : memref<4096xi32, #tpu.memory_space<vmem>>, vector<16xi32>,
      %shift_right_arithmetic3A_114 = arith.constant 13 : i32
      %shift_right_arithmetic3A_115 = vector.broadcast %shift_right_arithmetic3A_114 : i32 to vector<16xi32>
      %shift_right_arithmetic3A_116 = arith.shrsi %get3A_113, %shift_right_arithmetic3A_115 : vector<16xi32>
      %get3A_117 = arith.index_cast %multiple_of3A_111 : i32 to index
      %get3A_118 = tpu.vector_load %arg9[%get3A_117] {strides = array<i32>} : memref<4096xf32, #tpu.memory_space<vmem>>, vector<16xf32>,
      %get3A_119 = arith.index_cast %multiple_of3A_111 : i32 to index
      %get3A_120 = tpu.vector_load %arg10[%get3A_119] {strides = array<i32>} : memref<4096xf32, #tpu.memory_space<vmem>>, vector<16xf32>,
      %ge3A_121 = vector.broadcast %mul3A_2 : i32 to vector<16xi32>
      %ge3A_122 = arith.cmpi sge, %shift_right_arithmetic3A_116, %ge3A_121 : vector<16xi32>
      %add3A_123 = arith.constant 3136 : i32
      %add3A_124 = arith.addi %mul3A_2, %add3A_123 : i32
      %lt3A_125 = vector.broadcast %add3A_124 : i32 to vector<16xi32>
      %lt3A_126 = arith.cmpi slt, %shift_right_arithmetic3A_116, %lt3A_125 : vector<16xi32>
      %and3A_127 = arith.andi %ge3A_122, %lt3A_126 : vector<16xi1>
      %gt3A_128 = arith.constant 0.000000e+00 : f32
      %gt3A_129 = vector.broadcast %gt3A_128 : f32 to vector<16xf32>
      %gt3A_130 = arith.cmpf ogt, %get3A_120, %gt3A_129 : vector<16xf32>
      %and3A_131 = arith.andi %and3A_127, %gt3A_130 : vector<16xi1>
      %sub3A_132 = vector.broadcast %mul3A_2 : i32 to vector<16xi32>
      %sub3A_133 = arith.subi %shift_right_arithmetic3A_116, %sub3A_132 : vector<16xi32>
      tpu.vector_store_idx %arg7[%sub3A_133], %get3A_118 masked %and3A_131 : memref<3136xf32, #tpu.memory_space<vmem>>[vector<16xi32>], vector<16xf32>, vector<16xi1>
      %scan3A_134 = arith.constant 5 : i32
      %scan3A_135 = arith.addi %scan3A_8, %scan3A_134 : i32
      %mul3A_136 = arith.constant 16 : i32
      %mul3A_137 = arith.muli %scan3A_135, %mul3A_136 : i32
      %multiple_of3A_138 = tpu.assume_multiple %mul3A_137, 16 : i32
      %get3A_139 = arith.index_cast %multiple_of3A_138 : i32 to index
      %get3A_140 = tpu.vector_load %arg8[%get3A_139] {strides = array<i32>} : memref<4096xi32, #tpu.memory_space<vmem>>, vector<16xi32>,
      %shift_right_arithmetic3A_141 = arith.constant 13 : i32
      %shift_right_arithmetic3A_142 = vector.broadcast %shift_right_arithmetic3A_141 : i32 to vector<16xi32>
      %shift_right_arithmetic3A_143 = arith.shrsi %get3A_140, %shift_right_arithmetic3A_142 : vector<16xi32>
      %get3A_144 = arith.index_cast %multiple_of3A_138 : i32 to index
      %get3A_145 = tpu.vector_load %arg9[%get3A_144] {strides = array<i32>} : memref<4096xf32, #tpu.memory_space<vmem>>, vector<16xf32>,
      %get3A_146 = arith.index_cast %multiple_of3A_138 : i32 to index
      %get3A_147 = tpu.vector_load %arg10[%get3A_146] {strides = array<i32>} : memref<4096xf32, #tpu.memory_space<vmem>>, vector<16xf32>,
      %ge3A_148 = vector.broadcast %mul3A_2 : i32 to vector<16xi32>
      %ge3A_149 = arith.cmpi sge, %shift_right_arithmetic3A_143, %ge3A_148 : vector<16xi32>
      %add3A_150 = arith.constant 3136 : i32
      %add3A_151 = arith.addi %mul3A_2, %add3A_150 : i32
      %lt3A_152 = vector.broadcast %add3A_151 : i32 to vector<16xi32>
      %lt3A_153 = arith.cmpi slt, %shift_right_arithmetic3A_143, %lt3A_152 : vector<16xi32>
      %and3A_154 = arith.andi %ge3A_149, %lt3A_153 : vector<16xi1>
      %gt3A_155 = arith.constant 0.000000e+00 : f32
      %gt3A_156 = vector.broadcast %gt3A_155 : f32 to vector<16xf32>
      %gt3A_157 = arith.cmpf ogt, %get3A_147, %gt3A_156 : vector<16xf32>
      %and3A_158 = arith.andi %and3A_154, %gt3A_157 : vector<16xi1>
      %sub3A_159 = vector.broadcast %mul3A_2 : i32 to vector<16xi32>
      %sub3A_160 = arith.subi %shift_right_arithmetic3A_143, %sub3A_159 : vector<16xi32>
      tpu.vector_store_idx %arg7[%sub3A_160], %get3A_145 masked %and3A_158 : memref<3136xf32, #tpu.memory_space<vmem>>[vector<16xi32>], vector<16xf32>, vector<16xi1>
      %scan3A_161 = arith.constant 6 : i32
      %scan3A_162 = arith.addi %scan3A_8, %scan3A_161 : i32
      %mul3A_163 = arith.constant 16 : i32
      %mul3A_164 = arith.muli %scan3A_162, %mul3A_163 : i32
      %multiple_of3A_165 = tpu.assume_multiple %mul3A_164, 16 : i32
      %get3A_166 = arith.index_cast %multiple_of3A_165 : i32 to index
      %get3A_167 = tpu.vector_load %arg8[%get3A_166] {strides = array<i32>} : memref<4096xi32, #tpu.memory_space<vmem>>, vector<16xi32>,
      %shift_right_arithmetic3A_168 = arith.constant 13 : i32
      %shift_right_arithmetic3A_169 = vector.broadcast %shift_right_arithmetic3A_168 : i32 to vector<16xi32>
      %shift_right_arithmetic3A_170 = arith.shrsi %get3A_167, %shift_right_arithmetic3A_169 : vector<16xi32>
      %get3A_171 = arith.index_cast %multiple_of3A_165 : i32 to index
      %get3A_172 = tpu.vector_load %arg9[%get3A_171] {strides = array<i32>} : memref<4096xf32, #tpu.memory_space<vmem>>, vector<16xf32>,
      %get3A_173 = arith.index_cast %multiple_of3A_165 : i32 to index
      %get3A_174 = tpu.vector_load %arg10[%get3A_173] {strides = array<i32>} : memref<4096xf32, #tpu.memory_space<vmem>>, vector<16xf32>,
      %ge3A_175 = vector.broadcast %mul3A_2 : i32 to vector<16xi32>
      %ge3A_176 = arith.cmpi sge, %shift_right_arithmetic3A_170, %ge3A_175 : vector<16xi32>
      %add3A_177 = arith.constant 3136 : i32
      %add3A_178 = arith.addi %mul3A_2, %add3A_177 : i32
      %lt3A_179 = vector.broadcast %add3A_178 : i32 to vector<16xi32>
      %lt3A_180 = arith.cmpi slt, %shift_right_arithmetic3A_170, %lt3A_179 : vector<16xi32>
      %and3A_181 = arith.andi %ge3A_176, %lt3A_180 : vector<16xi1>
      %gt3A_182 = arith.constant 0.000000e+00 : f32
      %gt3A_183 = vector.broadcast %gt3A_182 : f32 to vector<16xf32>
      %gt3A_184 = arith.cmpf ogt, %get3A_174, %gt3A_183 : vector<16xf32>
      %and3A_185 = arith.andi %and3A_181, %gt3A_184 : vector<16xi1>
      %sub3A_186 = vector.broadcast %mul3A_2 : i32 to vector<16xi32>
      %sub3A_187 = arith.subi %shift_right_arithmetic3A_170, %sub3A_186 : vector<16xi32>
      tpu.vector_store_idx %arg7[%sub3A_187], %get3A_172 masked %and3A_185 : memref<3136xf32, #tpu.memory_space<vmem>>[vector<16xi32>], vector<16xf32>, vector<16xi1>
      %scan3A_188 = arith.constant 7 : i32
      %scan3A_189 = arith.addi %scan3A_8, %scan3A_188 : i32
      %mul3A_190 = arith.constant 16 : i32
      %mul3A_191 = arith.muli %scan3A_189, %mul3A_190 : i32
      %multiple_of3A_192 = tpu.assume_multiple %mul3A_191, 16 : i32
      %get3A_193 = arith.index_cast %multiple_of3A_192 : i32 to index
      %get3A_194 = tpu.vector_load %arg8[%get3A_193] {strides = array<i32>} : memref<4096xi32, #tpu.memory_space<vmem>>, vector<16xi32>,
      %shift_right_arithmetic3A_195 = arith.constant 13 : i32
      %shift_right_arithmetic3A_196 = vector.broadcast %shift_right_arithmetic3A_195 : i32 to vector<16xi32>
      %shift_right_arithmetic3A_197 = arith.shrsi %get3A_194, %shift_right_arithmetic3A_196 : vector<16xi32>
      %get3A_198 = arith.index_cast %multiple_of3A_192 : i32 to index
      %get3A_199 = tpu.vector_load %arg9[%get3A_198] {strides = array<i32>} : memref<4096xf32, #tpu.memory_space<vmem>>, vector<16xf32>,
      %get3A_200 = arith.index_cast %multiple_of3A_192 : i32 to index
      %get3A_201 = tpu.vector_load %arg10[%get3A_200] {strides = array<i32>} : memref<4096xf32, #tpu.memory_space<vmem>>, vector<16xf32>,
      %ge3A_202 = vector.broadcast %mul3A_2 : i32 to vector<16xi32>
      %ge3A_203 = arith.cmpi sge, %shift_right_arithmetic3A_197, %ge3A_202 : vector<16xi32>
      %add3A_204 = arith.constant 3136 : i32
      %add3A_205 = arith.addi %mul3A_2, %add3A_204 : i32
      %lt3A_206 = vector.broadcast %add3A_205 : i32 to vector<16xi32>
      %lt3A_207 = arith.cmpi slt, %shift_right_arithmetic3A_197, %lt3A_206 : vector<16xi32>
      %and3A_208 = arith.andi %ge3A_203, %lt3A_207 : vector<16xi1>
      %gt3A_209 = arith.constant 0.000000e+00 : f32
      %gt3A_210 = vector.broadcast %gt3A_209 : f32 to vector<16xf32>
      %gt3A_211 = arith.cmpf ogt, %get3A_201, %gt3A_210 : vector<16xf32>
      %and3A_212 = arith.andi %and3A_208, %gt3A_211 : vector<16xi1>
      %sub3A_213 = vector.broadcast %mul3A_2 : i32 to vector<16xi32>
      %sub3A_214 = arith.subi %shift_right_arithmetic3A_197, %sub3A_213 : vector<16xi32>
      tpu.vector_store_idx %arg7[%sub3A_214], %get3A_199 masked %and3A_212 : memref<3136xf32, #tpu.memory_space<vmem>>[vector<16xi32>], vector<16xf32>, vector<16xi1>
    }
    %scan3A_7 = arith.constant 256 : i32
    "tpu.region"() ({
      %run_scoped3A = tpu.sem_alloc : memref<!tpu.dma_semaphore, #tpu.memory_space<semaphore_mem>>
      %dma_start3A = tpu.memref_slice %arg6[%mul3A_2] : memref<100352xf32, #tpu.memory_space<hbm>> -> memref<3136xf32, #tpu.memory_space<hbm>>
      %dma_start3A_8 = tpu.memref_slice %arg6[%mul3A_2] : memref<100352xf32, #tpu.memory_space<hbm>> -> memref<3136xf32, #tpu.memory_space<hbm>>
      tpu.enqueue_dma source(%arg7 : memref<3136xf32, #tpu.memory_space<vmem>>) target(%dma_start3A_8 : memref<3136xf32, #tpu.memory_space<hbm>>) target_semaphore(%run_scoped3A : memref<!tpu.dma_semaphore, #tpu.memory_space<semaphore_mem>>)
      %dma_wait3A = tpu.memref_slice %arg6[%mul3A_2] : memref<100352xf32, #tpu.memory_space<hbm>> -> memref<3136xf32, #tpu.memory_space<hbm>>
      %dma_wait3A_9 = tpu.memref_slice %arg6[%mul3A_2] : memref<100352xf32, #tpu.memory_space<hbm>> -> memref<3136xf32, #tpu.memory_space<hbm>>
      tpu.wait_dma2 semaphore(%run_scoped3A : memref<!tpu.dma_semaphore, #tpu.memory_space<semaphore_mem>>) src(%arg7 : memref<3136xf32, #tpu.memory_space<vmem>>) dst(%dma_wait3A_9 : memref<3136xf32, #tpu.memory_space<hbm>>)
      tpu.yield
    }) : () -> ()
    return
  }
}

module attributes {stable_mosaic.version = 14 : i64} {
  func.func @_tc_dense_body(%arg0: i32, %arg1: memref<16xi32, #tpu.memory_space<smem>>, %arg2: memref<512x1xf32, #tpu.memory_space<vmem>>, %arg3: memref<512x1xf32, #tpu.memory_space<vmem>>, %arg4: memref<512x1xi32, #tpu.memory_space<vmem>>, %arg5: memref<512x1xf32, #tpu.memory_space<vmem>>, %arg6: memref<512x1xf32, #tpu.memory_space<vmem>>, %arg7: memref<512x1xi32, #tpu.memory_space<vmem>>, %arg8: memref<1x4096xf32, #tpu.memory_space<vmem>>, %arg9: memref<1x4096xi32, #tpu.memory_space<vmem>>, %arg10: memref<1x4096xf32, #tpu.memory_space<vmem>>, %arg11: memref<1x4096xi32, #tpu.memory_space<vmem>>, %arg12: memref<512x1xf32, #tpu.memory_space<vmem>>, %arg13: memref<512x1xf32, #tpu.memory_space<vmem>>, %arg14: memref<512x1xi32, #tpu.memory_space<vmem>>, %arg15: memref<1x1xf32, #tpu.memory_space<vmem>>, %arg16: memref<512x128xf32, #tpu.memory_space<vmem>>, %arg17: memref<512x128xf32, #tpu.memory_space<vmem>>, %arg18: memref<512x128xf32, #tpu.memory_space<vmem>>, %arg19: memref<2xf32, #tpu.memory_space<smem>>) attributes {dimension_semantics = [#tpu.dimension_semantics<arbitrary>], iteration_bounds = array<i64: 8>, scalar_prefetch = 0 : i64, scratch_operands = 4 : i64, tpu.core_type = #tpu.core_type<tc>, window_params = [{transform_indices = @transform_0, window_bounds = array<i64: 16>}, {transform_indices = @transform_1, window_bounds = array<i64: 512, 1>}, {transform_indices = @transform_2, window_bounds = array<i64: 512, 1>}, {transform_indices = @transform_3, window_bounds = array<i64: 512, 1>}, {transform_indices = @transform_4, window_bounds = array<i64: 512, 1>}, {transform_indices = @transform_5, window_bounds = array<i64: 512, 1>}, {transform_indices = @transform_6, window_bounds = array<i64: 512, 1>}, {pipeline_mode = #tpu.pipeline_mode<synchronous>, transform_indices = @transform_7, window_bounds = array<i64: 1, 4096>}, {pipeline_mode = #tpu.pipeline_mode<synchronous>, transform_indices = @transform_8, window_bounds = array<i64: 1, 4096>}, {pipeline_mode = #tpu.pipeline_mode<synchronous>, transform_indices = @transform_9, window_bounds = array<i64: 1, 4096>}, {pipeline_mode = #tpu.pipeline_mode<synchronous>, transform_indices = @transform_10, window_bounds = array<i64: 1, 4096>}, {transform_indices = @transform_11, window_bounds = array<i64: 512, 1>}, {transform_indices = @transform_12, window_bounds = array<i64: 512, 1>}, {transform_indices = @transform_13, window_bounds = array<i64: 512, 1>}, {pipeline_mode = #tpu.pipeline_mode<synchronous>, transform_indices = @transform_14, window_bounds = array<i64: 1, 1>}]} {
    %get3A = arith.constant 0 : index
    %get3A_0 = memref.load %arg1[%get3A] : memref<16xi32, #tpu.memory_space<smem>>
    %get3A_1 = arith.constant 1 : index
    %get3A_2 = memref.load %arg1[%get3A_1] : memref<16xi32, #tpu.memory_space<smem>>
    %get3A_3 = arith.constant 8 : index
    %get3A_4 = memref.load %arg1[%get3A_3] : memref<16xi32, #tpu.memory_space<smem>>
    %get3A_5 = arith.constant 9 : index
    %get3A_6 = memref.load %arg1[%get3A_5] : memref<16xi32, #tpu.memory_space<smem>>
    %broadcast_in_dim3A = arith.constant 0.000000e+00 : f32
    %broadcast_in_dim3A_7 = vector.broadcast %broadcast_in_dim3A : f32 to vector<512x128xf32>
    %swap3A = arith.constant 0 : index
    %swap3A_8 = arith.constant 0 : index
    %swap3A_9 = vector.load %arg16[%swap3A, %swap3A_8] : memref<512x128xf32, #tpu.memory_space<vmem>>, vector<512x128xf32>
    tpu.vector_store %arg16[%swap3A, %swap3A_8], %broadcast_in_dim3A_7 {strides = array<i32>} : memref<512x128xf32, #tpu.memory_space<vmem>>, vector<512x128xf32>,
    %broadcast_in_dim3A_10 = arith.constant 0.000000e+00 : f32
    %broadcast_in_dim3A_11 = vector.broadcast %broadcast_in_dim3A_10 : f32 to vector<512x128xf32>
    %swap3A_12 = arith.constant 0 : index
    %swap3A_13 = arith.constant 0 : index
    %swap3A_14 = vector.load %arg17[%swap3A_12, %swap3A_13] : memref<512x128xf32, #tpu.memory_space<vmem>>, vector<512x128xf32>
    tpu.vector_store %arg17[%swap3A_12, %swap3A_13], %broadcast_in_dim3A_11 {strides = array<i32>} : memref<512x128xf32, #tpu.memory_space<vmem>>, vector<512x128xf32>,
    %broadcast_in_dim3A_15 = arith.constant 0.000000e+00 : f32
    %broadcast_in_dim3A_16 = vector.broadcast %broadcast_in_dim3A_15 : f32 to vector<512x128xf32>
    %swap3A_17 = arith.constant 0 : index
    %swap3A_18 = arith.constant 0 : index
    %swap3A_19 = vector.load %arg18[%swap3A_17, %swap3A_18] : memref<512x128xf32, #tpu.memory_space<vmem>>, vector<512x128xf32>
    tpu.vector_store %arg18[%swap3A_17, %swap3A_18], %broadcast_in_dim3A_16 {strides = array<i32>} : memref<512x128xf32, #tpu.memory_space<vmem>>, vector<512x128xf32>,
    %mul3A = arith.constant 512 : i32
    %mul3A_20 = arith.muli %arg0, %mul3A : i32
    %lt3A = arith.cmpi slt, %mul3A_20, %get3A_0 : i32
    %iota3A = tpu.iota {dimensions = array<i32: 1>} : vector<1x1024xi32>
    %iota3A_21 = tpu.iota {dimensions = array<i32: 0>} : vector<512x1xi32>
    %mul3A_22 = arith.constant 512 : i32
    %mul3A_23 = arith.muli %arg0, %mul3A_22 : i32
    %add3A = vector.broadcast %mul3A_23 : i32 to vector<512x1xi32>
    %add3A_24 = arith.addi %iota3A_21, %add3A : vector<512x1xi32>
    %lt3A_25 = vector.broadcast %get3A_4 : i32 to vector<512x1xi32>
    %lt3A_26 = arith.cmpi slt, %add3A_24, %lt3A_25 : vector<512x1xi32>
    %get3A_27 = arith.constant 0 : index
    %get3A_28 = arith.constant 0 : index
    %get3A_29 = vector.load %arg2[%get3A_27, %get3A_28] : memref<512x1xf32, #tpu.memory_space<vmem>>, vector<512x1xf32>
    %get3A_30 = arith.constant 0 : index
    %get3A_31 = arith.constant 0 : index
    %get3A_32 = vector.load %arg5[%get3A_30, %get3A_31] : memref<512x1xf32, #tpu.memory_space<vmem>>, vector<512x1xf32>
    %select_n3A = arith.select %lt3A_26, %get3A_29, %get3A_32 : vector<512x1xi1>, vector<512x1xf32>
    %get3A_33 = arith.constant 0 : index
    %get3A_34 = arith.constant 0 : index
    %get3A_35 = vector.load %arg3[%get3A_33, %get3A_34] : memref<512x1xf32, #tpu.memory_space<vmem>>, vector<512x1xf32>
    %get3A_36 = arith.constant 0 : index
    %get3A_37 = arith.constant 0 : index
    %get3A_38 = vector.load %arg6[%get3A_36, %get3A_37] : memref<512x1xf32, #tpu.memory_space<vmem>>, vector<512x1xf32>
    %select_n3A_39 = arith.select %lt3A_26, %get3A_35, %get3A_38 : vector<512x1xi1>, vector<512x1xf32>
    %get3A_40 = arith.constant 0 : index
    %get3A_41 = arith.constant 0 : index
    %get3A_42 = vector.load %arg4[%get3A_40, %get3A_41] : memref<512x1xi32, #tpu.memory_space<vmem>>, vector<512x1xi32>
    %get3A_43 = arith.constant 0 : index
    %get3A_44 = arith.constant 0 : index
    %get3A_45 = vector.load %arg7[%get3A_43, %get3A_44] : memref<512x1xi32, #tpu.memory_space<vmem>>, vector<512x1xi32>
    %select_n3A_46 = arith.select %lt3A_26, %get3A_42, %get3A_45 : vector<512x1xi1>, vector<512x1xi32>
    %sub3A = arith.constant -6.90775537 : f32
    %sub3A_47 = vector.broadcast %sub3A : f32 to vector<512x1xf32>
    %sub3A_48 = arith.subf %sub3A_47, %select_n3A_39 : vector<512x1xf32>
    %mul3A_49 = arith.constant 1.44269502 : f32
    %mul3A_50 = vector.broadcast %mul3A_49 : f32 to vector<512x1xf32>
    %mul3A_51 = arith.mulf %sub3A_48, %mul3A_50 : vector<512x1xf32>
    %swap3A_52 = arith.constant 0 : index
    %swap3A_53 = arith.constant 0 : index
    %swap3A_54 = vector.load %arg14[%swap3A_52, %swap3A_53] : memref<512x1xi32, #tpu.memory_space<vmem>>, vector<512x1xi32>
    tpu.vector_store %arg14[%swap3A_52, %swap3A_53], %select_n3A_46 {strides = array<i32>} : memref<512x1xi32, #tpu.memory_space<vmem>>, vector<512x1xi32>,
    %add3A_55 = arith.constant 0 : i32
    %add3A_56 = vector.broadcast %add3A_55 : i32 to vector<1x1024xi32>
    %add3A_57 = arith.addi %iota3A, %add3A_56 : vector<1x1024xi32>
    %gt3A = arith.constant 0 : i32
    %gt3A_58 = arith.cmpi sgt, %get3A_2, %gt3A : i32
    %and3A = arith.andi %lt3A, %gt3A_58 : i1
    %gt3A_59 = arith.constant 0 : i32
    %gt3A_60 = arith.cmpi sgt, %get3A_0, %gt3A_59 : i32
    %and3A_61 = arith.andi %and3A, %gt3A_60 : i1
    %convert_element_type3A = arith.extui %and3A_61 : i1 to i32
    %cond3A = arith.constant 0 : i32
    %cond3A_62 = arith.cmpi ne, %convert_element_type3A, %cond3A : i32
    scf.if %cond3A_62 {
      %lt3A_278 = vector.broadcast %get3A_6 : i32 to vector<1x1024xi32>
      %lt3A_279 = arith.cmpi slt, %add3A_57, %lt3A_278 : vector<1x1024xi32>
      %get3A_280 = arith.constant 0 : index
      %get3A_281 = arith.constant 0 : index
      %get3A_282 = vector.load %arg8[%get3A_280, %get3A_281] : memref<1x4096xf32, #tpu.memory_space<vmem>>, vector<1x1024xf32>
      %get3A_283 = arith.constant 0 : index
      %get3A_284 = arith.constant 0 : index
      %get3A_285 = vector.load %arg10[%get3A_283, %get3A_284] : memref<1x4096xf32, #tpu.memory_space<vmem>>, vector<1x1024xf32>
      %select_n3A_286 = arith.select %lt3A_279, %get3A_282, %get3A_285 : vector<1x1024xi1>, vector<1x1024xf32>
      %lt3A_287 = vector.broadcast %get3A_2 : i32 to vector<1x1024xi32>
      %lt3A_288 = arith.cmpi slt, %add3A_57, %lt3A_287 : vector<1x1024xi32>
      %sub3A_289 = vector.broadcast %select_n3A_286 : vector<1x1024xf32> to vector<512x1024xf32>
      %sub3A_290 = vector.broadcast %select_n3A : vector<512x1xf32> to vector<512x1024xf32>
      %sub3A_291 = arith.subf %sub3A_289, %sub3A_290 : vector<512x1024xf32>
      %max3A = arith.constant 0.000000e+00 : f32
      %max3A_292 = vector.broadcast %max3A : f32 to vector<512x1024xf32>
      %max3A_293 = arith.maximumf %sub3A_291, %max3A_292 : vector<512x1024xf32>
      %mul3A_294 = arith.mulf %max3A_293, %max3A_293 : vector<512x1024xf32>
      %add3A_295 = vector.broadcast %mul3A_51 : vector<512x1xf32> to vector<512x1024xf32>
      %add3A_296 = arith.addf %mul3A_294, %add3A_295 : vector<512x1024xf32>
      %jit3A_297 = arith.constant 0xFF800000 : f32
      %broadcast_in_dim3A_298 = vector.shape_cast %lt3A_288 : vector<1x1024xi1> to vector<1x1024xi1>
      %broadcast_in_dim3A_299 = vector.broadcast %broadcast_in_dim3A_298 : vector<1x1024xi1> to vector<512x1024xi1>
      %broadcast_in_dim3A_300 = vector.broadcast %jit3A_297 : f32 to vector<512x1024xf32>
      %select_n3A_301 = arith.select %broadcast_in_dim3A_299, %add3A_296, %broadcast_in_dim3A_300 : vector<512x1024xi1>, vector<512x1024xf32>
      %bitcast_convert_type3A = tpu.bitcast %select_n3A_301 : vector<512x1024xf32> -> vector<512x1024xi32>
      %or3A = arith.constant -2147483648 : i32
      %or3A_302 = vector.broadcast %or3A : i32 to vector<512x1024xi32>
      %or3A_303 = arith.ori %bitcast_convert_type3A, %or3A_302 : vector<512x1024xi32>
      %bitcast_convert_type3A_304 = tpu.bitcast %or3A_303 : vector<512x1024xi32> -> vector<512x1024xf32>
      %exp23A = math.exp2 %bitcast_convert_type3A_304 : vector<512x1024xf32>
      %add3A_305 = arith.constant 1.000000e+00 : f32
      %add3A_306 = vector.broadcast %add3A_305 : f32 to vector<512x1024xf32>
      %add3A_307 = arith.addf %add3A_306, %exp23A : vector<512x1024xf32>
      %log3A = math.log %add3A_307 : vector<512x1024xf32>
      %log3A_308 = arith.constant 2.000000e+00 : f32
      %log3A_309 = math.log %log3A_308 : f32
      %div3A_310 = vector.broadcast %log3A_309 : f32 to vector<512x1024xf32>
      %div3A_311 = arith.divf %log3A, %div3A_310 : vector<512x1024xf32>
      %max3A_312 = arith.constant 0.000000e+00 : f32
      %max3A_313 = vector.broadcast %max3A_312 : f32 to vector<512x1024xf32>
      %max3A_314 = arith.maximumf %select_n3A_301, %max3A_313 : vector<512x1024xf32>
      %mul3A_315 = arith.constant 0.346573591 : f32
      %mul3A_316 = vector.broadcast %mul3A_315 : f32 to vector<512x1024xf32>
      %mul3A_317 = arith.mulf %select_n3A_301, %mul3A_316 : vector<512x1024xf32>
      %tanh3A = math.tanh %mul3A_317 : vector<512x1024xf32>
      %get3A_318 = arith.constant 0 : index
      %get3A_319 = arith.constant 0 : index
      %get3A_320 = vector.load %arg16[%get3A_318, %get3A_319] : memref<512x128xf32, #tpu.memory_space<vmem>>, vector<512x128xf32>
      %add3A_321 = arith.addf %max3A_314, %div3A_311 : vector<512x1024xf32>
      %slice3A = vector.extract_strided_slice %add3A_321 {offsets = [0, 0], sizes = [512, 128], strides = [1, 1]} : vector<512x1024xf32> to vector<512x128xf32>
      %slice3A_322 = vector.extract_strided_slice %add3A_321 {offsets = [0, 128], sizes = [512, 128], strides = [1, 1]} : vector<512x1024xf32> to vector<512x128xf32>
      %add3A_323 = arith.addf %slice3A, %slice3A_322 : vector<512x128xf32>
      %slice3A_324 = vector.extract_strided_slice %add3A_321 {offsets = [0, 256], sizes = [512, 128], strides = [1, 1]} : vector<512x1024xf32> to vector<512x128xf32>
      %add3A_325 = arith.addf %add3A_323, %slice3A_324 : vector<512x128xf32>
      %slice3A_326 = vector.extract_strided_slice %add3A_321 {offsets = [0, 384], sizes = [512, 128], strides = [1, 1]} : vector<512x1024xf32> to vector<512x128xf32>
      %add3A_327 = arith.addf %add3A_325, %slice3A_326 : vector<512x128xf32>
      %slice3A_328 = vector.extract_strided_slice %add3A_321 {offsets = [0, 512], sizes = [512, 128], strides = [1, 1]} : vector<512x1024xf32> to vector<512x128xf32>
      %add3A_329 = arith.addf %add3A_327, %slice3A_328 : vector<512x128xf32>
      %slice3A_330 = vector.extract_strided_slice %add3A_321 {offsets = [0, 640], sizes = [512, 128], strides = [1, 1]} : vector<512x1024xf32> to vector<512x128xf32>
      %add3A_331 = arith.addf %add3A_329, %slice3A_330 : vector<512x128xf32>
      %slice3A_332 = vector.extract_strided_slice %add3A_321 {offsets = [0, 768], sizes = [512, 128], strides = [1, 1]} : vector<512x1024xf32> to vector<512x128xf32>
      %add3A_333 = arith.addf %add3A_331, %slice3A_332 : vector<512x128xf32>
      %slice3A_334 = vector.extract_strided_slice %add3A_321 {offsets = [0, 896], sizes = [512, 128], strides = [1, 1]} : vector<512x1024xf32> to vector<512x128xf32>
      %add3A_335 = arith.addf %add3A_333, %slice3A_334 : vector<512x128xf32>
      %add3A_336 = arith.addf %get3A_320, %add3A_335 : vector<512x128xf32>
      %swap3A_337 = arith.constant 0 : index
      %swap3A_338 = arith.constant 0 : index
      %swap3A_339 = vector.load %arg16[%swap3A_337, %swap3A_338] : memref<512x128xf32, #tpu.memory_space<vmem>>, vector<512x128xf32>
      tpu.vector_store %arg16[%swap3A_337, %swap3A_338], %add3A_336 {strides = array<i32>} : memref<512x128xf32, #tpu.memory_space<vmem>>, vector<512x128xf32>,
      %get3A_340 = arith.constant 0 : index
      %get3A_341 = arith.constant 0 : index
      %get3A_342 = vector.load %arg17[%get3A_340, %get3A_341] : memref<512x128xf32, #tpu.memory_space<vmem>>, vector<512x128xf32>
      %slice3A_343 = vector.extract_strided_slice %tanh3A {offsets = [0, 0], sizes = [512, 128], strides = [1, 1]} : vector<512x1024xf32> to vector<512x128xf32>
      %slice3A_344 = vector.extract_strided_slice %tanh3A {offsets = [0, 128], sizes = [512, 128], strides = [1, 1]} : vector<512x1024xf32> to vector<512x128xf32>
      %add3A_345 = arith.addf %slice3A_343, %slice3A_344 : vector<512x128xf32>
      %slice3A_346 = vector.extract_strided_slice %tanh3A {offsets = [0, 256], sizes = [512, 128], strides = [1, 1]} : vector<512x1024xf32> to vector<512x128xf32>
      %add3A_347 = arith.addf %add3A_345, %slice3A_346 : vector<512x128xf32>
      %slice3A_348 = vector.extract_strided_slice %tanh3A {offsets = [0, 384], sizes = [512, 128], strides = [1, 1]} : vector<512x1024xf32> to vector<512x128xf32>
      %add3A_349 = arith.addf %add3A_347, %slice3A_348 : vector<512x128xf32>
      %slice3A_350 = vector.extract_strided_slice %tanh3A {offsets = [0, 512], sizes = [512, 128], strides = [1, 1]} : vector<512x1024xf32> to vector<512x128xf32>
      %add3A_351 = arith.addf %add3A_349, %slice3A_350 : vector<512x128xf32>
      %slice3A_352 = vector.extract_strided_slice %tanh3A {offsets = [0, 640], sizes = [512, 128], strides = [1, 1]} : vector<512x1024xf32> to vector<512x128xf32>
      %add3A_353 = arith.addf %add3A_351, %slice3A_352 : vector<512x128xf32>
      %slice3A_354 = vector.extract_strided_slice %tanh3A {offsets = [0, 768], sizes = [512, 128], strides = [1, 1]} : vector<512x1024xf32> to vector<512x128xf32>
      %add3A_355 = arith.addf %add3A_353, %slice3A_354 : vector<512x128xf32>
      %slice3A_356 = vector.extract_strided_slice %tanh3A {offsets = [0, 896], sizes = [512, 128], strides = [1, 1]} : vector<512x1024xf32> to vector<512x128xf32>
      %add3A_357 = arith.addf %add3A_355, %slice3A_356 : vector<512x128xf32>
      %add3A_358 = arith.addf %get3A_342, %add3A_357 : vector<512x128xf32>
      %swap3A_359 = arith.constant 0 : index
      %swap3A_360 = arith.constant 0 : index
      %swap3A_361 = vector.load %arg17[%swap3A_359, %swap3A_360] : memref<512x128xf32, #tpu.memory_space<vmem>>, vector<512x128xf32>
      tpu.vector_store %arg17[%swap3A_359, %swap3A_360], %add3A_358 {strides = array<i32>} : memref<512x128xf32, #tpu.memory_space<vmem>>, vector<512x128xf32>,
      %lt3A_362 = vector.broadcast %get3A_4 : i32 to vector<1x1024xi32>
      %lt3A_363 = arith.cmpi slt, %add3A_57, %lt3A_362 : vector<1x1024xi32>
      %get3A_364 = arith.constant 0 : index
      %get3A_365 = arith.constant 0 : index
      %get3A_366 = vector.load %arg9[%get3A_364, %get3A_365] : memref<1x4096xi32, #tpu.memory_space<vmem>>, vector<1x1024xi32>
      %get3A_367 = arith.constant 0 : index
      %get3A_368 = arith.constant 0 : index
      %get3A_369 = vector.load %arg11[%get3A_367, %get3A_368] : memref<1x4096xi32, #tpu.memory_space<vmem>>, vector<1x1024xi32>
      %select_n3A_370 = arith.select %lt3A_363, %get3A_366, %get3A_369 : vector<1x1024xi1>, vector<1x1024xi32>
      %lt3A_371 = vector.broadcast %get3A_0 : i32 to vector<1x1024xi32>
      %lt3A_372 = arith.cmpi slt, %add3A_57, %lt3A_371 : vector<1x1024xi32>
      %jit3A_373 = arith.constant -1073741824 : i32
      %broadcast_in_dim3A_374 = vector.broadcast %jit3A_373 : i32 to vector<1x1024xi32>
      %select_n3A_375 = arith.select %lt3A_372, %select_n3A_370, %broadcast_in_dim3A_374 : vector<1x1024xi1>, vector<1x1024xi32>
      %sub3A_376 = vector.broadcast %select_n3A_375 : vector<1x1024xi32> to vector<512x1024xi32>
      %sub3A_377 = vector.broadcast %select_n3A_46 : vector<512x1xi32> to vector<512x1024xi32>
      %sub3A_378 = arith.subi %sub3A_376, %sub3A_377 : vector<512x1024xi32>
      %sub3A_379 = arith.constant 1 : i32
      %sub3A_380 = vector.broadcast %sub3A_379 : i32 to vector<512x1024xi32>
      %sub3A_381 = arith.subi %sub3A_378, %sub3A_380 : vector<512x1024xi32>
      %bitcast_convert_type3A_382 = tpu.bitcast %sub3A_381 : vector<512x1024xi32> -> vector<512x1024xi32>
      %lt3A_383 = arith.constant 4095 : i32
      %lt3A_384 = vector.broadcast %lt3A_383 : i32 to vector<512x1024xi32>
      %lt3A_385 = arith.cmpi ult, %bitcast_convert_type3A_382, %lt3A_384 : vector<512x1024xi32>
      %convert_element_type3A_386 = arith.extui %lt3A_385 : vector<512x1024xi1> to vector<512x1024xi32>
      %convert_element_type3A_387 = arith.sitofp %convert_element_type3A_386 : vector<512x1024xi32> to vector<512x1024xf32>
      %get3A_388 = arith.constant 0 : index
      %get3A_389 = arith.constant 0 : index
      %get3A_390 = vector.load %arg18[%get3A_388, %get3A_389] : memref<512x128xf32, #tpu.memory_space<vmem>>, vector<512x128xf32>
      %slice3A_391 = vector.extract_strided_slice %convert_element_type3A_387 {offsets = [0, 0], sizes = [512, 128], strides = [1, 1]} : vector<512x1024xf32> to vector<512x128xf32>
      %slice3A_392 = vector.extract_strided_slice %convert_element_type3A_387 {offsets = [0, 128], sizes = [512, 128], strides = [1, 1]} : vector<512x1024xf32> to vector<512x128xf32>
      %add3A_393 = arith.addf %slice3A_391, %slice3A_392 : vector<512x128xf32>
      %slice3A_394 = vector.extract_strided_slice %convert_element_type3A_387 {offsets = [0, 256], sizes = [512, 128], strides = [1, 1]} : vector<512x1024xf32> to vector<512x128xf32>
      %add3A_395 = arith.addf %add3A_393, %slice3A_394 : vector<512x128xf32>
      %slice3A_396 = vector.extract_strided_slice %convert_element_type3A_387 {offsets = [0, 384], sizes = [512, 128], strides = [1, 1]} : vector<512x1024xf32> to vector<512x128xf32>
      %add3A_397 = arith.addf %add3A_395, %slice3A_396 : vector<512x128xf32>
      %slice3A_398 = vector.extract_strided_slice %convert_element_type3A_387 {offsets = [0, 512], sizes = [512, 128], strides = [1, 1]} : vector<512x1024xf32> to vector<512x128xf32>
      %add3A_399 = arith.addf %add3A_397, %slice3A_398 : vector<512x128xf32>
      %slice3A_400 = vector.extract_strided_slice %convert_element_type3A_387 {offsets = [0, 640], sizes = [512, 128], strides = [1, 1]} : vector<512x1024xf32> to vector<512x128xf32>
      %add3A_401 = arith.addf %add3A_399, %slice3A_400 : vector<512x128xf32>
      %slice3A_402 = vector.extract_strided_slice %convert_element_type3A_387 {offsets = [0, 768], sizes = [512, 128], strides = [1, 1]} : vector<512x1024xf32> to vector<512x128xf32>
      %add3A_403 = arith.addf %add3A_401, %slice3A_402 : vector<512x128xf32>
      %slice3A_404 = vector.extract_strided_slice %convert_element_type3A_387 {offsets = [0, 896], sizes = [512, 128], strides = [1, 1]} : vector<512x1024xf32> to vector<512x128xf32>
      %add3A_405 = arith.addf %add3A_403, %slice3A_404 : vector<512x128xf32>
      %add3A_406 = arith.addf %get3A_390, %add3A_405 : vector<512x128xf32>
      %swap3A_407 = arith.constant 0 : index
      %swap3A_408 = arith.constant 0 : index
      %swap3A_409 = vector.load %arg18[%swap3A_407, %swap3A_408] : memref<512x128xf32, #tpu.memory_space<vmem>>, vector<512x128xf32>
      tpu.vector_store %arg18[%swap3A_407, %swap3A_408], %add3A_406 {strides = array<i32>} : memref<512x128xf32, #tpu.memory_space<vmem>>, vector<512x128xf32>,
    } else {
    }
    %gt3A_63 = arith.constant 0 : i32
    %gt3A_64 = arith.cmpi sgt, %get3A_2, %gt3A_63 : i32
    %and3A_65 = arith.andi %lt3A, %gt3A_64 : i1
    %le3A = arith.constant 0 : i32
    %le3A_66 = arith.cmpi sle, %get3A_0, %le3A : i32
    %and3A_67 = arith.andi %and3A_65, %le3A_66 : i1
    %convert_element_type3A_68 = arith.extui %and3A_67 : i1 to i32
    %cond3A_69 = arith.constant 0 : i32
    %cond3A_70 = arith.cmpi ne, %convert_element_type3A_68, %cond3A_69 : i32
    scf.if %cond3A_70 {
      %lt3A_278 = vector.broadcast %get3A_6 : i32 to vector<1x1024xi32>
      %lt3A_279 = arith.cmpi slt, %add3A_57, %lt3A_278 : vector<1x1024xi32>
      %get3A_280 = arith.constant 0 : index
      %get3A_281 = arith.constant 0 : index
      %get3A_282 = vector.load %arg8[%get3A_280, %get3A_281] : memref<1x4096xf32, #tpu.memory_space<vmem>>, vector<1x1024xf32>
      %get3A_283 = arith.constant 0 : index
      %get3A_284 = arith.constant 0 : index
      %get3A_285 = vector.load %arg10[%get3A_283, %get3A_284] : memref<1x4096xf32, #tpu.memory_space<vmem>>, vector<1x1024xf32>
      %select_n3A_286 = arith.select %lt3A_279, %get3A_282, %get3A_285 : vector<1x1024xi1>, vector<1x1024xf32>
      %lt3A_287 = vector.broadcast %get3A_2 : i32 to vector<1x1024xi32>
      %lt3A_288 = arith.cmpi slt, %add3A_57, %lt3A_287 : vector<1x1024xi32>
      %sub3A_289 = vector.broadcast %select_n3A_286 : vector<1x1024xf32> to vector<512x1024xf32>
      %sub3A_290 = vector.broadcast %select_n3A : vector<512x1xf32> to vector<512x1024xf32>
      %sub3A_291 = arith.subf %sub3A_289, %sub3A_290 : vector<512x1024xf32>
      %max3A = arith.constant 0.000000e+00 : f32
      %max3A_292 = vector.broadcast %max3A : f32 to vector<512x1024xf32>
      %max3A_293 = arith.maximumf %sub3A_291, %max3A_292 : vector<512x1024xf32>
      %mul3A_294 = arith.mulf %max3A_293, %max3A_293 : vector<512x1024xf32>
      %add3A_295 = vector.broadcast %mul3A_51 : vector<512x1xf32> to vector<512x1024xf32>
      %add3A_296 = arith.addf %mul3A_294, %add3A_295 : vector<512x1024xf32>
      %jit3A_297 = arith.constant 0xFF800000 : f32
      %broadcast_in_dim3A_298 = vector.shape_cast %lt3A_288 : vector<1x1024xi1> to vector<1x1024xi1>
      %broadcast_in_dim3A_299 = vector.broadcast %broadcast_in_dim3A_298 : vector<1x1024xi1> to vector<512x1024xi1>
      %broadcast_in_dim3A_300 = vector.broadcast %jit3A_297 : f32 to vector<512x1024xf32>
      %select_n3A_301 = arith.select %broadcast_in_dim3A_299, %add3A_296, %broadcast_in_dim3A_300 : vector<512x1024xi1>, vector<512x1024xf32>
      %bitcast_convert_type3A = tpu.bitcast %select_n3A_301 : vector<512x1024xf32> -> vector<512x1024xi32>
      %or3A = arith.constant -2147483648 : i32
      %or3A_302 = vector.broadcast %or3A : i32 to vector<512x1024xi32>
      %or3A_303 = arith.ori %bitcast_convert_type3A, %or3A_302 : vector<512x1024xi32>
      %bitcast_convert_type3A_304 = tpu.bitcast %or3A_303 : vector<512x1024xi32> -> vector<512x1024xf32>
      %exp23A = math.exp2 %bitcast_convert_type3A_304 : vector<512x1024xf32>
      %add3A_305 = arith.constant 1.000000e+00 : f32
      %add3A_306 = vector.broadcast %add3A_305 : f32 to vector<512x1024xf32>
      %add3A_307 = arith.addf %add3A_306, %exp23A : vector<512x1024xf32>
      %log3A = math.log %add3A_307 : vector<512x1024xf32>
      %log3A_308 = arith.constant 2.000000e+00 : f32
      %log3A_309 = math.log %log3A_308 : f32
      %div3A_310 = vector.broadcast %log3A_309 : f32 to vector<512x1024xf32>
      %div3A_311 = arith.divf %log3A, %div3A_310 : vector<512x1024xf32>
      %max3A_312 = arith.constant 0.000000e+00 : f32
      %max3A_313 = vector.broadcast %max3A_312 : f32 to vector<512x1024xf32>
      %max3A_314 = arith.maximumf %select_n3A_301, %max3A_313 : vector<512x1024xf32>
      %mul3A_315 = arith.constant 0.346573591 : f32
      %mul3A_316 = vector.broadcast %mul3A_315 : f32 to vector<512x1024xf32>
      %mul3A_317 = arith.mulf %select_n3A_301, %mul3A_316 : vector<512x1024xf32>
      %tanh3A = math.tanh %mul3A_317 : vector<512x1024xf32>
      %get3A_318 = arith.constant 0 : index
      %get3A_319 = arith.constant 0 : index
      %get3A_320 = vector.load %arg16[%get3A_318, %get3A_319] : memref<512x128xf32, #tpu.memory_space<vmem>>, vector<512x128xf32>
      %add3A_321 = arith.addf %max3A_314, %div3A_311 : vector<512x1024xf32>
      %slice3A = vector.extract_strided_slice %add3A_321 {offsets = [0, 0], sizes = [512, 128], strides = [1, 1]} : vector<512x1024xf32> to vector<512x128xf32>
      %slice3A_322 = vector.extract_strided_slice %add3A_321 {offsets = [0, 128], sizes = [512, 128], strides = [1, 1]} : vector<512x1024xf32> to vector<512x128xf32>
      %add3A_323 = arith.addf %slice3A, %slice3A_322 : vector<512x128xf32>
      %slice3A_324 = vector.extract_strided_slice %add3A_321 {offsets = [0, 256], sizes = [512, 128], strides = [1, 1]} : vector<512x1024xf32> to vector<512x128xf32>
      %add3A_325 = arith.addf %add3A_323, %slice3A_324 : vector<512x128xf32>
      %slice3A_326 = vector.extract_strided_slice %add3A_321 {offsets = [0, 384], sizes = [512, 128], strides = [1, 1]} : vector<512x1024xf32> to vector<512x128xf32>
      %add3A_327 = arith.addf %add3A_325, %slice3A_326 : vector<512x128xf32>
      %slice3A_328 = vector.extract_strided_slice %add3A_321 {offsets = [0, 512], sizes = [512, 128], strides = [1, 1]} : vector<512x1024xf32> to vector<512x128xf32>
      %add3A_329 = arith.addf %add3A_327, %slice3A_328 : vector<512x128xf32>
      %slice3A_330 = vector.extract_strided_slice %add3A_321 {offsets = [0, 640], sizes = [512, 128], strides = [1, 1]} : vector<512x1024xf32> to vector<512x128xf32>
      %add3A_331 = arith.addf %add3A_329, %slice3A_330 : vector<512x128xf32>
      %slice3A_332 = vector.extract_strided_slice %add3A_321 {offsets = [0, 768], sizes = [512, 128], strides = [1, 1]} : vector<512x1024xf32> to vector<512x128xf32>
      %add3A_333 = arith.addf %add3A_331, %slice3A_332 : vector<512x128xf32>
      %slice3A_334 = vector.extract_strided_slice %add3A_321 {offsets = [0, 896], sizes = [512, 128], strides = [1, 1]} : vector<512x1024xf32> to vector<512x128xf32>
      %add3A_335 = arith.addf %add3A_333, %slice3A_334 : vector<512x128xf32>
      %add3A_336 = arith.addf %get3A_320, %add3A_335 : vector<512x128xf32>
      %swap3A_337 = arith.constant 0 : index
      %swap3A_338 = arith.constant 0 : index
      %swap3A_339 = vector.load %arg16[%swap3A_337, %swap3A_338] : memref<512x128xf32, #tpu.memory_space<vmem>>, vector<512x128xf32>
      tpu.vector_store %arg16[%swap3A_337, %swap3A_338], %add3A_336 {strides = array<i32>} : memref<512x128xf32, #tpu.memory_space<vmem>>, vector<512x128xf32>,
      %get3A_340 = arith.constant 0 : index
      %get3A_341 = arith.constant 0 : index
      %get3A_342 = vector.load %arg17[%get3A_340, %get3A_341] : memref<512x128xf32, #tpu.memory_space<vmem>>, vector<512x128xf32>
      %slice3A_343 = vector.extract_strided_slice %tanh3A {offsets = [0, 0], sizes = [512, 128], strides = [1, 1]} : vector<512x1024xf32> to vector<512x128xf32>
      %slice3A_344 = vector.extract_strided_slice %tanh3A {offsets = [0, 128], sizes = [512, 128], strides = [1, 1]} : vector<512x1024xf32> to vector<512x128xf32>
      %add3A_345 = arith.addf %slice3A_343, %slice3A_344 : vector<512x128xf32>
      %slice3A_346 = vector.extract_strided_slice %tanh3A {offsets = [0, 256], sizes = [512, 128], strides = [1, 1]} : vector<512x1024xf32> to vector<512x128xf32>
      %add3A_347 = arith.addf %add3A_345, %slice3A_346 : vector<512x128xf32>
      %slice3A_348 = vector.extract_strided_slice %tanh3A {offsets = [0, 384], sizes = [512, 128], strides = [1, 1]} : vector<512x1024xf32> to vector<512x128xf32>
      %add3A_349 = arith.addf %add3A_347, %slice3A_348 : vector<512x128xf32>
      %slice3A_350 = vector.extract_strided_slice %tanh3A {offsets = [0, 512], sizes = [512, 128], strides = [1, 1]} : vector<512x1024xf32> to vector<512x128xf32>
      %add3A_351 = arith.addf %add3A_349, %slice3A_350 : vector<512x128xf32>
      %slice3A_352 = vector.extract_strided_slice %tanh3A {offsets = [0, 640], sizes = [512, 128], strides = [1, 1]} : vector<512x1024xf32> to vector<512x128xf32>
      %add3A_353 = arith.addf %add3A_351, %slice3A_352 : vector<512x128xf32>
      %slice3A_354 = vector.extract_strided_slice %tanh3A {offsets = [0, 768], sizes = [512, 128], strides = [1, 1]} : vector<512x1024xf32> to vector<512x128xf32>
      %add3A_355 = arith.addf %add3A_353, %slice3A_354 : vector<512x128xf32>
      %slice3A_356 = vector.extract_strided_slice %tanh3A {offsets = [0, 896], sizes = [512, 128], strides = [1, 1]} : vector<512x1024xf32> to vector<512x128xf32>
      %add3A_357 = arith.addf %add3A_355, %slice3A_356 : vector<512x128xf32>
      %add3A_358 = arith.addf %get3A_342, %add3A_357 : vector<512x128xf32>
      %swap3A_359 = arith.constant 0 : index
      %swap3A_360 = arith.constant 0 : index
      %swap3A_361 = vector.load %arg17[%swap3A_359, %swap3A_360] : memref<512x128xf32, #tpu.memory_space<vmem>>, vector<512x128xf32>
      tpu.vector_store %arg17[%swap3A_359, %swap3A_360], %add3A_358 {strides = array<i32>} : memref<512x128xf32, #tpu.memory_space<vmem>>, vector<512x128xf32>,
    } else {
    }
    %le3A_71 = arith.constant 0 : i32
    %le3A_72 = arith.cmpi sle, %get3A_2, %le3A_71 : i32
    %and3A_73 = arith.andi %lt3A, %le3A_72 : i1
    %gt3A_74 = arith.constant 0 : i32
    %gt3A_75 = arith.cmpi sgt, %get3A_0, %gt3A_74 : i32
    %and3A_76 = arith.andi %and3A_73, %gt3A_75 : i1
    %convert_element_type3A_77 = arith.extui %and3A_76 : i1 to i32
    %cond3A_78 = arith.constant 0 : i32
    %cond3A_79 = arith.cmpi ne, %convert_element_type3A_77, %cond3A_78 : i32
    scf.if %cond3A_79 {
      %lt3A_278 = vector.broadcast %get3A_4 : i32 to vector<1x1024xi32>
      %lt3A_279 = arith.cmpi slt, %add3A_57, %lt3A_278 : vector<1x1024xi32>
      %get3A_280 = arith.constant 0 : index
      %get3A_281 = arith.constant 0 : index
      %get3A_282 = vector.load %arg9[%get3A_280, %get3A_281] : memref<1x4096xi32, #tpu.memory_space<vmem>>, vector<1x1024xi32>
      %get3A_283 = arith.constant 0 : index
      %get3A_284 = arith.constant 0 : index
      %get3A_285 = vector.load %arg11[%get3A_283, %get3A_284] : memref<1x4096xi32, #tpu.memory_space<vmem>>, vector<1x1024xi32>
      %select_n3A_286 = arith.select %lt3A_279, %get3A_282, %get3A_285 : vector<1x1024xi1>, vector<1x1024xi32>
      %lt3A_287 = vector.broadcast %get3A_0 : i32 to vector<1x1024xi32>
      %lt3A_288 = arith.cmpi slt, %add3A_57, %lt3A_287 : vector<1x1024xi32>
      %jit3A_289 = arith.constant -1073741824 : i32
      %broadcast_in_dim3A_290 = vector.broadcast %jit3A_289 : i32 to vector<1x1024xi32>
      %select_n3A_291 = arith.select %lt3A_288, %select_n3A_286, %broadcast_in_dim3A_290 : vector<1x1024xi1>, vector<1x1024xi32>
      %sub3A_292 = vector.broadcast %select_n3A_291 : vector<1x1024xi32> to vector<512x1024xi32>
      %sub3A_293 = vector.broadcast %select_n3A_46 : vector<512x1xi32> to vector<512x1024xi32>
      %sub3A_294 = arith.subi %sub3A_292, %sub3A_293 : vector<512x1024xi32>
      %sub3A_295 = arith.constant 1 : i32
      %sub3A_296 = vector.broadcast %sub3A_295 : i32 to vector<512x1024xi32>
      %sub3A_297 = arith.subi %sub3A_294, %sub3A_296 : vector<512x1024xi32>
      %bitcast_convert_type3A = tpu.bitcast %sub3A_297 : vector<512x1024xi32> -> vector<512x1024xi32>
      %lt3A_298 = arith.constant 4095 : i32
      %lt3A_299 = vector.broadcast %lt3A_298 : i32 to vector<512x1024xi32>
      %lt3A_300 = arith.cmpi ult, %bitcast_convert_type3A, %lt3A_299 : vector<512x1024xi32>
      %convert_element_type3A_301 = arith.extui %lt3A_300 : vector<512x1024xi1> to vector<512x1024xi32>
      %convert_element_type3A_302 = arith.sitofp %convert_element_type3A_301 : vector<512x1024xi32> to vector<512x1024xf32>
      %get3A_303 = arith.constant 0 : index
      %get3A_304 = arith.constant 0 : index
      %get3A_305 = vector.load %arg18[%get3A_303, %get3A_304] : memref<512x128xf32, #tpu.memory_space<vmem>>, vector<512x128xf32>
      %slice3A = vector.extract_strided_slice %convert_element_type3A_302 {offsets = [0, 0], sizes = [512, 128], strides = [1, 1]} : vector<512x1024xf32> to vector<512x128xf32>
      %slice3A_306 = vector.extract_strided_slice %convert_element_type3A_302 {offsets = [0, 128], sizes = [512, 128], strides = [1, 1]} : vector<512x1024xf32> to vector<512x128xf32>
      %add3A_307 = arith.addf %slice3A, %slice3A_306 : vector<512x128xf32>
      %slice3A_308 = vector.extract_strided_slice %convert_element_type3A_302 {offsets = [0, 256], sizes = [512, 128], strides = [1, 1]} : vector<512x1024xf32> to vector<512x128xf32>
      %add3A_309 = arith.addf %add3A_307, %slice3A_308 : vector<512x128xf32>
      %slice3A_310 = vector.extract_strided_slice %convert_element_type3A_302 {offsets = [0, 384], sizes = [512, 128], strides = [1, 1]} : vector<512x1024xf32> to vector<512x128xf32>
      %add3A_311 = arith.addf %add3A_309, %slice3A_310 : vector<512x128xf32>
      %slice3A_312 = vector.extract_strided_slice %convert_element_type3A_302 {offsets = [0, 512], sizes = [512, 128], strides = [1, 1]} : vector<512x1024xf32> to vector<512x128xf32>
      %add3A_313 = arith.addf %add3A_311, %slice3A_312 : vector<512x128xf32>
      %slice3A_314 = vector.extract_strided_slice %convert_element_type3A_302 {offsets = [0, 640], sizes = [512, 128], strides = [1, 1]} : vector<512x1024xf32> to vector<512x128xf32>
      %add3A_315 = arith.addf %add3A_313, %slice3A_314 : vector<512x128xf32>
      %slice3A_316 = vector.extract_strided_slice %convert_element_type3A_302 {offsets = [0, 768], sizes = [512, 128], strides = [1, 1]} : vector<512x1024xf32> to vector<512x128xf32>
      %add3A_317 = arith.addf %add3A_315, %slice3A_316 : vector<512x128xf32>
      %slice3A_318 = vector.extract_strided_slice %convert_element_type3A_302 {offsets = [0, 896], sizes = [512, 128], strides = [1, 1]} : vector<512x1024xf32> to vector<512x128xf32>
      %add3A_319 = arith.addf %add3A_317, %slice3A_318 : vector<512x128xf32>
      %add3A_320 = arith.addf %get3A_305, %add3A_319 : vector<512x128xf32>
      %swap3A_321 = arith.constant 0 : index
      %swap3A_322 = arith.constant 0 : index
      %swap3A_323 = vector.load %arg18[%swap3A_321, %swap3A_322] : memref<512x128xf32, #tpu.memory_space<vmem>>, vector<512x128xf32>
      tpu.vector_store %arg18[%swap3A_321, %swap3A_322], %add3A_320 {strides = array<i32>} : memref<512x128xf32, #tpu.memory_space<vmem>>, vector<512x128xf32>,
    } else {
    }
    %add3A_80 = arith.constant 1024 : i32
    %add3A_81 = vector.broadcast %add3A_80 : i32 to vector<1x1024xi32>
    %add3A_82 = arith.addi %iota3A, %add3A_81 : vector<1x1024xi32>
    %gt3A_83 = arith.constant 1024 : i32
    %gt3A_84 = arith.cmpi sgt, %get3A_2, %gt3A_83 : i32
    %and3A_85 = arith.andi %lt3A, %gt3A_84 : i1
    %gt3A_86 = arith.constant 1024 : i32
    %gt3A_87 = arith.cmpi sgt, %get3A_0, %gt3A_86 : i32
    %and3A_88 = arith.andi %and3A_85, %gt3A_87 : i1
    %convert_element_type3A_89 = arith.extui %and3A_88 : i1 to i32
    %cond3A_90 = arith.constant 0 : i32
    %cond3A_91 = arith.cmpi ne, %convert_element_type3A_89, %cond3A_90 : i32
    scf.if %cond3A_91 {
      %lt3A_278 = vector.broadcast %get3A_6 : i32 to vector<1x1024xi32>
      %lt3A_279 = arith.cmpi slt, %add3A_82, %lt3A_278 : vector<1x1024xi32>
      %get3A_280 = arith.constant 0 : index
      %get3A_281 = arith.constant 1024 : index
      %get3A_282 = vector.load %arg8[%get3A_280, %get3A_281] : memref<1x4096xf32, #tpu.memory_space<vmem>>, vector<1x1024xf32>
      %get3A_283 = arith.constant 0 : index
      %get3A_284 = arith.constant 1024 : index
      %get3A_285 = vector.load %arg10[%get3A_283, %get3A_284] : memref<1x4096xf32, #tpu.memory_space<vmem>>, vector<1x1024xf32>
      %select_n3A_286 = arith.select %lt3A_279, %get3A_282, %get3A_285 : vector<1x1024xi1>, vector<1x1024xf32>
      %lt3A_287 = vector.broadcast %get3A_2 : i32 to vector<1x1024xi32>
      %lt3A_288 = arith.cmpi slt, %add3A_82, %lt3A_287 : vector<1x1024xi32>
      %sub3A_289 = vector.broadcast %select_n3A_286 : vector<1x1024xf32> to vector<512x1024xf32>
      %sub3A_290 = vector.broadcast %select_n3A : vector<512x1xf32> to vector<512x1024xf32>
      %sub3A_291 = arith.subf %sub3A_289, %sub3A_290 : vector<512x1024xf32>
      %max3A = arith.constant 0.000000e+00 : f32
      %max3A_292 = vector.broadcast %max3A : f32 to vector<512x1024xf32>
      %max3A_293 = arith.maximumf %sub3A_291, %max3A_292 : vector<512x1024xf32>
      %mul3A_294 = arith.mulf %max3A_293, %max3A_293 : vector<512x1024xf32>
      %add3A_295 = vector.broadcast %mul3A_51 : vector<512x1xf32> to vector<512x1024xf32>
      %add3A_296 = arith.addf %mul3A_294, %add3A_295 : vector<512x1024xf32>
      %jit3A_297 = arith.constant 0xFF800000 : f32
      %broadcast_in_dim3A_298 = vector.shape_cast %lt3A_288 : vector<1x1024xi1> to vector<1x1024xi1>
      %broadcast_in_dim3A_299 = vector.broadcast %broadcast_in_dim3A_298 : vector<1x1024xi1> to vector<512x1024xi1>
      %broadcast_in_dim3A_300 = vector.broadcast %jit3A_297 : f32 to vector<512x1024xf32>
      %select_n3A_301 = arith.select %broadcast_in_dim3A_299, %add3A_296, %broadcast_in_dim3A_300 : vector<512x1024xi1>, vector<512x1024xf32>
      %bitcast_convert_type3A = tpu.bitcast %select_n3A_301 : vector<512x1024xf32> -> vector<512x1024xi32>
      %or3A = arith.constant -2147483648 : i32
      %or3A_302 = vector.broadcast %or3A : i32 to vector<512x1024xi32>
      %or3A_303 = arith.ori %bitcast_convert_type3A, %or3A_302 : vector<512x1024xi32>
      %bitcast_convert_type3A_304 = tpu.bitcast %or3A_303 : vector<512x1024xi32> -> vector<512x1024xf32>
      %exp23A = math.exp2 %bitcast_convert_type3A_304 : vector<512x1024xf32>
      %add3A_305 = arith.constant 1.000000e+00 : f32
      %add3A_306 = vector.broadcast %add3A_305 : f32 to vector<512x1024xf32>
      %add3A_307 = arith.addf %add3A_306, %exp23A : vector<512x1024xf32>
      %log3A = math.log %add3A_307 : vector<512x1024xf32>
      %log3A_308 = arith.constant 2.000000e+00 : f32
      %log3A_309 = math.log %log3A_308 : f32
      %div3A_310 = vector.broadcast %log3A_309 : f32 to vector<512x1024xf32>
      %div3A_311 = arith.divf %log3A, %div3A_310 : vector<512x1024xf32>
      %max3A_312 = arith.constant 0.000000e+00 : f32
      %max3A_313 = vector.broadcast %max3A_312 : f32 to vector<512x1024xf32>
      %max3A_314 = arith.maximumf %select_n3A_301, %max3A_313 : vector<512x1024xf32>
      %mul3A_315 = arith.constant 0.346573591 : f32
      %mul3A_316 = vector.broadcast %mul3A_315 : f32 to vector<512x1024xf32>
      %mul3A_317 = arith.mulf %select_n3A_301, %mul3A_316 : vector<512x1024xf32>
      %tanh3A = math.tanh %mul3A_317 : vector<512x1024xf32>
      %get3A_318 = arith.constant 0 : index
      %get3A_319 = arith.constant 0 : index
      %get3A_320 = vector.load %arg16[%get3A_318, %get3A_319] : memref<512x128xf32, #tpu.memory_space<vmem>>, vector<512x128xf32>
      %add3A_321 = arith.addf %max3A_314, %div3A_311 : vector<512x1024xf32>
      %slice3A = vector.extract_strided_slice %add3A_321 {offsets = [0, 0], sizes = [512, 128], strides = [1, 1]} : vector<512x1024xf32> to vector<512x128xf32>
      %slice3A_322 = vector.extract_strided_slice %add3A_321 {offsets = [0, 128], sizes = [512, 128], strides = [1, 1]} : vector<512x1024xf32> to vector<512x128xf32>
      %add3A_323 = arith.addf %slice3A, %slice3A_322 : vector<512x128xf32>
      %slice3A_324 = vector.extract_strided_slice %add3A_321 {offsets = [0, 256], sizes = [512, 128], strides = [1, 1]} : vector<512x1024xf32> to vector<512x128xf32>
      %add3A_325 = arith.addf %add3A_323, %slice3A_324 : vector<512x128xf32>
      %slice3A_326 = vector.extract_strided_slice %add3A_321 {offsets = [0, 384], sizes = [512, 128], strides = [1, 1]} : vector<512x1024xf32> to vector<512x128xf32>
      %add3A_327 = arith.addf %add3A_325, %slice3A_326 : vector<512x128xf32>
      %slice3A_328 = vector.extract_strided_slice %add3A_321 {offsets = [0, 512], sizes = [512, 128], strides = [1, 1]} : vector<512x1024xf32> to vector<512x128xf32>
      %add3A_329 = arith.addf %add3A_327, %slice3A_328 : vector<512x128xf32>
      %slice3A_330 = vector.extract_strided_slice %add3A_321 {offsets = [0, 640], sizes = [512, 128], strides = [1, 1]} : vector<512x1024xf32> to vector<512x128xf32>
      %add3A_331 = arith.addf %add3A_329, %slice3A_330 : vector<512x128xf32>
      %slice3A_332 = vector.extract_strided_slice %add3A_321 {offsets = [0, 768], sizes = [512, 128], strides = [1, 1]} : vector<512x1024xf32> to vector<512x128xf32>
      %add3A_333 = arith.addf %add3A_331, %slice3A_332 : vector<512x128xf32>
      %slice3A_334 = vector.extract_strided_slice %add3A_321 {offsets = [0, 896], sizes = [512, 128], strides = [1, 1]} : vector<512x1024xf32> to vector<512x128xf32>
      %add3A_335 = arith.addf %add3A_333, %slice3A_334 : vector<512x128xf32>
      %add3A_336 = arith.addf %get3A_320, %add3A_335 : vector<512x128xf32>
      %swap3A_337 = arith.constant 0 : index
      %swap3A_338 = arith.constant 0 : index
      %swap3A_339 = vector.load %arg16[%swap3A_337, %swap3A_338] : memref<512x128xf32, #tpu.memory_space<vmem>>, vector<512x128xf32>
      tpu.vector_store %arg16[%swap3A_337, %swap3A_338], %add3A_336 {strides = array<i32>} : memref<512x128xf32, #tpu.memory_space<vmem>>, vector<512x128xf32>,
      %get3A_340 = arith.constant 0 : index
      %get3A_341 = arith.constant 0 : index
      %get3A_342 = vector.load %arg17[%get3A_340, %get3A_341] : memref<512x128xf32, #tpu.memory_space<vmem>>, vector<512x128xf32>
      %slice3A_343 = vector.extract_strided_slice %tanh3A {offsets = [0, 0], sizes = [512, 128], strides = [1, 1]} : vector<512x1024xf32> to vector<512x128xf32>
      %slice3A_344 = vector.extract_strided_slice %tanh3A {offsets = [0, 128], sizes = [512, 128], strides = [1, 1]} : vector<512x1024xf32> to vector<512x128xf32>
      %add3A_345 = arith.addf %slice3A_343, %slice3A_344 : vector<512x128xf32>
      %slice3A_346 = vector.extract_strided_slice %tanh3A {offsets = [0, 256], sizes = [512, 128], strides = [1, 1]} : vector<512x1024xf32> to vector<512x128xf32>
      %add3A_347 = arith.addf %add3A_345, %slice3A_346 : vector<512x128xf32>
      %slice3A_348 = vector.extract_strided_slice %tanh3A {offsets = [0, 384], sizes = [512, 128], strides = [1, 1]} : vector<512x1024xf32> to vector<512x128xf32>
      %add3A_349 = arith.addf %add3A_347, %slice3A_348 : vector<512x128xf32>
      %slice3A_350 = vector.extract_strided_slice %tanh3A {offsets = [0, 512], sizes = [512, 128], strides = [1, 1]} : vector<512x1024xf32> to vector<512x128xf32>
      %add3A_351 = arith.addf %add3A_349, %slice3A_350 : vector<512x128xf32>
      %slice3A_352 = vector.extract_strided_slice %tanh3A {offsets = [0, 640], sizes = [512, 128], strides = [1, 1]} : vector<512x1024xf32> to vector<512x128xf32>
      %add3A_353 = arith.addf %add3A_351, %slice3A_352 : vector<512x128xf32>
      %slice3A_354 = vector.extract_strided_slice %tanh3A {offsets = [0, 768], sizes = [512, 128], strides = [1, 1]} : vector<512x1024xf32> to vector<512x128xf32>
      %add3A_355 = arith.addf %add3A_353, %slice3A_354 : vector<512x128xf32>
      %slice3A_356 = vector.extract_strided_slice %tanh3A {offsets = [0, 896], sizes = [512, 128], strides = [1, 1]} : vector<512x1024xf32> to vector<512x128xf32>
      %add3A_357 = arith.addf %add3A_355, %slice3A_356 : vector<512x128xf32>
      %add3A_358 = arith.addf %get3A_342, %add3A_357 : vector<512x128xf32>
      %swap3A_359 = arith.constant 0 : index
      %swap3A_360 = arith.constant 0 : index
      %swap3A_361 = vector.load %arg17[%swap3A_359, %swap3A_360] : memref<512x128xf32, #tpu.memory_space<vmem>>, vector<512x128xf32>
      tpu.vector_store %arg17[%swap3A_359, %swap3A_360], %add3A_358 {strides = array<i32>} : memref<512x128xf32, #tpu.memory_space<vmem>>, vector<512x128xf32>,
      %lt3A_362 = vector.broadcast %get3A_4 : i32 to vector<1x1024xi32>
      %lt3A_363 = arith.cmpi slt, %add3A_82, %lt3A_362 : vector<1x1024xi32>
      %get3A_364 = arith.constant 0 : index
      %get3A_365 = arith.constant 1024 : index
      %get3A_366 = vector.load %arg9[%get3A_364, %get3A_365] : memref<1x4096xi32, #tpu.memory_space<vmem>>, vector<1x1024xi32>
      %get3A_367 = arith.constant 0 : index
      %get3A_368 = arith.constant 1024 : index
      %get3A_369 = vector.load %arg11[%get3A_367, %get3A_368] : memref<1x4096xi32, #tpu.memory_space<vmem>>, vector<1x1024xi32>
      %select_n3A_370 = arith.select %lt3A_363, %get3A_366, %get3A_369 : vector<1x1024xi1>, vector<1x1024xi32>
      %lt3A_371 = vector.broadcast %get3A_0 : i32 to vector<1x1024xi32>
      %lt3A_372 = arith.cmpi slt, %add3A_82, %lt3A_371 : vector<1x1024xi32>
      %jit3A_373 = arith.constant -1073741824 : i32
      %broadcast_in_dim3A_374 = vector.broadcast %jit3A_373 : i32 to vector<1x1024xi32>
      %select_n3A_375 = arith.select %lt3A_372, %select_n3A_370, %broadcast_in_dim3A_374 : vector<1x1024xi1>, vector<1x1024xi32>
      %sub3A_376 = vector.broadcast %select_n3A_375 : vector<1x1024xi32> to vector<512x1024xi32>
      %sub3A_377 = vector.broadcast %select_n3A_46 : vector<512x1xi32> to vector<512x1024xi32>
      %sub3A_378 = arith.subi %sub3A_376, %sub3A_377 : vector<512x1024xi32>
      %sub3A_379 = arith.constant 1 : i32
      %sub3A_380 = vector.broadcast %sub3A_379 : i32 to vector<512x1024xi32>
      %sub3A_381 = arith.subi %sub3A_378, %sub3A_380 : vector<512x1024xi32>
      %bitcast_convert_type3A_382 = tpu.bitcast %sub3A_381 : vector<512x1024xi32> -> vector<512x1024xi32>
      %lt3A_383 = arith.constant 4095 : i32
      %lt3A_384 = vector.broadcast %lt3A_383 : i32 to vector<512x1024xi32>
      %lt3A_385 = arith.cmpi ult, %bitcast_convert_type3A_382, %lt3A_384 : vector<512x1024xi32>
      %convert_element_type3A_386 = arith.extui %lt3A_385 : vector<512x1024xi1> to vector<512x1024xi32>
      %convert_element_type3A_387 = arith.sitofp %convert_element_type3A_386 : vector<512x1024xi32> to vector<512x1024xf32>
      %get3A_388 = arith.constant 0 : index
      %get3A_389 = arith.constant 0 : index
      %get3A_390 = vector.load %arg18[%get3A_388, %get3A_389] : memref<512x128xf32, #tpu.memory_space<vmem>>, vector<512x128xf32>
      %slice3A_391 = vector.extract_strided_slice %convert_element_type3A_387 {offsets = [0, 0], sizes = [512, 128], strides = [1, 1]} : vector<512x1024xf32> to vector<512x128xf32>
      %slice3A_392 = vector.extract_strided_slice %convert_element_type3A_387 {offsets = [0, 128], sizes = [512, 128], strides = [1, 1]} : vector<512x1024xf32> to vector<512x128xf32>
      %add3A_393 = arith.addf %slice3A_391, %slice3A_392 : vector<512x128xf32>
      %slice3A_394 = vector.extract_strided_slice %convert_element_type3A_387 {offsets = [0, 256], sizes = [512, 128], strides = [1, 1]} : vector<512x1024xf32> to vector<512x128xf32>
      %add3A_395 = arith.addf %add3A_393, %slice3A_394 : vector<512x128xf32>
      %slice3A_396 = vector.extract_strided_slice %convert_element_type3A_387 {offsets = [0, 384], sizes = [512, 128], strides = [1, 1]} : vector<512x1024xf32> to vector<512x128xf32>
      %add3A_397 = arith.addf %add3A_395, %slice3A_396 : vector<512x128xf32>
      %slice3A_398 = vector.extract_strided_slice %convert_element_type3A_387 {offsets = [0, 512], sizes = [512, 128], strides = [1, 1]} : vector<512x1024xf32> to vector<512x128xf32>
      %add3A_399 = arith.addf %add3A_397, %slice3A_398 : vector<512x128xf32>
      %slice3A_400 = vector.extract_strided_slice %convert_element_type3A_387 {offsets = [0, 640], sizes = [512, 128], strides = [1, 1]} : vector<512x1024xf32> to vector<512x128xf32>
      %add3A_401 = arith.addf %add3A_399, %slice3A_400 : vector<512x128xf32>
      %slice3A_402 = vector.extract_strided_slice %convert_element_type3A_387 {offsets = [0, 768], sizes = [512, 128], strides = [1, 1]} : vector<512x1024xf32> to vector<512x128xf32>
      %add3A_403 = arith.addf %add3A_401, %slice3A_402 : vector<512x128xf32>
      %slice3A_404 = vector.extract_strided_slice %convert_element_type3A_387 {offsets = [0, 896], sizes = [512, 128], strides = [1, 1]} : vector<512x1024xf32> to vector<512x128xf32>
      %add3A_405 = arith.addf %add3A_403, %slice3A_404 : vector<512x128xf32>
      %add3A_406 = arith.addf %get3A_390, %add3A_405 : vector<512x128xf32>
      %swap3A_407 = arith.constant 0 : index
      %swap3A_408 = arith.constant 0 : index
      %swap3A_409 = vector.load %arg18[%swap3A_407, %swap3A_408] : memref<512x128xf32, #tpu.memory_space<vmem>>, vector<512x128xf32>
      tpu.vector_store %arg18[%swap3A_407, %swap3A_408], %add3A_406 {strides = array<i32>} : memref<512x128xf32, #tpu.memory_space<vmem>>, vector<512x128xf32>,
    } else {
    }
    %gt3A_92 = arith.constant 1024 : i32
    %gt3A_93 = arith.cmpi sgt, %get3A_2, %gt3A_92 : i32
    %and3A_94 = arith.andi %lt3A, %gt3A_93 : i1
    %le3A_95 = arith.constant 1024 : i32
    %le3A_96 = arith.cmpi sle, %get3A_0, %le3A_95 : i32
    %and3A_97 = arith.andi %and3A_94, %le3A_96 : i1
    %convert_element_type3A_98 = arith.extui %and3A_97 : i1 to i32
    %cond3A_99 = arith.constant 0 : i32
    %cond3A_100 = arith.cmpi ne, %convert_element_type3A_98, %cond3A_99 : i32
    scf.if %cond3A_100 {
      %lt3A_278 = vector.broadcast %get3A_6 : i32 to vector<1x1024xi32>
      %lt3A_279 = arith.cmpi slt, %add3A_82, %lt3A_278 : vector<1x1024xi32>
      %get3A_280 = arith.constant 0 : index
      %get3A_281 = arith.constant 1024 : index
      %get3A_282 = vector.load %arg8[%get3A_280, %get3A_281] : memref<1x4096xf32, #tpu.memory_space<vmem>>, vector<1x1024xf32>
      %get3A_283 = arith.constant 0 : index
      %get3A_284 = arith.constant 1024 : index
      %get3A_285 = vector.load %arg10[%get3A_283, %get3A_284] : memref<1x4096xf32, #tpu.memory_space<vmem>>, vector<1x1024xf32>
      %select_n3A_286 = arith.select %lt3A_279, %get3A_282, %get3A_285 : vector<1x1024xi1>, vector<1x1024xf32>
      %lt3A_287 = vector.broadcast %get3A_2 : i32 to vector<1x1024xi32>
      %lt3A_288 = arith.cmpi slt, %add3A_82, %lt3A_287 : vector<1x1024xi32>
      %sub3A_289 = vector.broadcast %select_n3A_286 : vector<1x1024xf32> to vector<512x1024xf32>
      %sub3A_290 = vector.broadcast %select_n3A : vector<512x1xf32> to vector<512x1024xf32>
      %sub3A_291 = arith.subf %sub3A_289, %sub3A_290 : vector<512x1024xf32>
      %max3A = arith.constant 0.000000e+00 : f32
      %max3A_292 = vector.broadcast %max3A : f32 to vector<512x1024xf32>
      %max3A_293 = arith.maximumf %sub3A_291, %max3A_292 : vector<512x1024xf32>
      %mul3A_294 = arith.mulf %max3A_293, %max3A_293 : vector<512x1024xf32>
      %add3A_295 = vector.broadcast %mul3A_51 : vector<512x1xf32> to vector<512x1024xf32>
      %add3A_296 = arith.addf %mul3A_294, %add3A_295 : vector<512x1024xf32>
      %jit3A_297 = arith.constant 0xFF800000 : f32
      %broadcast_in_dim3A_298 = vector.shape_cast %lt3A_288 : vector<1x1024xi1> to vector<1x1024xi1>
      %broadcast_in_dim3A_299 = vector.broadcast %broadcast_in_dim3A_298 : vector<1x1024xi1> to vector<512x1024xi1>
      %broadcast_in_dim3A_300 = vector.broadcast %jit3A_297 : f32 to vector<512x1024xf32>
      %select_n3A_301 = arith.select %broadcast_in_dim3A_299, %add3A_296, %broadcast_in_dim3A_300 : vector<512x1024xi1>, vector<512x1024xf32>
      %bitcast_convert_type3A = tpu.bitcast %select_n3A_301 : vector<512x1024xf32> -> vector<512x1024xi32>
      %or3A = arith.constant -2147483648 : i32
      %or3A_302 = vector.broadcast %or3A : i32 to vector<512x1024xi32>
      %or3A_303 = arith.ori %bitcast_convert_type3A, %or3A_302 : vector<512x1024xi32>
      %bitcast_convert_type3A_304 = tpu.bitcast %or3A_303 : vector<512x1024xi32> -> vector<512x1024xf32>
      %exp23A = math.exp2 %bitcast_convert_type3A_304 : vector<512x1024xf32>
      %add3A_305 = arith.constant 1.000000e+00 : f32
      %add3A_306 = vector.broadcast %add3A_305 : f32 to vector<512x1024xf32>
      %add3A_307 = arith.addf %add3A_306, %exp23A : vector<512x1024xf32>
      %log3A = math.log %add3A_307 : vector<512x1024xf32>
      %log3A_308 = arith.constant 2.000000e+00 : f32
      %log3A_309 = math.log %log3A_308 : f32
      %div3A_310 = vector.broadcast %log3A_309 : f32 to vector<512x1024xf32>
      %div3A_311 = arith.divf %log3A, %div3A_310 : vector<512x1024xf32>
      %max3A_312 = arith.constant 0.000000e+00 : f32
      %max3A_313 = vector.broadcast %max3A_312 : f32 to vector<512x1024xf32>
      %max3A_314 = arith.maximumf %select_n3A_301, %max3A_313 : vector<512x1024xf32>
      %mul3A_315 = arith.constant 0.346573591 : f32
      %mul3A_316 = vector.broadcast %mul3A_315 : f32 to vector<512x1024xf32>
      %mul3A_317 = arith.mulf %select_n3A_301, %mul3A_316 : vector<512x1024xf32>
      %tanh3A = math.tanh %mul3A_317 : vector<512x1024xf32>
      %get3A_318 = arith.constant 0 : index
      %get3A_319 = arith.constant 0 : index
      %get3A_320 = vector.load %arg16[%get3A_318, %get3A_319] : memref<512x128xf32, #tpu.memory_space<vmem>>, vector<512x128xf32>
      %add3A_321 = arith.addf %max3A_314, %div3A_311 : vector<512x1024xf32>
      %slice3A = vector.extract_strided_slice %add3A_321 {offsets = [0, 0], sizes = [512, 128], strides = [1, 1]} : vector<512x1024xf32> to vector<512x128xf32>
      %slice3A_322 = vector.extract_strided_slice %add3A_321 {offsets = [0, 128], sizes = [512, 128], strides = [1, 1]} : vector<512x1024xf32> to vector<512x128xf32>
      %add3A_323 = arith.addf %slice3A, %slice3A_322 : vector<512x128xf32>
      %slice3A_324 = vector.extract_strided_slice %add3A_321 {offsets = [0, 256], sizes = [512, 128], strides = [1, 1]} : vector<512x1024xf32> to vector<512x128xf32>
      %add3A_325 = arith.addf %add3A_323, %slice3A_324 : vector<512x128xf32>
      %slice3A_326 = vector.extract_strided_slice %add3A_321 {offsets = [0, 384], sizes = [512, 128], strides = [1, 1]} : vector<512x1024xf32> to vector<512x128xf32>
      %add3A_327 = arith.addf %add3A_325, %slice3A_326 : vector<512x128xf32>
      %slice3A_328 = vector.extract_strided_slice %add3A_321 {offsets = [0, 512], sizes = [512, 128], strides = [1, 1]} : vector<512x1024xf32> to vector<512x128xf32>
      %add3A_329 = arith.addf %add3A_327, %slice3A_328 : vector<512x128xf32>
      %slice3A_330 = vector.extract_strided_slice %add3A_321 {offsets = [0, 640], sizes = [512, 128], strides = [1, 1]} : vector<512x1024xf32> to vector<512x128xf32>
      %add3A_331 = arith.addf %add3A_329, %slice3A_330 : vector<512x128xf32>
      %slice3A_332 = vector.extract_strided_slice %add3A_321 {offsets = [0, 768], sizes = [512, 128], strides = [1, 1]} : vector<512x1024xf32> to vector<512x128xf32>
      %add3A_333 = arith.addf %add3A_331, %slice3A_332 : vector<512x128xf32>
      %slice3A_334 = vector.extract_strided_slice %add3A_321 {offsets = [0, 896], sizes = [512, 128], strides = [1, 1]} : vector<512x1024xf32> to vector<512x128xf32>
      %add3A_335 = arith.addf %add3A_333, %slice3A_334 : vector<512x128xf32>
      %add3A_336 = arith.addf %get3A_320, %add3A_335 : vector<512x128xf32>
      %swap3A_337 = arith.constant 0 : index
      %swap3A_338 = arith.constant 0 : index
      %swap3A_339 = vector.load %arg16[%swap3A_337, %swap3A_338] : memref<512x128xf32, #tpu.memory_space<vmem>>, vector<512x128xf32>
      tpu.vector_store %arg16[%swap3A_337, %swap3A_338], %add3A_336 {strides = array<i32>} : memref<512x128xf32, #tpu.memory_space<vmem>>, vector<512x128xf32>,
      %get3A_340 = arith.constant 0 : index
      %get3A_341 = arith.constant 0 : index
      %get3A_342 = vector.load %arg17[%get3A_340, %get3A_341] : memref<512x128xf32, #tpu.memory_space<vmem>>, vector<512x128xf32>
      %slice3A_343 = vector.extract_strided_slice %tanh3A {offsets = [0, 0], sizes = [512, 128], strides = [1, 1]} : vector<512x1024xf32> to vector<512x128xf32>
      %slice3A_344 = vector.extract_strided_slice %tanh3A {offsets = [0, 128], sizes = [512, 128], strides = [1, 1]} : vector<512x1024xf32> to vector<512x128xf32>
      %add3A_345 = arith.addf %slice3A_343, %slice3A_344 : vector<512x128xf32>
      %slice3A_346 = vector.extract_strided_slice %tanh3A {offsets = [0, 256], sizes = [512, 128], strides = [1, 1]} : vector<512x1024xf32> to vector<512x128xf32>
      %add3A_347 = arith.addf %add3A_345, %slice3A_346 : vector<512x128xf32>
      %slice3A_348 = vector.extract_strided_slice %tanh3A {offsets = [0, 384], sizes = [512, 128], strides = [1, 1]} : vector<512x1024xf32> to vector<512x128xf32>
      %add3A_349 = arith.addf %add3A_347, %slice3A_348 : vector<512x128xf32>
      %slice3A_350 = vector.extract_strided_slice %tanh3A {offsets = [0, 512], sizes = [512, 128], strides = [1, 1]} : vector<512x1024xf32> to vector<512x128xf32>
      %add3A_351 = arith.addf %add3A_349, %slice3A_350 : vector<512x128xf32>
      %slice3A_352 = vector.extract_strided_slice %tanh3A {offsets = [0, 640], sizes = [512, 128], strides = [1, 1]} : vector<512x1024xf32> to vector<512x128xf32>
      %add3A_353 = arith.addf %add3A_351, %slice3A_352 : vector<512x128xf32>
      %slice3A_354 = vector.extract_strided_slice %tanh3A {offsets = [0, 768], sizes = [512, 128], strides = [1, 1]} : vector<512x1024xf32> to vector<512x128xf32>
      %add3A_355 = arith.addf %add3A_353, %slice3A_354 : vector<512x128xf32>
      %slice3A_356 = vector.extract_strided_slice %tanh3A {offsets = [0, 896], sizes = [512, 128], strides = [1, 1]} : vector<512x1024xf32> to vector<512x128xf32>
      %add3A_357 = arith.addf %add3A_355, %slice3A_356 : vector<512x128xf32>
      %add3A_358 = arith.addf %get3A_342, %add3A_357 : vector<512x128xf32>
      %swap3A_359 = arith.constant 0 : index
      %swap3A_360 = arith.constant 0 : index
      %swap3A_361 = vector.load %arg17[%swap3A_359, %swap3A_360] : memref<512x128xf32, #tpu.memory_space<vmem>>, vector<512x128xf32>
      tpu.vector_store %arg17[%swap3A_359, %swap3A_360], %add3A_358 {strides = array<i32>} : memref<512x128xf32, #tpu.memory_space<vmem>>, vector<512x128xf32>,
    } else {
    }
    %le3A_101 = arith.constant 1024 : i32
    %le3A_102 = arith.cmpi sle, %get3A_2, %le3A_101 : i32
    %and3A_103 = arith.andi %lt3A, %le3A_102 : i1
    %gt3A_104 = arith.constant 1024 : i32
    %gt3A_105 = arith.cmpi sgt, %get3A_0, %gt3A_104 : i32
    %and3A_106 = arith.andi %and3A_103, %gt3A_105 : i1
    %convert_element_type3A_107 = arith.extui %and3A_106 : i1 to i32
    %cond3A_108 = arith.constant 0 : i32
    %cond3A_109 = arith.cmpi ne, %convert_element_type3A_107, %cond3A_108 : i32
    scf.if %cond3A_109 {
      %lt3A_278 = vector.broadcast %get3A_4 : i32 to vector<1x1024xi32>
      %lt3A_279 = arith.cmpi slt, %add3A_82, %lt3A_278 : vector<1x1024xi32>
      %get3A_280 = arith.constant 0 : index
      %get3A_281 = arith.constant 1024 : index
      %get3A_282 = vector.load %arg9[%get3A_280, %get3A_281] : memref<1x4096xi32, #tpu.memory_space<vmem>>, vector<1x1024xi32>
      %get3A_283 = arith.constant 0 : index
      %get3A_284 = arith.constant 1024 : index
      %get3A_285 = vector.load %arg11[%get3A_283, %get3A_284] : memref<1x4096xi32, #tpu.memory_space<vmem>>, vector<1x1024xi32>
      %select_n3A_286 = arith.select %lt3A_279, %get3A_282, %get3A_285 : vector<1x1024xi1>, vector<1x1024xi32>
      %lt3A_287 = vector.broadcast %get3A_0 : i32 to vector<1x1024xi32>
      %lt3A_288 = arith.cmpi slt, %add3A_82, %lt3A_287 : vector<1x1024xi32>
      %jit3A_289 = arith.constant -1073741824 : i32
      %broadcast_in_dim3A_290 = vector.broadcast %jit3A_289 : i32 to vector<1x1024xi32>
      %select_n3A_291 = arith.select %lt3A_288, %select_n3A_286, %broadcast_in_dim3A_290 : vector<1x1024xi1>, vector<1x1024xi32>
      %sub3A_292 = vector.broadcast %select_n3A_291 : vector<1x1024xi32> to vector<512x1024xi32>
      %sub3A_293 = vector.broadcast %select_n3A_46 : vector<512x1xi32> to vector<512x1024xi32>
      %sub3A_294 = arith.subi %sub3A_292, %sub3A_293 : vector<512x1024xi32>
      %sub3A_295 = arith.constant 1 : i32
      %sub3A_296 = vector.broadcast %sub3A_295 : i32 to vector<512x1024xi32>
      %sub3A_297 = arith.subi %sub3A_294, %sub3A_296 : vector<512x1024xi32>
      %bitcast_convert_type3A = tpu.bitcast %sub3A_297 : vector<512x1024xi32> -> vector<512x1024xi32>
      %lt3A_298 = arith.constant 4095 : i32
      %lt3A_299 = vector.broadcast %lt3A_298 : i32 to vector<512x1024xi32>
      %lt3A_300 = arith.cmpi ult, %bitcast_convert_type3A, %lt3A_299 : vector<512x1024xi32>
      %convert_element_type3A_301 = arith.extui %lt3A_300 : vector<512x1024xi1> to vector<512x1024xi32>
      %convert_element_type3A_302 = arith.sitofp %convert_element_type3A_301 : vector<512x1024xi32> to vector<512x1024xf32>
      %get3A_303 = arith.constant 0 : index
      %get3A_304 = arith.constant 0 : index
      %get3A_305 = vector.load %arg18[%get3A_303, %get3A_304] : memref<512x128xf32, #tpu.memory_space<vmem>>, vector<512x128xf32>
      %slice3A = vector.extract_strided_slice %convert_element_type3A_302 {offsets = [0, 0], sizes = [512, 128], strides = [1, 1]} : vector<512x1024xf32> to vector<512x128xf32>
      %slice3A_306 = vector.extract_strided_slice %convert_element_type3A_302 {offsets = [0, 128], sizes = [512, 128], strides = [1, 1]} : vector<512x1024xf32> to vector<512x128xf32>
      %add3A_307 = arith.addf %slice3A, %slice3A_306 : vector<512x128xf32>
      %slice3A_308 = vector.extract_strided_slice %convert_element_type3A_302 {offsets = [0, 256], sizes = [512, 128], strides = [1, 1]} : vector<512x1024xf32> to vector<512x128xf32>
      %add3A_309 = arith.addf %add3A_307, %slice3A_308 : vector<512x128xf32>
      %slice3A_310 = vector.extract_strided_slice %convert_element_type3A_302 {offsets = [0, 384], sizes = [512, 128], strides = [1, 1]} : vector<512x1024xf32> to vector<512x128xf32>
      %add3A_311 = arith.addf %add3A_309, %slice3A_310 : vector<512x128xf32>
      %slice3A_312 = vector.extract_strided_slice %convert_element_type3A_302 {offsets = [0, 512], sizes = [512, 128], strides = [1, 1]} : vector<512x1024xf32> to vector<512x128xf32>
      %add3A_313 = arith.addf %add3A_311, %slice3A_312 : vector<512x128xf32>
      %slice3A_314 = vector.extract_strided_slice %convert_element_type3A_302 {offsets = [0, 640], sizes = [512, 128], strides = [1, 1]} : vector<512x1024xf32> to vector<512x128xf32>
      %add3A_315 = arith.addf %add3A_313, %slice3A_314 : vector<512x128xf32>
      %slice3A_316 = vector.extract_strided_slice %convert_element_type3A_302 {offsets = [0, 768], sizes = [512, 128], strides = [1, 1]} : vector<512x1024xf32> to vector<512x128xf32>
      %add3A_317 = arith.addf %add3A_315, %slice3A_316 : vector<512x128xf32>
      %slice3A_318 = vector.extract_strided_slice %convert_element_type3A_302 {offsets = [0, 896], sizes = [512, 128], strides = [1, 1]} : vector<512x1024xf32> to vector<512x128xf32>
      %add3A_319 = arith.addf %add3A_317, %slice3A_318 : vector<512x128xf32>
      %add3A_320 = arith.addf %get3A_305, %add3A_319 : vector<512x128xf32>
      %swap3A_321 = arith.constant 0 : index
      %swap3A_322 = arith.constant 0 : index
      %swap3A_323 = vector.load %arg18[%swap3A_321, %swap3A_322] : memref<512x128xf32, #tpu.memory_space<vmem>>, vector<512x128xf32>
      tpu.vector_store %arg18[%swap3A_321, %swap3A_322], %add3A_320 {strides = array<i32>} : memref<512x128xf32, #tpu.memory_space<vmem>>, vector<512x128xf32>,
    } else {
    }
    %add3A_110 = arith.constant 2048 : i32
    %add3A_111 = vector.broadcast %add3A_110 : i32 to vector<1x1024xi32>
    %add3A_112 = arith.addi %iota3A, %add3A_111 : vector<1x1024xi32>
    %gt3A_113 = arith.constant 2048 : i32
    %gt3A_114 = arith.cmpi sgt, %get3A_2, %gt3A_113 : i32
    %and3A_115 = arith.andi %lt3A, %gt3A_114 : i1
    %gt3A_116 = arith.constant 2048 : i32
    %gt3A_117 = arith.cmpi sgt, %get3A_0, %gt3A_116 : i32
    %and3A_118 = arith.andi %and3A_115, %gt3A_117 : i1
    %convert_element_type3A_119 = arith.extui %and3A_118 : i1 to i32
    %cond3A_120 = arith.constant 0 : i32
    %cond3A_121 = arith.cmpi ne, %convert_element_type3A_119, %cond3A_120 : i32
    scf.if %cond3A_121 {
      %lt3A_278 = vector.broadcast %get3A_6 : i32 to vector<1x1024xi32>
      %lt3A_279 = arith.cmpi slt, %add3A_112, %lt3A_278 : vector<1x1024xi32>
      %get3A_280 = arith.constant 0 : index
      %get3A_281 = arith.constant 2048 : index
      %get3A_282 = vector.load %arg8[%get3A_280, %get3A_281] : memref<1x4096xf32, #tpu.memory_space<vmem>>, vector<1x1024xf32>
      %get3A_283 = arith.constant 0 : index
      %get3A_284 = arith.constant 2048 : index
      %get3A_285 = vector.load %arg10[%get3A_283, %get3A_284] : memref<1x4096xf32, #tpu.memory_space<vmem>>, vector<1x1024xf32>
      %select_n3A_286 = arith.select %lt3A_279, %get3A_282, %get3A_285 : vector<1x1024xi1>, vector<1x1024xf32>
      %lt3A_287 = vector.broadcast %get3A_2 : i32 to vector<1x1024xi32>
      %lt3A_288 = arith.cmpi slt, %add3A_112, %lt3A_287 : vector<1x1024xi32>
      %sub3A_289 = vector.broadcast %select_n3A_286 : vector<1x1024xf32> to vector<512x1024xf32>
      %sub3A_290 = vector.broadcast %select_n3A : vector<512x1xf32> to vector<512x1024xf32>
      %sub3A_291 = arith.subf %sub3A_289, %sub3A_290 : vector<512x1024xf32>
      %max3A = arith.constant 0.000000e+00 : f32
      %max3A_292 = vector.broadcast %max3A : f32 to vector<512x1024xf32>
      %max3A_293 = arith.maximumf %sub3A_291, %max3A_292 : vector<512x1024xf32>
      %mul3A_294 = arith.mulf %max3A_293, %max3A_293 : vector<512x1024xf32>
      %add3A_295 = vector.broadcast %mul3A_51 : vector<512x1xf32> to vector<512x1024xf32>
      %add3A_296 = arith.addf %mul3A_294, %add3A_295 : vector<512x1024xf32>
      %jit3A_297 = arith.constant 0xFF800000 : f32
      %broadcast_in_dim3A_298 = vector.shape_cast %lt3A_288 : vector<1x1024xi1> to vector<1x1024xi1>
      %broadcast_in_dim3A_299 = vector.broadcast %broadcast_in_dim3A_298 : vector<1x1024xi1> to vector<512x1024xi1>
      %broadcast_in_dim3A_300 = vector.broadcast %jit3A_297 : f32 to vector<512x1024xf32>
      %select_n3A_301 = arith.select %broadcast_in_dim3A_299, %add3A_296, %broadcast_in_dim3A_300 : vector<512x1024xi1>, vector<512x1024xf32>
      %bitcast_convert_type3A = tpu.bitcast %select_n3A_301 : vector<512x1024xf32> -> vector<512x1024xi32>
      %or3A = arith.constant -2147483648 : i32
      %or3A_302 = vector.broadcast %or3A : i32 to vector<512x1024xi32>
      %or3A_303 = arith.ori %bitcast_convert_type3A, %or3A_302 : vector<512x1024xi32>
      %bitcast_convert_type3A_304 = tpu.bitcast %or3A_303 : vector<512x1024xi32> -> vector<512x1024xf32>
      %exp23A = math.exp2 %bitcast_convert_type3A_304 : vector<512x1024xf32>
      %add3A_305 = arith.constant 1.000000e+00 : f32
      %add3A_306 = vector.broadcast %add3A_305 : f32 to vector<512x1024xf32>
      %add3A_307 = arith.addf %add3A_306, %exp23A : vector<512x1024xf32>
      %log3A = math.log %add3A_307 : vector<512x1024xf32>
      %log3A_308 = arith.constant 2.000000e+00 : f32
      %log3A_309 = math.log %log3A_308 : f32
      %div3A_310 = vector.broadcast %log3A_309 : f32 to vector<512x1024xf32>
      %div3A_311 = arith.divf %log3A, %div3A_310 : vector<512x1024xf32>
      %max3A_312 = arith.constant 0.000000e+00 : f32
      %max3A_313 = vector.broadcast %max3A_312 : f32 to vector<512x1024xf32>
      %max3A_314 = arith.maximumf %select_n3A_301, %max3A_313 : vector<512x1024xf32>
      %mul3A_315 = arith.constant 0.346573591 : f32
      %mul3A_316 = vector.broadcast %mul3A_315 : f32 to vector<512x1024xf32>
      %mul3A_317 = arith.mulf %select_n3A_301, %mul3A_316 : vector<512x1024xf32>
      %tanh3A = math.tanh %mul3A_317 : vector<512x1024xf32>
      %get3A_318 = arith.constant 0 : index
      %get3A_319 = arith.constant 0 : index
      %get3A_320 = vector.load %arg16[%get3A_318, %get3A_319] : memref<512x128xf32, #tpu.memory_space<vmem>>, vector<512x128xf32>
      %add3A_321 = arith.addf %max3A_314, %div3A_311 : vector<512x1024xf32>
      %slice3A = vector.extract_strided_slice %add3A_321 {offsets = [0, 0], sizes = [512, 128], strides = [1, 1]} : vector<512x1024xf32> to vector<512x128xf32>
      %slice3A_322 = vector.extract_strided_slice %add3A_321 {offsets = [0, 128], sizes = [512, 128], strides = [1, 1]} : vector<512x1024xf32> to vector<512x128xf32>
      %add3A_323 = arith.addf %slice3A, %slice3A_322 : vector<512x128xf32>
      %slice3A_324 = vector.extract_strided_slice %add3A_321 {offsets = [0, 256], sizes = [512, 128], strides = [1, 1]} : vector<512x1024xf32> to vector<512x128xf32>
      %add3A_325 = arith.addf %add3A_323, %slice3A_324 : vector<512x128xf32>
      %slice3A_326 = vector.extract_strided_slice %add3A_321 {offsets = [0, 384], sizes = [512, 128], strides = [1, 1]} : vector<512x1024xf32> to vector<512x128xf32>
      %add3A_327 = arith.addf %add3A_325, %slice3A_326 : vector<512x128xf32>
      %slice3A_328 = vector.extract_strided_slice %add3A_321 {offsets = [0, 512], sizes = [512, 128], strides = [1, 1]} : vector<512x1024xf32> to vector<512x128xf32>
      %add3A_329 = arith.addf %add3A_327, %slice3A_328 : vector<512x128xf32>
      %slice3A_330 = vector.extract_strided_slice %add3A_321 {offsets = [0, 640], sizes = [512, 128], strides = [1, 1]} : vector<512x1024xf32> to vector<512x128xf32>
      %add3A_331 = arith.addf %add3A_329, %slice3A_330 : vector<512x128xf32>
      %slice3A_332 = vector.extract_strided_slice %add3A_321 {offsets = [0, 768], sizes = [512, 128], strides = [1, 1]} : vector<512x1024xf32> to vector<512x128xf32>
      %add3A_333 = arith.addf %add3A_331, %slice3A_332 : vector<512x128xf32>
      %slice3A_334 = vector.extract_strided_slice %add3A_321 {offsets = [0, 896], sizes = [512, 128], strides = [1, 1]} : vector<512x1024xf32> to vector<512x128xf32>
      %add3A_335 = arith.addf %add3A_333, %slice3A_334 : vector<512x128xf32>
      %add3A_336 = arith.addf %get3A_320, %add3A_335 : vector<512x128xf32>
      %swap3A_337 = arith.constant 0 : index
      %swap3A_338 = arith.constant 0 : index
      %swap3A_339 = vector.load %arg16[%swap3A_337, %swap3A_338] : memref<512x128xf32, #tpu.memory_space<vmem>>, vector<512x128xf32>
      tpu.vector_store %arg16[%swap3A_337, %swap3A_338], %add3A_336 {strides = array<i32>} : memref<512x128xf32, #tpu.memory_space<vmem>>, vector<512x128xf32>,
      %get3A_340 = arith.constant 0 : index
      %get3A_341 = arith.constant 0 : index
      %get3A_342 = vector.load %arg17[%get3A_340, %get3A_341] : memref<512x128xf32, #tpu.memory_space<vmem>>, vector<512x128xf32>
      %slice3A_343 = vector.extract_strided_slice %tanh3A {offsets = [0, 0], sizes = [512, 128], strides = [1, 1]} : vector<512x1024xf32> to vector<512x128xf32>
      %slice3A_344 = vector.extract_strided_slice %tanh3A {offsets = [0, 128], sizes = [512, 128], strides = [1, 1]} : vector<512x1024xf32> to vector<512x128xf32>
      %add3A_345 = arith.addf %slice3A_343, %slice3A_344 : vector<512x128xf32>
      %slice3A_346 = vector.extract_strided_slice %tanh3A {offsets = [0, 256], sizes = [512, 128], strides = [1, 1]} : vector<512x1024xf32> to vector<512x128xf32>
      %add3A_347 = arith.addf %add3A_345, %slice3A_346 : vector<512x128xf32>
      %slice3A_348 = vector.extract_strided_slice %tanh3A {offsets = [0, 384], sizes = [512, 128], strides = [1, 1]} : vector<512x1024xf32> to vector<512x128xf32>
      %add3A_349 = arith.addf %add3A_347, %slice3A_348 : vector<512x128xf32>
      %slice3A_350 = vector.extract_strided_slice %tanh3A {offsets = [0, 512], sizes = [512, 128], strides = [1, 1]} : vector<512x1024xf32> to vector<512x128xf32>
      %add3A_351 = arith.addf %add3A_349, %slice3A_350 : vector<512x128xf32>
      %slice3A_352 = vector.extract_strided_slice %tanh3A {offsets = [0, 640], sizes = [512, 128], strides = [1, 1]} : vector<512x1024xf32> to vector<512x128xf32>
      %add3A_353 = arith.addf %add3A_351, %slice3A_352 : vector<512x128xf32>
      %slice3A_354 = vector.extract_strided_slice %tanh3A {offsets = [0, 768], sizes = [512, 128], strides = [1, 1]} : vector<512x1024xf32> to vector<512x128xf32>
      %add3A_355 = arith.addf %add3A_353, %slice3A_354 : vector<512x128xf32>
      %slice3A_356 = vector.extract_strided_slice %tanh3A {offsets = [0, 896], sizes = [512, 128], strides = [1, 1]} : vector<512x1024xf32> to vector<512x128xf32>
      %add3A_357 = arith.addf %add3A_355, %slice3A_356 : vector<512x128xf32>
      %add3A_358 = arith.addf %get3A_342, %add3A_357 : vector<512x128xf32>
      %swap3A_359 = arith.constant 0 : index
      %swap3A_360 = arith.constant 0 : index
      %swap3A_361 = vector.load %arg17[%swap3A_359, %swap3A_360] : memref<512x128xf32, #tpu.memory_space<vmem>>, vector<512x128xf32>
      tpu.vector_store %arg17[%swap3A_359, %swap3A_360], %add3A_358 {strides = array<i32>} : memref<512x128xf32, #tpu.memory_space<vmem>>, vector<512x128xf32>,
      %lt3A_362 = vector.broadcast %get3A_4 : i32 to vector<1x1024xi32>
      %lt3A_363 = arith.cmpi slt, %add3A_112, %lt3A_362 : vector<1x1024xi32>
      %get3A_364 = arith.constant 0 : index
      %get3A_365 = arith.constant 2048 : index
      %get3A_366 = vector.load %arg9[%get3A_364, %get3A_365] : memref<1x4096xi32, #tpu.memory_space<vmem>>, vector<1x1024xi32>
      %get3A_367 = arith.constant 0 : index
      %get3A_368 = arith.constant 2048 : index
      %get3A_369 = vector.load %arg11[%get3A_367, %get3A_368] : memref<1x4096xi32, #tpu.memory_space<vmem>>, vector<1x1024xi32>
      %select_n3A_370 = arith.select %lt3A_363, %get3A_366, %get3A_369 : vector<1x1024xi1>, vector<1x1024xi32>
      %lt3A_371 = vector.broadcast %get3A_0 : i32 to vector<1x1024xi32>
      %lt3A_372 = arith.cmpi slt, %add3A_112, %lt3A_371 : vector<1x1024xi32>
      %jit3A_373 = arith.constant -1073741824 : i32
      %broadcast_in_dim3A_374 = vector.broadcast %jit3A_373 : i32 to vector<1x1024xi32>
      %select_n3A_375 = arith.select %lt3A_372, %select_n3A_370, %broadcast_in_dim3A_374 : vector<1x1024xi1>, vector<1x1024xi32>
      %sub3A_376 = vector.broadcast %select_n3A_375 : vector<1x1024xi32> to vector<512x1024xi32>
      %sub3A_377 = vector.broadcast %select_n3A_46 : vector<512x1xi32> to vector<512x1024xi32>
      %sub3A_378 = arith.subi %sub3A_376, %sub3A_377 : vector<512x1024xi32>
      %sub3A_379 = arith.constant 1 : i32
      %sub3A_380 = vector.broadcast %sub3A_379 : i32 to vector<512x1024xi32>
      %sub3A_381 = arith.subi %sub3A_378, %sub3A_380 : vector<512x1024xi32>
      %bitcast_convert_type3A_382 = tpu.bitcast %sub3A_381 : vector<512x1024xi32> -> vector<512x1024xi32>
      %lt3A_383 = arith.constant 4095 : i32
      %lt3A_384 = vector.broadcast %lt3A_383 : i32 to vector<512x1024xi32>
      %lt3A_385 = arith.cmpi ult, %bitcast_convert_type3A_382, %lt3A_384 : vector<512x1024xi32>
      %convert_element_type3A_386 = arith.extui %lt3A_385 : vector<512x1024xi1> to vector<512x1024xi32>
      %convert_element_type3A_387 = arith.sitofp %convert_element_type3A_386 : vector<512x1024xi32> to vector<512x1024xf32>
      %get3A_388 = arith.constant 0 : index
      %get3A_389 = arith.constant 0 : index
      %get3A_390 = vector.load %arg18[%get3A_388, %get3A_389] : memref<512x128xf32, #tpu.memory_space<vmem>>, vector<512x128xf32>
      %slice3A_391 = vector.extract_strided_slice %convert_element_type3A_387 {offsets = [0, 0], sizes = [512, 128], strides = [1, 1]} : vector<512x1024xf32> to vector<512x128xf32>
      %slice3A_392 = vector.extract_strided_slice %convert_element_type3A_387 {offsets = [0, 128], sizes = [512, 128], strides = [1, 1]} : vector<512x1024xf32> to vector<512x128xf32>
      %add3A_393 = arith.addf %slice3A_391, %slice3A_392 : vector<512x128xf32>
      %slice3A_394 = vector.extract_strided_slice %convert_element_type3A_387 {offsets = [0, 256], sizes = [512, 128], strides = [1, 1]} : vector<512x1024xf32> to vector<512x128xf32>
      %add3A_395 = arith.addf %add3A_393, %slice3A_394 : vector<512x128xf32>
      %slice3A_396 = vector.extract_strided_slice %convert_element_type3A_387 {offsets = [0, 384], sizes = [512, 128], strides = [1, 1]} : vector<512x1024xf32> to vector<512x128xf32>
      %add3A_397 = arith.addf %add3A_395, %slice3A_396 : vector<512x128xf32>
      %slice3A_398 = vector.extract_strided_slice %convert_element_type3A_387 {offsets = [0, 512], sizes = [512, 128], strides = [1, 1]} : vector<512x1024xf32> to vector<512x128xf32>
      %add3A_399 = arith.addf %add3A_397, %slice3A_398 : vector<512x128xf32>
      %slice3A_400 = vector.extract_strided_slice %convert_element_type3A_387 {offsets = [0, 640], sizes = [512, 128], strides = [1, 1]} : vector<512x1024xf32> to vector<512x128xf32>
      %add3A_401 = arith.addf %add3A_399, %slice3A_400 : vector<512x128xf32>
      %slice3A_402 = vector.extract_strided_slice %convert_element_type3A_387 {offsets = [0, 768], sizes = [512, 128], strides = [1, 1]} : vector<512x1024xf32> to vector<512x128xf32>
      %add3A_403 = arith.addf %add3A_401, %slice3A_402 : vector<512x128xf32>
      %slice3A_404 = vector.extract_strided_slice %convert_element_type3A_387 {offsets = [0, 896], sizes = [512, 128], strides = [1, 1]} : vector<512x1024xf32> to vector<512x128xf32>
      %add3A_405 = arith.addf %add3A_403, %slice3A_404 : vector<512x128xf32>
      %add3A_406 = arith.addf %get3A_390, %add3A_405 : vector<512x128xf32>
      %swap3A_407 = arith.constant 0 : index
      %swap3A_408 = arith.constant 0 : index
      %swap3A_409 = vector.load %arg18[%swap3A_407, %swap3A_408] : memref<512x128xf32, #tpu.memory_space<vmem>>, vector<512x128xf32>
      tpu.vector_store %arg18[%swap3A_407, %swap3A_408], %add3A_406 {strides = array<i32>} : memref<512x128xf32, #tpu.memory_space<vmem>>, vector<512x128xf32>,
    } else {
    }
    %gt3A_122 = arith.constant 2048 : i32
    %gt3A_123 = arith.cmpi sgt, %get3A_2, %gt3A_122 : i32
    %and3A_124 = arith.andi %lt3A, %gt3A_123 : i1
    %le3A_125 = arith.constant 2048 : i32
    %le3A_126 = arith.cmpi sle, %get3A_0, %le3A_125 : i32
    %and3A_127 = arith.andi %and3A_124, %le3A_126 : i1
    %convert_element_type3A_128 = arith.extui %and3A_127 : i1 to i32
    %cond3A_129 = arith.constant 0 : i32
    %cond3A_130 = arith.cmpi ne, %convert_element_type3A_128, %cond3A_129 : i32
    scf.if %cond3A_130 {
      %lt3A_278 = vector.broadcast %get3A_6 : i32 to vector<1x1024xi32>
      %lt3A_279 = arith.cmpi slt, %add3A_112, %lt3A_278 : vector<1x1024xi32>
      %get3A_280 = arith.constant 0 : index
      %get3A_281 = arith.constant 2048 : index
      %get3A_282 = vector.load %arg8[%get3A_280, %get3A_281] : memref<1x4096xf32, #tpu.memory_space<vmem>>, vector<1x1024xf32>
      %get3A_283 = arith.constant 0 : index
      %get3A_284 = arith.constant 2048 : index
      %get3A_285 = vector.load %arg10[%get3A_283, %get3A_284] : memref<1x4096xf32, #tpu.memory_space<vmem>>, vector<1x1024xf32>
      %select_n3A_286 = arith.select %lt3A_279, %get3A_282, %get3A_285 : vector<1x1024xi1>, vector<1x1024xf32>
      %lt3A_287 = vector.broadcast %get3A_2 : i32 to vector<1x1024xi32>
      %lt3A_288 = arith.cmpi slt, %add3A_112, %lt3A_287 : vector<1x1024xi32>
      %sub3A_289 = vector.broadcast %select_n3A_286 : vector<1x1024xf32> to vector<512x1024xf32>
      %sub3A_290 = vector.broadcast %select_n3A : vector<512x1xf32> to vector<512x1024xf32>
      %sub3A_291 = arith.subf %sub3A_289, %sub3A_290 : vector<512x1024xf32>
      %max3A = arith.constant 0.000000e+00 : f32
      %max3A_292 = vector.broadcast %max3A : f32 to vector<512x1024xf32>
      %max3A_293 = arith.maximumf %sub3A_291, %max3A_292 : vector<512x1024xf32>
      %mul3A_294 = arith.mulf %max3A_293, %max3A_293 : vector<512x1024xf32>
      %add3A_295 = vector.broadcast %mul3A_51 : vector<512x1xf32> to vector<512x1024xf32>
      %add3A_296 = arith.addf %mul3A_294, %add3A_295 : vector<512x1024xf32>
      %jit3A_297 = arith.constant 0xFF800000 : f32
      %broadcast_in_dim3A_298 = vector.shape_cast %lt3A_288 : vector<1x1024xi1> to vector<1x1024xi1>
      %broadcast_in_dim3A_299 = vector.broadcast %broadcast_in_dim3A_298 : vector<1x1024xi1> to vector<512x1024xi1>
      %broadcast_in_dim3A_300 = vector.broadcast %jit3A_297 : f32 to vector<512x1024xf32>
      %select_n3A_301 = arith.select %broadcast_in_dim3A_299, %add3A_296, %broadcast_in_dim3A_300 : vector<512x1024xi1>, vector<512x1024xf32>
      %bitcast_convert_type3A = tpu.bitcast %select_n3A_301 : vector<512x1024xf32> -> vector<512x1024xi32>
      %or3A = arith.constant -2147483648 : i32
      %or3A_302 = vector.broadcast %or3A : i32 to vector<512x1024xi32>
      %or3A_303 = arith.ori %bitcast_convert_type3A, %or3A_302 : vector<512x1024xi32>
      %bitcast_convert_type3A_304 = tpu.bitcast %or3A_303 : vector<512x1024xi32> -> vector<512x1024xf32>
      %exp23A = math.exp2 %bitcast_convert_type3A_304 : vector<512x1024xf32>
      %add3A_305 = arith.constant 1.000000e+00 : f32
      %add3A_306 = vector.broadcast %add3A_305 : f32 to vector<512x1024xf32>
      %add3A_307 = arith.addf %add3A_306, %exp23A : vector<512x1024xf32>
      %log3A = math.log %add3A_307 : vector<512x1024xf32>
      %log3A_308 = arith.constant 2.000000e+00 : f32
      %log3A_309 = math.log %log3A_308 : f32
      %div3A_310 = vector.broadcast %log3A_309 : f32 to vector<512x1024xf32>
      %div3A_311 = arith.divf %log3A, %div3A_310 : vector<512x1024xf32>
      %max3A_312 = arith.constant 0.000000e+00 : f32
      %max3A_313 = vector.broadcast %max3A_312 : f32 to vector<512x1024xf32>
      %max3A_314 = arith.maximumf %select_n3A_301, %max3A_313 : vector<512x1024xf32>
      %mul3A_315 = arith.constant 0.346573591 : f32
      %mul3A_316 = vector.broadcast %mul3A_315 : f32 to vector<512x1024xf32>
      %mul3A_317 = arith.mulf %select_n3A_301, %mul3A_316 : vector<512x1024xf32>
      %tanh3A = math.tanh %mul3A_317 : vector<512x1024xf32>
      %get3A_318 = arith.constant 0 : index
      %get3A_319 = arith.constant 0 : index
      %get3A_320 = vector.load %arg16[%get3A_318, %get3A_319] : memref<512x128xf32, #tpu.memory_space<vmem>>, vector<512x128xf32>
      %add3A_321 = arith.addf %max3A_314, %div3A_311 : vector<512x1024xf32>
      %slice3A = vector.extract_strided_slice %add3A_321 {offsets = [0, 0], sizes = [512, 128], strides = [1, 1]} : vector<512x1024xf32> to vector<512x128xf32>
      %slice3A_322 = vector.extract_strided_slice %add3A_321 {offsets = [0, 128], sizes = [512, 128], strides = [1, 1]} : vector<512x1024xf32> to vector<512x128xf32>
      %add3A_323 = arith.addf %slice3A, %slice3A_322 : vector<512x128xf32>
      %slice3A_324 = vector.extract_strided_slice %add3A_321 {offsets = [0, 256], sizes = [512, 128], strides = [1, 1]} : vector<512x1024xf32> to vector<512x128xf32>
      %add3A_325 = arith.addf %add3A_323, %slice3A_324 : vector<512x128xf32>
      %slice3A_326 = vector.extract_strided_slice %add3A_321 {offsets = [0, 384], sizes = [512, 128], strides = [1, 1]} : vector<512x1024xf32> to vector<512x128xf32>
      %add3A_327 = arith.addf %add3A_325, %slice3A_326 : vector<512x128xf32>
      %slice3A_328 = vector.extract_strided_slice %add3A_321 {offsets = [0, 512], sizes = [512, 128], strides = [1, 1]} : vector<512x1024xf32> to vector<512x128xf32>
      %add3A_329 = arith.addf %add3A_327, %slice3A_328 : vector<512x128xf32>
      %slice3A_330 = vector.extract_strided_slice %add3A_321 {offsets = [0, 640], sizes = [512, 128], strides = [1, 1]} : vector<512x1024xf32> to vector<512x128xf32>
      %add3A_331 = arith.addf %add3A_329, %slice3A_330 : vector<512x128xf32>
      %slice3A_332 = vector.extract_strided_slice %add3A_321 {offsets = [0, 768], sizes = [512, 128], strides = [1, 1]} : vector<512x1024xf32> to vector<512x128xf32>
      %add3A_333 = arith.addf %add3A_331, %slice3A_332 : vector<512x128xf32>
      %slice3A_334 = vector.extract_strided_slice %add3A_321 {offsets = [0, 896], sizes = [512, 128], strides = [1, 1]} : vector<512x1024xf32> to vector<512x128xf32>
      %add3A_335 = arith.addf %add3A_333, %slice3A_334 : vector<512x128xf32>
      %add3A_336 = arith.addf %get3A_320, %add3A_335 : vector<512x128xf32>
      %swap3A_337 = arith.constant 0 : index
      %swap3A_338 = arith.constant 0 : index
      %swap3A_339 = vector.load %arg16[%swap3A_337, %swap3A_338] : memref<512x128xf32, #tpu.memory_space<vmem>>, vector<512x128xf32>
      tpu.vector_store %arg16[%swap3A_337, %swap3A_338], %add3A_336 {strides = array<i32>} : memref<512x128xf32, #tpu.memory_space<vmem>>, vector<512x128xf32>,
      %get3A_340 = arith.constant 0 : index
      %get3A_341 = arith.constant 0 : index
      %get3A_342 = vector.load %arg17[%get3A_340, %get3A_341] : memref<512x128xf32, #tpu.memory_space<vmem>>, vector<512x128xf32>
      %slice3A_343 = vector.extract_strided_slice %tanh3A {offsets = [0, 0], sizes = [512, 128], strides = [1, 1]} : vector<512x1024xf32> to vector<512x128xf32>
      %slice3A_344 = vector.extract_strided_slice %tanh3A {offsets = [0, 128], sizes = [512, 128], strides = [1, 1]} : vector<512x1024xf32> to vector<512x128xf32>
      %add3A_345 = arith.addf %slice3A_343, %slice3A_344 : vector<512x128xf32>
      %slice3A_346 = vector.extract_strided_slice %tanh3A {offsets = [0, 256], sizes = [512, 128], strides = [1, 1]} : vector<512x1024xf32> to vector<512x128xf32>
      %add3A_347 = arith.addf %add3A_345, %slice3A_346 : vector<512x128xf32>
      %slice3A_348 = vector.extract_strided_slice %tanh3A {offsets = [0, 384], sizes = [512, 128], strides = [1, 1]} : vector<512x1024xf32> to vector<512x128xf32>
      %add3A_349 = arith.addf %add3A_347, %slice3A_348 : vector<512x128xf32>
      %slice3A_350 = vector.extract_strided_slice %tanh3A {offsets = [0, 512], sizes = [512, 128], strides = [1, 1]} : vector<512x1024xf32> to vector<512x128xf32>
      %add3A_351 = arith.addf %add3A_349, %slice3A_350 : vector<512x128xf32>
      %slice3A_352 = vector.extract_strided_slice %tanh3A {offsets = [0, 640], sizes = [512, 128], strides = [1, 1]} : vector<512x1024xf32> to vector<512x128xf32>
      %add3A_353 = arith.addf %add3A_351, %slice3A_352 : vector<512x128xf32>
      %slice3A_354 = vector.extract_strided_slice %tanh3A {offsets = [0, 768], sizes = [512, 128], strides = [1, 1]} : vector<512x1024xf32> to vector<512x128xf32>
      %add3A_355 = arith.addf %add3A_353, %slice3A_354 : vector<512x128xf32>
      %slice3A_356 = vector.extract_strided_slice %tanh3A {offsets = [0, 896], sizes = [512, 128], strides = [1, 1]} : vector<512x1024xf32> to vector<512x128xf32>
      %add3A_357 = arith.addf %add3A_355, %slice3A_356 : vector<512x128xf32>
      %add3A_358 = arith.addf %get3A_342, %add3A_357 : vector<512x128xf32>
      %swap3A_359 = arith.constant 0 : index
      %swap3A_360 = arith.constant 0 : index
      %swap3A_361 = vector.load %arg17[%swap3A_359, %swap3A_360] : memref<512x128xf32, #tpu.memory_space<vmem>>, vector<512x128xf32>
      tpu.vector_store %arg17[%swap3A_359, %swap3A_360], %add3A_358 {strides = array<i32>} : memref<512x128xf32, #tpu.memory_space<vmem>>, vector<512x128xf32>,
    } else {
    }
    %le3A_131 = arith.constant 2048 : i32
    %le3A_132 = arith.cmpi sle, %get3A_2, %le3A_131 : i32
    %and3A_133 = arith.andi %lt3A, %le3A_132 : i1
    %gt3A_134 = arith.constant 2048 : i32
    %gt3A_135 = arith.cmpi sgt, %get3A_0, %gt3A_134 : i32
    %and3A_136 = arith.andi %and3A_133, %gt3A_135 : i1
    %convert_element_type3A_137 = arith.extui %and3A_136 : i1 to i32
    %cond3A_138 = arith.constant 0 : i32
    %cond3A_139 = arith.cmpi ne, %convert_element_type3A_137, %cond3A_138 : i32
    scf.if %cond3A_139 {
      %lt3A_278 = vector.broadcast %get3A_4 : i32 to vector<1x1024xi32>
      %lt3A_279 = arith.cmpi slt, %add3A_112, %lt3A_278 : vector<1x1024xi32>
      %get3A_280 = arith.constant 0 : index
      %get3A_281 = arith.constant 2048 : index
      %get3A_282 = vector.load %arg9[%get3A_280, %get3A_281] : memref<1x4096xi32, #tpu.memory_space<vmem>>, vector<1x1024xi32>
      %get3A_283 = arith.constant 0 : index
      %get3A_284 = arith.constant 2048 : index
      %get3A_285 = vector.load %arg11[%get3A_283, %get3A_284] : memref<1x4096xi32, #tpu.memory_space<vmem>>, vector<1x1024xi32>
      %select_n3A_286 = arith.select %lt3A_279, %get3A_282, %get3A_285 : vector<1x1024xi1>, vector<1x1024xi32>
      %lt3A_287 = vector.broadcast %get3A_0 : i32 to vector<1x1024xi32>
      %lt3A_288 = arith.cmpi slt, %add3A_112, %lt3A_287 : vector<1x1024xi32>
      %jit3A_289 = arith.constant -1073741824 : i32
      %broadcast_in_dim3A_290 = vector.broadcast %jit3A_289 : i32 to vector<1x1024xi32>
      %select_n3A_291 = arith.select %lt3A_288, %select_n3A_286, %broadcast_in_dim3A_290 : vector<1x1024xi1>, vector<1x1024xi32>
      %sub3A_292 = vector.broadcast %select_n3A_291 : vector<1x1024xi32> to vector<512x1024xi32>
      %sub3A_293 = vector.broadcast %select_n3A_46 : vector<512x1xi32> to vector<512x1024xi32>
      %sub3A_294 = arith.subi %sub3A_292, %sub3A_293 : vector<512x1024xi32>
      %sub3A_295 = arith.constant 1 : i32
      %sub3A_296 = vector.broadcast %sub3A_295 : i32 to vector<512x1024xi32>
      %sub3A_297 = arith.subi %sub3A_294, %sub3A_296 : vector<512x1024xi32>
      %bitcast_convert_type3A = tpu.bitcast %sub3A_297 : vector<512x1024xi32> -> vector<512x1024xi32>
      %lt3A_298 = arith.constant 4095 : i32
      %lt3A_299 = vector.broadcast %lt3A_298 : i32 to vector<512x1024xi32>
      %lt3A_300 = arith.cmpi ult, %bitcast_convert_type3A, %lt3A_299 : vector<512x1024xi32>
      %convert_element_type3A_301 = arith.extui %lt3A_300 : vector<512x1024xi1> to vector<512x1024xi32>
      %convert_element_type3A_302 = arith.sitofp %convert_element_type3A_301 : vector<512x1024xi32> to vector<512x1024xf32>
      %get3A_303 = arith.constant 0 : index
      %get3A_304 = arith.constant 0 : index
      %get3A_305 = vector.load %arg18[%get3A_303, %get3A_304] : memref<512x128xf32, #tpu.memory_space<vmem>>, vector<512x128xf32>
      %slice3A = vector.extract_strided_slice %convert_element_type3A_302 {offsets = [0, 0], sizes = [512, 128], strides = [1, 1]} : vector<512x1024xf32> to vector<512x128xf32>
      %slice3A_306 = vector.extract_strided_slice %convert_element_type3A_302 {offsets = [0, 128], sizes = [512, 128], strides = [1, 1]} : vector<512x1024xf32> to vector<512x128xf32>
      %add3A_307 = arith.addf %slice3A, %slice3A_306 : vector<512x128xf32>
      %slice3A_308 = vector.extract_strided_slice %convert_element_type3A_302 {offsets = [0, 256], sizes = [512, 128], strides = [1, 1]} : vector<512x1024xf32> to vector<512x128xf32>
      %add3A_309 = arith.addf %add3A_307, %slice3A_308 : vector<512x128xf32>
      %slice3A_310 = vector.extract_strided_slice %convert_element_type3A_302 {offsets = [0, 384], sizes = [512, 128], strides = [1, 1]} : vector<512x1024xf32> to vector<512x128xf32>
      %add3A_311 = arith.addf %add3A_309, %slice3A_310 : vector<512x128xf32>
      %slice3A_312 = vector.extract_strided_slice %convert_element_type3A_302 {offsets = [0, 512], sizes = [512, 128], strides = [1, 1]} : vector<512x1024xf32> to vector<512x128xf32>
      %add3A_313 = arith.addf %add3A_311, %slice3A_312 : vector<512x128xf32>
      %slice3A_314 = vector.extract_strided_slice %convert_element_type3A_302 {offsets = [0, 640], sizes = [512, 128], strides = [1, 1]} : vector<512x1024xf32> to vector<512x128xf32>
      %add3A_315 = arith.addf %add3A_313, %slice3A_314 : vector<512x128xf32>
      %slice3A_316 = vector.extract_strided_slice %convert_element_type3A_302 {offsets = [0, 768], sizes = [512, 128], strides = [1, 1]} : vector<512x1024xf32> to vector<512x128xf32>
      %add3A_317 = arith.addf %add3A_315, %slice3A_316 : vector<512x128xf32>
      %slice3A_318 = vector.extract_strided_slice %convert_element_type3A_302 {offsets = [0, 896], sizes = [512, 128], strides = [1, 1]} : vector<512x1024xf32> to vector<512x128xf32>
      %add3A_319 = arith.addf %add3A_317, %slice3A_318 : vector<512x128xf32>
      %add3A_320 = arith.addf %get3A_305, %add3A_319 : vector<512x128xf32>
      %swap3A_321 = arith.constant 0 : index
      %swap3A_322 = arith.constant 0 : index
      %swap3A_323 = vector.load %arg18[%swap3A_321, %swap3A_322] : memref<512x128xf32, #tpu.memory_space<vmem>>, vector<512x128xf32>
      tpu.vector_store %arg18[%swap3A_321, %swap3A_322], %add3A_320 {strides = array<i32>} : memref<512x128xf32, #tpu.memory_space<vmem>>, vector<512x128xf32>,
    } else {
    }
    %add3A_140 = arith.constant 3072 : i32
    %add3A_141 = vector.broadcast %add3A_140 : i32 to vector<1x1024xi32>
    %add3A_142 = arith.addi %iota3A, %add3A_141 : vector<1x1024xi32>
    %gt3A_143 = arith.constant 3072 : i32
    %gt3A_144 = arith.cmpi sgt, %get3A_2, %gt3A_143 : i32
    %and3A_145 = arith.andi %lt3A, %gt3A_144 : i1
    %gt3A_146 = arith.constant 3072 : i32
    %gt3A_147 = arith.cmpi sgt, %get3A_0, %gt3A_146 : i32
    %and3A_148 = arith.andi %and3A_145, %gt3A_147 : i1
    %convert_element_type3A_149 = arith.extui %and3A_148 : i1 to i32
    %cond3A_150 = arith.constant 0 : i32
    %cond3A_151 = arith.cmpi ne, %convert_element_type3A_149, %cond3A_150 : i32
    scf.if %cond3A_151 {
      %lt3A_278 = vector.broadcast %get3A_6 : i32 to vector<1x1024xi32>
      %lt3A_279 = arith.cmpi slt, %add3A_142, %lt3A_278 : vector<1x1024xi32>
      %get3A_280 = arith.constant 0 : index
      %get3A_281 = arith.constant 3072 : index
      %get3A_282 = vector.load %arg8[%get3A_280, %get3A_281] : memref<1x4096xf32, #tpu.memory_space<vmem>>, vector<1x1024xf32>
      %get3A_283 = arith.constant 0 : index
      %get3A_284 = arith.constant 3072 : index
      %get3A_285 = vector.load %arg10[%get3A_283, %get3A_284] : memref<1x4096xf32, #tpu.memory_space<vmem>>, vector<1x1024xf32>
      %select_n3A_286 = arith.select %lt3A_279, %get3A_282, %get3A_285 : vector<1x1024xi1>, vector<1x1024xf32>
      %lt3A_287 = vector.broadcast %get3A_2 : i32 to vector<1x1024xi32>
      %lt3A_288 = arith.cmpi slt, %add3A_142, %lt3A_287 : vector<1x1024xi32>
      %sub3A_289 = vector.broadcast %select_n3A_286 : vector<1x1024xf32> to vector<512x1024xf32>
      %sub3A_290 = vector.broadcast %select_n3A : vector<512x1xf32> to vector<512x1024xf32>
      %sub3A_291 = arith.subf %sub3A_289, %sub3A_290 : vector<512x1024xf32>
      %max3A = arith.constant 0.000000e+00 : f32
      %max3A_292 = vector.broadcast %max3A : f32 to vector<512x1024xf32>
      %max3A_293 = arith.maximumf %sub3A_291, %max3A_292 : vector<512x1024xf32>
      %mul3A_294 = arith.mulf %max3A_293, %max3A_293 : vector<512x1024xf32>
      %add3A_295 = vector.broadcast %mul3A_51 : vector<512x1xf32> to vector<512x1024xf32>
      %add3A_296 = arith.addf %mul3A_294, %add3A_295 : vector<512x1024xf32>
      %jit3A_297 = arith.constant 0xFF800000 : f32
      %broadcast_in_dim3A_298 = vector.shape_cast %lt3A_288 : vector<1x1024xi1> to vector<1x1024xi1>
      %broadcast_in_dim3A_299 = vector.broadcast %broadcast_in_dim3A_298 : vector<1x1024xi1> to vector<512x1024xi1>
      %broadcast_in_dim3A_300 = vector.broadcast %jit3A_297 : f32 to vector<512x1024xf32>
      %select_n3A_301 = arith.select %broadcast_in_dim3A_299, %add3A_296, %broadcast_in_dim3A_300 : vector<512x1024xi1>, vector<512x1024xf32>
      %bitcast_convert_type3A = tpu.bitcast %select_n3A_301 : vector<512x1024xf32> -> vector<512x1024xi32>
      %or3A = arith.constant -2147483648 : i32
      %or3A_302 = vector.broadcast %or3A : i32 to vector<512x1024xi32>
      %or3A_303 = arith.ori %bitcast_convert_type3A, %or3A_302 : vector<512x1024xi32>
      %bitcast_convert_type3A_304 = tpu.bitcast %or3A_303 : vector<512x1024xi32> -> vector<512x1024xf32>
      %exp23A = math.exp2 %bitcast_convert_type3A_304 : vector<512x1024xf32>
      %add3A_305 = arith.constant 1.000000e+00 : f32
      %add3A_306 = vector.broadcast %add3A_305 : f32 to vector<512x1024xf32>
      %add3A_307 = arith.addf %add3A_306, %exp23A : vector<512x1024xf32>
      %log3A = math.log %add3A_307 : vector<512x1024xf32>
      %log3A_308 = arith.constant 2.000000e+00 : f32
      %log3A_309 = math.log %log3A_308 : f32
      %div3A_310 = vector.broadcast %log3A_309 : f32 to vector<512x1024xf32>
      %div3A_311 = arith.divf %log3A, %div3A_310 : vector<512x1024xf32>
      %max3A_312 = arith.constant 0.000000e+00 : f32
      %max3A_313 = vector.broadcast %max3A_312 : f32 to vector<512x1024xf32>
      %max3A_314 = arith.maximumf %select_n3A_301, %max3A_313 : vector<512x1024xf32>
      %mul3A_315 = arith.constant 0.346573591 : f32
      %mul3A_316 = vector.broadcast %mul3A_315 : f32 to vector<512x1024xf32>
      %mul3A_317 = arith.mulf %select_n3A_301, %mul3A_316 : vector<512x1024xf32>
      %tanh3A = math.tanh %mul3A_317 : vector<512x1024xf32>
      %get3A_318 = arith.constant 0 : index
      %get3A_319 = arith.constant 0 : index
      %get3A_320 = vector.load %arg16[%get3A_318, %get3A_319] : memref<512x128xf32, #tpu.memory_space<vmem>>, vector<512x128xf32>
      %add3A_321 = arith.addf %max3A_314, %div3A_311 : vector<512x1024xf32>
      %slice3A = vector.extract_strided_slice %add3A_321 {offsets = [0, 0], sizes = [512, 128], strides = [1, 1]} : vector<512x1024xf32> to vector<512x128xf32>
      %slice3A_322 = vector.extract_strided_slice %add3A_321 {offsets = [0, 128], sizes = [512, 128], strides = [1, 1]} : vector<512x1024xf32> to vector<512x128xf32>
      %add3A_323 = arith.addf %slice3A, %slice3A_322 : vector<512x128xf32>
      %slice3A_324 = vector.extract_strided_slice %add3A_321 {offsets = [0, 256], sizes = [512, 128], strides = [1, 1]} : vector<512x1024xf32> to vector<512x128xf32>
      %add3A_325 = arith.addf %add3A_323, %slice3A_324 : vector<512x128xf32>
      %slice3A_326 = vector.extract_strided_slice %add3A_321 {offsets = [0, 384], sizes = [512, 128], strides = [1, 1]} : vector<512x1024xf32> to vector<512x128xf32>
      %add3A_327 = arith.addf %add3A_325, %slice3A_326 : vector<512x128xf32>
      %slice3A_328 = vector.extract_strided_slice %add3A_321 {offsets = [0, 512], sizes = [512, 128], strides = [1, 1]} : vector<512x1024xf32> to vector<512x128xf32>
      %add3A_329 = arith.addf %add3A_327, %slice3A_328 : vector<512x128xf32>
      %slice3A_330 = vector.extract_strided_slice %add3A_321 {offsets = [0, 640], sizes = [512, 128], strides = [1, 1]} : vector<512x1024xf32> to vector<512x128xf32>
      %add3A_331 = arith.addf %add3A_329, %slice3A_330 : vector<512x128xf32>
      %slice3A_332 = vector.extract_strided_slice %add3A_321 {offsets = [0, 768], sizes = [512, 128], strides = [1, 1]} : vector<512x1024xf32> to vector<512x128xf32>
      %add3A_333 = arith.addf %add3A_331, %slice3A_332 : vector<512x128xf32>
      %slice3A_334 = vector.extract_strided_slice %add3A_321 {offsets = [0, 896], sizes = [512, 128], strides = [1, 1]} : vector<512x1024xf32> to vector<512x128xf32>
      %add3A_335 = arith.addf %add3A_333, %slice3A_334 : vector<512x128xf32>
      %add3A_336 = arith.addf %get3A_320, %add3A_335 : vector<512x128xf32>
      %swap3A_337 = arith.constant 0 : index
      %swap3A_338 = arith.constant 0 : index
      %swap3A_339 = vector.load %arg16[%swap3A_337, %swap3A_338] : memref<512x128xf32, #tpu.memory_space<vmem>>, vector<512x128xf32>
      tpu.vector_store %arg16[%swap3A_337, %swap3A_338], %add3A_336 {strides = array<i32>} : memref<512x128xf32, #tpu.memory_space<vmem>>, vector<512x128xf32>,
      %get3A_340 = arith.constant 0 : index
      %get3A_341 = arith.constant 0 : index
      %get3A_342 = vector.load %arg17[%get3A_340, %get3A_341] : memref<512x128xf32, #tpu.memory_space<vmem>>, vector<512x128xf32>
      %slice3A_343 = vector.extract_strided_slice %tanh3A {offsets = [0, 0], sizes = [512, 128], strides = [1, 1]} : vector<512x1024xf32> to vector<512x128xf32>
      %slice3A_344 = vector.extract_strided_slice %tanh3A {offsets = [0, 128], sizes = [512, 128], strides = [1, 1]} : vector<512x1024xf32> to vector<512x128xf32>
      %add3A_345 = arith.addf %slice3A_343, %slice3A_344 : vector<512x128xf32>
      %slice3A_346 = vector.extract_strided_slice %tanh3A {offsets = [0, 256], sizes = [512, 128], strides = [1, 1]} : vector<512x1024xf32> to vector<512x128xf32>
      %add3A_347 = arith.addf %add3A_345, %slice3A_346 : vector<512x128xf32>
      %slice3A_348 = vector.extract_strided_slice %tanh3A {offsets = [0, 384], sizes = [512, 128], strides = [1, 1]} : vector<512x1024xf32> to vector<512x128xf32>
      %add3A_349 = arith.addf %add3A_347, %slice3A_348 : vector<512x128xf32>
      %slice3A_350 = vector.extract_strided_slice %tanh3A {offsets = [0, 512], sizes = [512, 128], strides = [1, 1]} : vector<512x1024xf32> to vector<512x128xf32>
      %add3A_351 = arith.addf %add3A_349, %slice3A_350 : vector<512x128xf32>
      %slice3A_352 = vector.extract_strided_slice %tanh3A {offsets = [0, 640], sizes = [512, 128], strides = [1, 1]} : vector<512x1024xf32> to vector<512x128xf32>
      %add3A_353 = arith.addf %add3A_351, %slice3A_352 : vector<512x128xf32>
      %slice3A_354 = vector.extract_strided_slice %tanh3A {offsets = [0, 768], sizes = [512, 128], strides = [1, 1]} : vector<512x1024xf32> to vector<512x128xf32>
      %add3A_355 = arith.addf %add3A_353, %slice3A_354 : vector<512x128xf32>
      %slice3A_356 = vector.extract_strided_slice %tanh3A {offsets = [0, 896], sizes = [512, 128], strides = [1, 1]} : vector<512x1024xf32> to vector<512x128xf32>
      %add3A_357 = arith.addf %add3A_355, %slice3A_356 : vector<512x128xf32>
      %add3A_358 = arith.addf %get3A_342, %add3A_357 : vector<512x128xf32>
      %swap3A_359 = arith.constant 0 : index
      %swap3A_360 = arith.constant 0 : index
      %swap3A_361 = vector.load %arg17[%swap3A_359, %swap3A_360] : memref<512x128xf32, #tpu.memory_space<vmem>>, vector<512x128xf32>
      tpu.vector_store %arg17[%swap3A_359, %swap3A_360], %add3A_358 {strides = array<i32>} : memref<512x128xf32, #tpu.memory_space<vmem>>, vector<512x128xf32>,
      %lt3A_362 = vector.broadcast %get3A_4 : i32 to vector<1x1024xi32>
      %lt3A_363 = arith.cmpi slt, %add3A_142, %lt3A_362 : vector<1x1024xi32>
      %get3A_364 = arith.constant 0 : index
      %get3A_365 = arith.constant 3072 : index
      %get3A_366 = vector.load %arg9[%get3A_364, %get3A_365] : memref<1x4096xi32, #tpu.memory_space<vmem>>, vector<1x1024xi32>
      %get3A_367 = arith.constant 0 : index
      %get3A_368 = arith.constant 3072 : index
      %get3A_369 = vector.load %arg11[%get3A_367, %get3A_368] : memref<1x4096xi32, #tpu.memory_space<vmem>>, vector<1x1024xi32>
      %select_n3A_370 = arith.select %lt3A_363, %get3A_366, %get3A_369 : vector<1x1024xi1>, vector<1x1024xi32>
      %lt3A_371 = vector.broadcast %get3A_0 : i32 to vector<1x1024xi32>
      %lt3A_372 = arith.cmpi slt, %add3A_142, %lt3A_371 : vector<1x1024xi32>
      %jit3A_373 = arith.constant -1073741824 : i32
      %broadcast_in_dim3A_374 = vector.broadcast %jit3A_373 : i32 to vector<1x1024xi32>
      %select_n3A_375 = arith.select %lt3A_372, %select_n3A_370, %broadcast_in_dim3A_374 : vector<1x1024xi1>, vector<1x1024xi32>
      %sub3A_376 = vector.broadcast %select_n3A_375 : vector<1x1024xi32> to vector<512x1024xi32>
      %sub3A_377 = vector.broadcast %select_n3A_46 : vector<512x1xi32> to vector<512x1024xi32>
      %sub3A_378 = arith.subi %sub3A_376, %sub3A_377 : vector<512x1024xi32>
      %sub3A_379 = arith.constant 1 : i32
      %sub3A_380 = vector.broadcast %sub3A_379 : i32 to vector<512x1024xi32>
      %sub3A_381 = arith.subi %sub3A_378, %sub3A_380 : vector<512x1024xi32>
      %bitcast_convert_type3A_382 = tpu.bitcast %sub3A_381 : vector<512x1024xi32> -> vector<512x1024xi32>
      %lt3A_383 = arith.constant 4095 : i32
      %lt3A_384 = vector.broadcast %lt3A_383 : i32 to vector<512x1024xi32>
      %lt3A_385 = arith.cmpi ult, %bitcast_convert_type3A_382, %lt3A_384 : vector<512x1024xi32>
      %convert_element_type3A_386 = arith.extui %lt3A_385 : vector<512x1024xi1> to vector<512x1024xi32>
      %convert_element_type3A_387 = arith.sitofp %convert_element_type3A_386 : vector<512x1024xi32> to vector<512x1024xf32>
      %get3A_388 = arith.constant 0 : index
      %get3A_389 = arith.constant 0 : index
      %get3A_390 = vector.load %arg18[%get3A_388, %get3A_389] : memref<512x128xf32, #tpu.memory_space<vmem>>, vector<512x128xf32>
      %slice3A_391 = vector.extract_strided_slice %convert_element_type3A_387 {offsets = [0, 0], sizes = [512, 128], strides = [1, 1]} : vector<512x1024xf32> to vector<512x128xf32>
      %slice3A_392 = vector.extract_strided_slice %convert_element_type3A_387 {offsets = [0, 128], sizes = [512, 128], strides = [1, 1]} : vector<512x1024xf32> to vector<512x128xf32>
      %add3A_393 = arith.addf %slice3A_391, %slice3A_392 : vector<512x128xf32>
      %slice3A_394 = vector.extract_strided_slice %convert_element_type3A_387 {offsets = [0, 256], sizes = [512, 128], strides = [1, 1]} : vector<512x1024xf32> to vector<512x128xf32>
      %add3A_395 = arith.addf %add3A_393, %slice3A_394 : vector<512x128xf32>
      %slice3A_396 = vector.extract_strided_slice %convert_element_type3A_387 {offsets = [0, 384], sizes = [512, 128], strides = [1, 1]} : vector<512x1024xf32> to vector<512x128xf32>
      %add3A_397 = arith.addf %add3A_395, %slice3A_396 : vector<512x128xf32>
      %slice3A_398 = vector.extract_strided_slice %convert_element_type3A_387 {offsets = [0, 512], sizes = [512, 128], strides = [1, 1]} : vector<512x1024xf32> to vector<512x128xf32>
      %add3A_399 = arith.addf %add3A_397, %slice3A_398 : vector<512x128xf32>
      %slice3A_400 = vector.extract_strided_slice %convert_element_type3A_387 {offsets = [0, 640], sizes = [512, 128], strides = [1, 1]} : vector<512x1024xf32> to vector<512x128xf32>
      %add3A_401 = arith.addf %add3A_399, %slice3A_400 : vector<512x128xf32>
      %slice3A_402 = vector.extract_strided_slice %convert_element_type3A_387 {offsets = [0, 768], sizes = [512, 128], strides = [1, 1]} : vector<512x1024xf32> to vector<512x128xf32>
      %add3A_403 = arith.addf %add3A_401, %slice3A_402 : vector<512x128xf32>
      %slice3A_404 = vector.extract_strided_slice %convert_element_type3A_387 {offsets = [0, 896], sizes = [512, 128], strides = [1, 1]} : vector<512x1024xf32> to vector<512x128xf32>
      %add3A_405 = arith.addf %add3A_403, %slice3A_404 : vector<512x128xf32>
      %add3A_406 = arith.addf %get3A_390, %add3A_405 : vector<512x128xf32>
      %swap3A_407 = arith.constant 0 : index
      %swap3A_408 = arith.constant 0 : index
      %swap3A_409 = vector.load %arg18[%swap3A_407, %swap3A_408] : memref<512x128xf32, #tpu.memory_space<vmem>>, vector<512x128xf32>
      tpu.vector_store %arg18[%swap3A_407, %swap3A_408], %add3A_406 {strides = array<i32>} : memref<512x128xf32, #tpu.memory_space<vmem>>, vector<512x128xf32>,
    } else {
    }
    %gt3A_152 = arith.constant 3072 : i32
    %gt3A_153 = arith.cmpi sgt, %get3A_2, %gt3A_152 : i32
    %and3A_154 = arith.andi %lt3A, %gt3A_153 : i1
    %le3A_155 = arith.constant 3072 : i32
    %le3A_156 = arith.cmpi sle, %get3A_0, %le3A_155 : i32
    %and3A_157 = arith.andi %and3A_154, %le3A_156 : i1
    %convert_element_type3A_158 = arith.extui %and3A_157 : i1 to i32
    %cond3A_159 = arith.constant 0 : i32
    %cond3A_160 = arith.cmpi ne, %convert_element_type3A_158, %cond3A_159 : i32
    scf.if %cond3A_160 {
      %lt3A_278 = vector.broadcast %get3A_6 : i32 to vector<1x1024xi32>
      %lt3A_279 = arith.cmpi slt, %add3A_142, %lt3A_278 : vector<1x1024xi32>
      %get3A_280 = arith.constant 0 : index
      %get3A_281 = arith.constant 3072 : index
      %get3A_282 = vector.load %arg8[%get3A_280, %get3A_281] : memref<1x4096xf32, #tpu.memory_space<vmem>>, vector<1x1024xf32>
      %get3A_283 = arith.constant 0 : index
      %get3A_284 = arith.constant 3072 : index
      %get3A_285 = vector.load %arg10[%get3A_283, %get3A_284] : memref<1x4096xf32, #tpu.memory_space<vmem>>, vector<1x1024xf32>
      %select_n3A_286 = arith.select %lt3A_279, %get3A_282, %get3A_285 : vector<1x1024xi1>, vector<1x1024xf32>
      %lt3A_287 = vector.broadcast %get3A_2 : i32 to vector<1x1024xi32>
      %lt3A_288 = arith.cmpi slt, %add3A_142, %lt3A_287 : vector<1x1024xi32>
      %sub3A_289 = vector.broadcast %select_n3A_286 : vector<1x1024xf32> to vector<512x1024xf32>
      %sub3A_290 = vector.broadcast %select_n3A : vector<512x1xf32> to vector<512x1024xf32>
      %sub3A_291 = arith.subf %sub3A_289, %sub3A_290 : vector<512x1024xf32>
      %max3A = arith.constant 0.000000e+00 : f32
      %max3A_292 = vector.broadcast %max3A : f32 to vector<512x1024xf32>
      %max3A_293 = arith.maximumf %sub3A_291, %max3A_292 : vector<512x1024xf32>
      %mul3A_294 = arith.mulf %max3A_293, %max3A_293 : vector<512x1024xf32>
      %add3A_295 = vector.broadcast %mul3A_51 : vector<512x1xf32> to vector<512x1024xf32>
      %add3A_296 = arith.addf %mul3A_294, %add3A_295 : vector<512x1024xf32>
      %jit3A_297 = arith.constant 0xFF800000 : f32
      %broadcast_in_dim3A_298 = vector.shape_cast %lt3A_288 : vector<1x1024xi1> to vector<1x1024xi1>
      %broadcast_in_dim3A_299 = vector.broadcast %broadcast_in_dim3A_298 : vector<1x1024xi1> to vector<512x1024xi1>
      %broadcast_in_dim3A_300 = vector.broadcast %jit3A_297 : f32 to vector<512x1024xf32>
      %select_n3A_301 = arith.select %broadcast_in_dim3A_299, %add3A_296, %broadcast_in_dim3A_300 : vector<512x1024xi1>, vector<512x1024xf32>
      %bitcast_convert_type3A = tpu.bitcast %select_n3A_301 : vector<512x1024xf32> -> vector<512x1024xi32>
      %or3A = arith.constant -2147483648 : i32
      %or3A_302 = vector.broadcast %or3A : i32 to vector<512x1024xi32>
      %or3A_303 = arith.ori %bitcast_convert_type3A, %or3A_302 : vector<512x1024xi32>
      %bitcast_convert_type3A_304 = tpu.bitcast %or3A_303 : vector<512x1024xi32> -> vector<512x1024xf32>
      %exp23A = math.exp2 %bitcast_convert_type3A_304 : vector<512x1024xf32>
      %add3A_305 = arith.constant 1.000000e+00 : f32
      %add3A_306 = vector.broadcast %add3A_305 : f32 to vector<512x1024xf32>
      %add3A_307 = arith.addf %add3A_306, %exp23A : vector<512x1024xf32>
      %log3A = math.log %add3A_307 : vector<512x1024xf32>
      %log3A_308 = arith.constant 2.000000e+00 : f32
      %log3A_309 = math.log %log3A_308 : f32
      %div3A_310 = vector.broadcast %log3A_309 : f32 to vector<512x1024xf32>
      %div3A_311 = arith.divf %log3A, %div3A_310 : vector<512x1024xf32>
      %max3A_312 = arith.constant 0.000000e+00 : f32
      %max3A_313 = vector.broadcast %max3A_312 : f32 to vector<512x1024xf32>
      %max3A_314 = arith.maximumf %select_n3A_301, %max3A_313 : vector<512x1024xf32>
      %mul3A_315 = arith.constant 0.346573591 : f32
      %mul3A_316 = vector.broadcast %mul3A_315 : f32 to vector<512x1024xf32>
      %mul3A_317 = arith.mulf %select_n3A_301, %mul3A_316 : vector<512x1024xf32>
      %tanh3A = math.tanh %mul3A_317 : vector<512x1024xf32>
      %get3A_318 = arith.constant 0 : index
      %get3A_319 = arith.constant 0 : index
      %get3A_320 = vector.load %arg16[%get3A_318, %get3A_319] : memref<512x128xf32, #tpu.memory_space<vmem>>, vector<512x128xf32>
      %add3A_321 = arith.addf %max3A_314, %div3A_311 : vector<512x1024xf32>
      %slice3A = vector.extract_strided_slice %add3A_321 {offsets = [0, 0], sizes = [512, 128], strides = [1, 1]} : vector<512x1024xf32> to vector<512x128xf32>
      %slice3A_322 = vector.extract_strided_slice %add3A_321 {offsets = [0, 128], sizes = [512, 128], strides = [1, 1]} : vector<512x1024xf32> to vector<512x128xf32>
      %add3A_323 = arith.addf %slice3A, %slice3A_322 : vector<512x128xf32>
      %slice3A_324 = vector.extract_strided_slice %add3A_321 {offsets = [0, 256], sizes = [512, 128], strides = [1, 1]} : vector<512x1024xf32> to vector<512x128xf32>
      %add3A_325 = arith.addf %add3A_323, %slice3A_324 : vector<512x128xf32>
      %slice3A_326 = vector.extract_strided_slice %add3A_321 {offsets = [0, 384], sizes = [512, 128], strides = [1, 1]} : vector<512x1024xf32> to vector<512x128xf32>
      %add3A_327 = arith.addf %add3A_325, %slice3A_326 : vector<512x128xf32>
      %slice3A_328 = vector.extract_strided_slice %add3A_321 {offsets = [0, 512], sizes = [512, 128], strides = [1, 1]} : vector<512x1024xf32> to vector<512x128xf32>
      %add3A_329 = arith.addf %add3A_327, %slice3A_328 : vector<512x128xf32>
      %slice3A_330 = vector.extract_strided_slice %add3A_321 {offsets = [0, 640], sizes = [512, 128], strides = [1, 1]} : vector<512x1024xf32> to vector<512x128xf32>
      %add3A_331 = arith.addf %add3A_329, %slice3A_330 : vector<512x128xf32>
      %slice3A_332 = vector.extract_strided_slice %add3A_321 {offsets = [0, 768], sizes = [512, 128], strides = [1, 1]} : vector<512x1024xf32> to vector<512x128xf32>
      %add3A_333 = arith.addf %add3A_331, %slice3A_332 : vector<512x128xf32>
      %slice3A_334 = vector.extract_strided_slice %add3A_321 {offsets = [0, 896], sizes = [512, 128], strides = [1, 1]} : vector<512x1024xf32> to vector<512x128xf32>
      %add3A_335 = arith.addf %add3A_333, %slice3A_334 : vector<512x128xf32>
      %add3A_336 = arith.addf %get3A_320, %add3A_335 : vector<512x128xf32>
      %swap3A_337 = arith.constant 0 : index
      %swap3A_338 = arith.constant 0 : index
      %swap3A_339 = vector.load %arg16[%swap3A_337, %swap3A_338] : memref<512x128xf32, #tpu.memory_space<vmem>>, vector<512x128xf32>
      tpu.vector_store %arg16[%swap3A_337, %swap3A_338], %add3A_336 {strides = array<i32>} : memref<512x128xf32, #tpu.memory_space<vmem>>, vector<512x128xf32>,
      %get3A_340 = arith.constant 0 : index
      %get3A_341 = arith.constant 0 : index
      %get3A_342 = vector.load %arg17[%get3A_340, %get3A_341] : memref<512x128xf32, #tpu.memory_space<vmem>>, vector<512x128xf32>
      %slice3A_343 = vector.extract_strided_slice %tanh3A {offsets = [0, 0], sizes = [512, 128], strides = [1, 1]} : vector<512x1024xf32> to vector<512x128xf32>
      %slice3A_344 = vector.extract_strided_slice %tanh3A {offsets = [0, 128], sizes = [512, 128], strides = [1, 1]} : vector<512x1024xf32> to vector<512x128xf32>
      %add3A_345 = arith.addf %slice3A_343, %slice3A_344 : vector<512x128xf32>
      %slice3A_346 = vector.extract_strided_slice %tanh3A {offsets = [0, 256], sizes = [512, 128], strides = [1, 1]} : vector<512x1024xf32> to vector<512x128xf32>
      %add3A_347 = arith.addf %add3A_345, %slice3A_346 : vector<512x128xf32>
      %slice3A_348 = vector.extract_strided_slice %tanh3A {offsets = [0, 384], sizes = [512, 128], strides = [1, 1]} : vector<512x1024xf32> to vector<512x128xf32>
      %add3A_349 = arith.addf %add3A_347, %slice3A_348 : vector<512x128xf32>
      %slice3A_350 = vector.extract_strided_slice %tanh3A {offsets = [0, 512], sizes = [512, 128], strides = [1, 1]} : vector<512x1024xf32> to vector<512x128xf32>
      %add3A_351 = arith.addf %add3A_349, %slice3A_350 : vector<512x128xf32>
      %slice3A_352 = vector.extract_strided_slice %tanh3A {offsets = [0, 640], sizes = [512, 128], strides = [1, 1]} : vector<512x1024xf32> to vector<512x128xf32>
      %add3A_353 = arith.addf %add3A_351, %slice3A_352 : vector<512x128xf32>
      %slice3A_354 = vector.extract_strided_slice %tanh3A {offsets = [0, 768], sizes = [512, 128], strides = [1, 1]} : vector<512x1024xf32> to vector<512x128xf32>
      %add3A_355 = arith.addf %add3A_353, %slice3A_354 : vector<512x128xf32>
      %slice3A_356 = vector.extract_strided_slice %tanh3A {offsets = [0, 896], sizes = [512, 128], strides = [1, 1]} : vector<512x1024xf32> to vector<512x128xf32>
      %add3A_357 = arith.addf %add3A_355, %slice3A_356 : vector<512x128xf32>
      %add3A_358 = arith.addf %get3A_342, %add3A_357 : vector<512x128xf32>
      %swap3A_359 = arith.constant 0 : index
      %swap3A_360 = arith.constant 0 : index
      %swap3A_361 = vector.load %arg17[%swap3A_359, %swap3A_360] : memref<512x128xf32, #tpu.memory_space<vmem>>, vector<512x128xf32>
      tpu.vector_store %arg17[%swap3A_359, %swap3A_360], %add3A_358 {strides = array<i32>} : memref<512x128xf32, #tpu.memory_space<vmem>>, vector<512x128xf32>,
    } else {
    }
    %le3A_161 = arith.constant 3072 : i32
    %le3A_162 = arith.cmpi sle, %get3A_2, %le3A_161 : i32
    %and3A_163 = arith.andi %lt3A, %le3A_162 : i1
    %gt3A_164 = arith.constant 3072 : i32
    %gt3A_165 = arith.cmpi sgt, %get3A_0, %gt3A_164 : i32
    %and3A_166 = arith.andi %and3A_163, %gt3A_165 : i1
    %convert_element_type3A_167 = arith.extui %and3A_166 : i1 to i32
    %cond3A_168 = arith.constant 0 : i32
    %cond3A_169 = arith.cmpi ne, %convert_element_type3A_167, %cond3A_168 : i32
    scf.if %cond3A_169 {
      %lt3A_278 = vector.broadcast %get3A_4 : i32 to vector<1x1024xi32>
      %lt3A_279 = arith.cmpi slt, %add3A_142, %lt3A_278 : vector<1x1024xi32>
      %get3A_280 = arith.constant 0 : index
      %get3A_281 = arith.constant 3072 : index
      %get3A_282 = vector.load %arg9[%get3A_280, %get3A_281] : memref<1x4096xi32, #tpu.memory_space<vmem>>, vector<1x1024xi32>
      %get3A_283 = arith.constant 0 : index
      %get3A_284 = arith.constant 3072 : index
      %get3A_285 = vector.load %arg11[%get3A_283, %get3A_284] : memref<1x4096xi32, #tpu.memory_space<vmem>>, vector<1x1024xi32>
      %select_n3A_286 = arith.select %lt3A_279, %get3A_282, %get3A_285 : vector<1x1024xi1>, vector<1x1024xi32>
      %lt3A_287 = vector.broadcast %get3A_0 : i32 to vector<1x1024xi32>
      %lt3A_288 = arith.cmpi slt, %add3A_142, %lt3A_287 : vector<1x1024xi32>
      %jit3A_289 = arith.constant -1073741824 : i32
      %broadcast_in_dim3A_290 = vector.broadcast %jit3A_289 : i32 to vector<1x1024xi32>
      %select_n3A_291 = arith.select %lt3A_288, %select_n3A_286, %broadcast_in_dim3A_290 : vector<1x1024xi1>, vector<1x1024xi32>
      %sub3A_292 = vector.broadcast %select_n3A_291 : vector<1x1024xi32> to vector<512x1024xi32>
      %sub3A_293 = vector.broadcast %select_n3A_46 : vector<512x1xi32> to vector<512x1024xi32>
      %sub3A_294 = arith.subi %sub3A_292, %sub3A_293 : vector<512x1024xi32>
      %sub3A_295 = arith.constant 1 : i32
      %sub3A_296 = vector.broadcast %sub3A_295 : i32 to vector<512x1024xi32>
      %sub3A_297 = arith.subi %sub3A_294, %sub3A_296 : vector<512x1024xi32>
      %bitcast_convert_type3A = tpu.bitcast %sub3A_297 : vector<512x1024xi32> -> vector<512x1024xi32>
      %lt3A_298 = arith.constant 4095 : i32
      %lt3A_299 = vector.broadcast %lt3A_298 : i32 to vector<512x1024xi32>
      %lt3A_300 = arith.cmpi ult, %bitcast_convert_type3A, %lt3A_299 : vector<512x1024xi32>
      %convert_element_type3A_301 = arith.extui %lt3A_300 : vector<512x1024xi1> to vector<512x1024xi32>
      %convert_element_type3A_302 = arith.sitofp %convert_element_type3A_301 : vector<512x1024xi32> to vector<512x1024xf32>
      %get3A_303 = arith.constant 0 : index
      %get3A_304 = arith.constant 0 : index
      %get3A_305 = vector.load %arg18[%get3A_303, %get3A_304] : memref<512x128xf32, #tpu.memory_space<vmem>>, vector<512x128xf32>
      %slice3A = vector.extract_strided_slice %convert_element_type3A_302 {offsets = [0, 0], sizes = [512, 128], strides = [1, 1]} : vector<512x1024xf32> to vector<512x128xf32>
      %slice3A_306 = vector.extract_strided_slice %convert_element_type3A_302 {offsets = [0, 128], sizes = [512, 128], strides = [1, 1]} : vector<512x1024xf32> to vector<512x128xf32>
      %add3A_307 = arith.addf %slice3A, %slice3A_306 : vector<512x128xf32>
      %slice3A_308 = vector.extract_strided_slice %convert_element_type3A_302 {offsets = [0, 256], sizes = [512, 128], strides = [1, 1]} : vector<512x1024xf32> to vector<512x128xf32>
      %add3A_309 = arith.addf %add3A_307, %slice3A_308 : vector<512x128xf32>
      %slice3A_310 = vector.extract_strided_slice %convert_element_type3A_302 {offsets = [0, 384], sizes = [512, 128], strides = [1, 1]} : vector<512x1024xf32> to vector<512x128xf32>
      %add3A_311 = arith.addf %add3A_309, %slice3A_310 : vector<512x128xf32>
      %slice3A_312 = vector.extract_strided_slice %convert_element_type3A_302 {offsets = [0, 512], sizes = [512, 128], strides = [1, 1]} : vector<512x1024xf32> to vector<512x128xf32>
      %add3A_313 = arith.addf %add3A_311, %slice3A_312 : vector<512x128xf32>
      %slice3A_314 = vector.extract_strided_slice %convert_element_type3A_302 {offsets = [0, 640], sizes = [512, 128], strides = [1, 1]} : vector<512x1024xf32> to vector<512x128xf32>
      %add3A_315 = arith.addf %add3A_313, %slice3A_314 : vector<512x128xf32>
      %slice3A_316 = vector.extract_strided_slice %convert_element_type3A_302 {offsets = [0, 768], sizes = [512, 128], strides = [1, 1]} : vector<512x1024xf32> to vector<512x128xf32>
      %add3A_317 = arith.addf %add3A_315, %slice3A_316 : vector<512x128xf32>
      %slice3A_318 = vector.extract_strided_slice %convert_element_type3A_302 {offsets = [0, 896], sizes = [512, 128], strides = [1, 1]} : vector<512x1024xf32> to vector<512x128xf32>
      %add3A_319 = arith.addf %add3A_317, %slice3A_318 : vector<512x128xf32>
      %add3A_320 = arith.addf %get3A_305, %add3A_319 : vector<512x128xf32>
      %swap3A_321 = arith.constant 0 : index
      %swap3A_322 = arith.constant 0 : index
      %swap3A_323 = vector.load %arg18[%swap3A_321, %swap3A_322] : memref<512x128xf32, #tpu.memory_space<vmem>>, vector<512x128xf32>
      tpu.vector_store %arg18[%swap3A_321, %swap3A_322], %add3A_320 {strides = array<i32>} : memref<512x128xf32, #tpu.memory_space<vmem>>, vector<512x128xf32>,
    } else {
    }
    %convert_element_type3A_170 = arith.sitofp %get3A_0 : i32 to f32
    %convert_element_type3A_171 = arith.sitofp %get3A_2 : i32 to f32
    %add3A_172 = arith.constant 1023 : i32
    %add3A_173 = arith.addi %get3A_2, %add3A_172 : i32
    %jit3A = arith.constant 1024 : i32
    %div3A = arith.divsi %add3A_173, %jit3A : i32
    %sign3A = arith.constant 0 : i32
    %sign3A_174 = arith.cmpi sgt, %add3A_173, %sign3A : i32
    %sign3A_175 = arith.extui %sign3A_174 : i1 to i32
    %sign3A_176 = arith.constant 0 : i32
    %sign3A_177 = arith.cmpi slt, %add3A_173, %sign3A_176 : i32
    %sign3A_178 = arith.extui %sign3A_177 : i1 to i32
    %sign3A_179 = arith.subi %sign3A_175, %sign3A_178 : i32
    %sign3A_180 = arith.constant 0 : i32
    %sign3A_181 = arith.cmpi sgt, %jit3A, %sign3A_180 : i32
    %sign3A_182 = arith.extui %sign3A_181 : i1 to i32
    %sign3A_183 = arith.constant 0 : i32
    %sign3A_184 = arith.cmpi slt, %jit3A, %sign3A_183 : i32
    %sign3A_185 = arith.extui %sign3A_184 : i1 to i32
    %sign3A_186 = arith.subi %sign3A_182, %sign3A_185 : i32
    %ne3A = arith.cmpi ne, %sign3A_179, %sign3A_186 : i32
    %rem3A = arith.remsi %add3A_173, %jit3A : i32
    %ne3A_187 = arith.constant 0 : i32
    %ne3A_188 = arith.cmpi ne, %rem3A, %ne3A_187 : i32
    %and3A_189 = arith.andi %ne3A, %ne3A_188 : i1
    %sub3A_190 = arith.constant 1 : i32
    %sub3A_191 = arith.subi %div3A, %sub3A_190 : i32
    %select_n3A_192 = arith.select %and3A_189, %sub3A_191, %div3A : i32
    %mul3A_193 = arith.constant 1024 : i32
    %mul3A_194 = arith.muli %select_n3A_192, %mul3A_193 : i32
    %convert_element_type3A_195 = arith.sitofp %mul3A_194 : i32 to f32
    %get3A_196 = arith.constant 0 : index
    %get3A_197 = arith.constant 0 : index
    %get3A_198 = vector.load %arg17[%get3A_196, %get3A_197] : memref<512x128xf32, #tpu.memory_space<vmem>>, vector<512x128xf32>
    %reduce_sum3A = arith.constant dense<0.000000e+00> : vector<512xf32>
    %reduce_sum3A_199 = vector.multi_reduction <add>, %get3A_198, %reduce_sum3A [1] : vector<512x128xf32> to vector<512xf32>
    %broadcast_in_dim3A_200 = vector.shape_cast %reduce_sum3A_199 : vector<512xf32> to vector<512x1xf32>
    %add3A_201 = vector.broadcast %convert_element_type3A_195 : f32 to vector<512x1xf32>
    %add3A_202 = arith.addf %add3A_201, %broadcast_in_dim3A_200 : vector<512x1xf32>
    %mul3A_203 = arith.constant 5.000000e-01 : f32
    %mul3A_204 = vector.broadcast %mul3A_203 : f32 to vector<512x1xf32>
    %mul3A_205 = arith.mulf %mul3A_204, %add3A_202 : vector<512x1xf32>
    %get3A_206 = arith.constant 0 : index
    %get3A_207 = arith.constant 0 : index
    %get3A_208 = vector.load %arg16[%get3A_206, %get3A_207] : memref<512x128xf32, #tpu.memory_space<vmem>>, vector<512x128xf32>
    %reduce_sum3A_209 = arith.constant dense<0.000000e+00> : vector<512xf32>
    %reduce_sum3A_210 = vector.multi_reduction <add>, %get3A_208, %reduce_sum3A_209 [1] : vector<512x128xf32> to vector<512xf32>
    %broadcast_in_dim3A_211 = vector.shape_cast %reduce_sum3A_210 : vector<512xf32> to vector<512x1xf32>
    %mul3A_212 = arith.constant 0.693147182 : f32
    %mul3A_213 = vector.broadcast %mul3A_212 : f32 to vector<512x1xf32>
    %mul3A_214 = arith.mulf %mul3A_213, %broadcast_in_dim3A_211 : vector<512x1xf32>
    %div3A_215 = vector.broadcast %convert_element_type3A_171 : f32 to vector<512x1xf32>
    %div3A_216 = arith.divf %mul3A_205, %div3A_215 : vector<512x1xf32>
    %sub3A_217 = arith.constant 1.000000e+00 : f32
    %sub3A_218 = vector.broadcast %sub3A_217 : f32 to vector<512x1xf32>
    %sub3A_219 = arith.subf %sub3A_218, %div3A_216 : vector<512x1xf32>
    %mul3A_220 = arith.constant 1.000000e-03 : f32
    %mul3A_221 = vector.broadcast %mul3A_220 : f32 to vector<512x1xf32>
    %mul3A_222 = arith.mulf %mul3A_221, %sub3A_219 : vector<512x1xf32>
    %sub3A_223 = arith.subf %select_n3A_39, %mul3A_222 : vector<512x1xf32>
    %swap3A_224 = arith.constant 0 : index
    %swap3A_225 = arith.constant 0 : index
    %swap3A_226 = vector.load %arg12[%swap3A_224, %swap3A_225] : memref<512x1xf32, #tpu.memory_space<vmem>>, vector<512x1xf32>
    tpu.vector_store %arg12[%swap3A_224, %swap3A_225], %sub3A_223 {strides = array<i32>} : memref<512x1xf32, #tpu.memory_space<vmem>>, vector<512x1xf32>,
    %lt3A_227 = vector.broadcast %get3A_0 : i32 to vector<512x1xi32>
    %lt3A_228 = arith.cmpi slt, %add3A_24, %lt3A_227 : vector<512x1xi32>
    %get3A_229 = arith.constant 0 : index
    %get3A_230 = arith.constant 0 : index
    %get3A_231 = vector.load %arg18[%get3A_229, %get3A_230] : memref<512x128xf32, #tpu.memory_space<vmem>>, vector<512x128xf32>
    %reduce_sum3A_232 = arith.constant dense<0.000000e+00> : vector<512xf32>
    %reduce_sum3A_233 = vector.multi_reduction <add>, %get3A_231, %reduce_sum3A_232 [1] : vector<512x128xf32> to vector<512xf32>
    %broadcast_in_dim3A_234 = vector.shape_cast %reduce_sum3A_233 : vector<512xf32> to vector<512x1xf32>
    %gt3A_235 = arith.constant 0.000000e+00 : f32
    %gt3A_236 = vector.broadcast %gt3A_235 : f32 to vector<512x1xf32>
    %gt3A_237 = arith.cmpf ogt, %broadcast_in_dim3A_234, %gt3A_236 : vector<512x1xf32>
    %not3A = arith.constant dense<true> : vector<512x1xi1>
    %not3A_238 = arith.xori %gt3A_237, %not3A : vector<512x1xi1>
    %and3A_239 = arith.andi %lt3A_228, %not3A_238 : vector<512x1xi1>
    %jit3A_240 = arith.constant 1.000000e+00 : f32
    %jit3A_241 = arith.constant 0.000000e+00 : f32
    %broadcast_in_dim3A_242 = vector.broadcast %jit3A_240 : f32 to vector<512x1xf32>
    %broadcast_in_dim3A_243 = vector.broadcast %jit3A_241 : f32 to vector<512x1xf32>
    %select_n3A_244 = arith.select %and3A_239, %broadcast_in_dim3A_242, %broadcast_in_dim3A_243 : vector<512x1xi1>, vector<512x1xf32>
    %swap3A_245 = arith.constant 0 : index
    %swap3A_246 = arith.constant 0 : index
    %swap3A_247 = vector.load %arg13[%swap3A_245, %swap3A_246] : memref<512x1xf32, #tpu.memory_space<vmem>>, vector<512x1xf32>
    tpu.vector_store %arg13[%swap3A_245, %swap3A_246], %select_n3A_244 {strides = array<i32>} : memref<512x1xf32, #tpu.memory_space<vmem>>, vector<512x1xf32>,
    %jit3A_248 = arith.constant 0.000000e+00 : f32
    %broadcast_in_dim3A_249 = vector.broadcast %jit3A_248 : f32 to vector<512x1xf32>
    %select_n3A_250 = arith.select %lt3A_228, %mul3A_214, %broadcast_in_dim3A_249 : vector<512x1xi1>, vector<512x1xf32>
    %reduce_sum3A_251 = vector.shape_cast %select_n3A_250 : vector<512x1xf32> to vector<1x512x1xf32>
    %reduce_sum3A_252 = arith.constant dense<0.000000e+00> : vector<1xf32>
    %reduce_sum3A_253 = vector.multi_reduction <add>, %reduce_sum3A_251, %reduce_sum3A_252 [1, 2] : vector<1x512x1xf32> to vector<1xf32>
    %reduce_sum3A_254 = vector.shape_cast %reduce_sum3A_253 : vector<1xf32> to vector<1x1x1xf32>
    %reduce_sum3A_255 = vector.extract %reduce_sum3A_254[0, 0, 0] : f32 from vector<1x1x1xf32>
    %jit3A_256 = arith.constant 0.000000e+00 : f32
    %broadcast_in_dim3A_257 = vector.broadcast %jit3A_256 : f32 to vector<512x1xf32>
    %select_n3A_258 = arith.select %lt3A_228, %select_n3A_39, %broadcast_in_dim3A_257 : vector<512x1xi1>, vector<512x1xf32>
    %reduce_sum3A_259 = vector.shape_cast %select_n3A_258 : vector<512x1xf32> to vector<1x512x1xf32>
    %reduce_sum3A_260 = arith.constant dense<0.000000e+00> : vector<1xf32>
    %reduce_sum3A_261 = vector.multi_reduction <add>, %reduce_sum3A_259, %reduce_sum3A_260 [1, 2] : vector<1x512x1xf32> to vector<1xf32>
    %reduce_sum3A_262 = vector.shape_cast %reduce_sum3A_261 : vector<1xf32> to vector<1x1x1xf32>
    %reduce_sum3A_263 = vector.extract %reduce_sum3A_262[0, 0, 0] : f32 from vector<1x1x1xf32>
    %eq3A = arith.constant 0 : i32
    %eq3A_264 = arith.cmpi eq, %arg0, %eq3A : i32
    %convert_element_type3A_265 = arith.extui %eq3A_264 : i1 to i32
    %cond3A_266 = arith.constant 0 : i32
    %cond3A_267 = arith.cmpi ne, %convert_element_type3A_265, %cond3A_266 : i32
    scf.if %cond3A_267 {
      %swap3A_278 = arith.constant 0 : index
      %swap3A_279 = memref.load %arg19[%swap3A_278] : memref<2xf32, #tpu.memory_space<smem>>
      memref.store %reduce_sum3A_255, %arg19[%swap3A_278] : memref<2xf32, #tpu.memory_space<smem>>
      %swap3A_280 = arith.constant 1 : index
      %swap3A_281 = memref.load %arg19[%swap3A_280] : memref<2xf32, #tpu.memory_space<smem>>
      memref.store %reduce_sum3A_263, %arg19[%swap3A_280] : memref<2xf32, #tpu.memory_space<smem>>
    } else {
    }
    %gt3A_268 = arith.constant 0 : i32
    %gt3A_269 = arith.cmpi sgt, %arg0, %gt3A_268 : i32
    %convert_element_type3A_270 = arith.extui %gt3A_269 : i1 to i32
    %cond3A_271 = arith.constant 0 : i32
    %cond3A_272 = arith.cmpi ne, %convert_element_type3A_270, %cond3A_271 : i32
    scf.if %cond3A_272 {
      %get3A_278 = arith.constant 0 : index
      %get3A_279 = memref.load %arg19[%get3A_278] : memref<2xf32, #tpu.memory_space<smem>>
      %add3A_280 = arith.addf %get3A_279, %reduce_sum3A_255 : f32
      %swap3A_281 = arith.constant 0 : index
      %swap3A_282 = memref.load %arg19[%swap3A_281] : memref<2xf32, #tpu.memory_space<smem>>
      memref.store %add3A_280, %arg19[%swap3A_281] : memref<2xf32, #tpu.memory_space<smem>>
      %get3A_283 = arith.constant 1 : index
      %get3A_284 = memref.load %arg19[%get3A_283] : memref<2xf32, #tpu.memory_space<smem>>
      %add3A_285 = arith.addf %get3A_284, %reduce_sum3A_263 : f32
      %swap3A_286 = arith.constant 1 : index
      %swap3A_287 = memref.load %arg19[%swap3A_286] : memref<2xf32, #tpu.memory_space<smem>>
      memref.store %add3A_285, %arg19[%swap3A_286] : memref<2xf32, #tpu.memory_space<smem>>
    } else {
    }
    %eq3A_273 = arith.constant 7 : i32
    %eq3A_274 = arith.cmpi eq, %arg0, %eq3A_273 : i32
    %convert_element_type3A_275 = arith.extui %eq3A_274 : i1 to i32
    %cond3A_276 = arith.constant 0 : i32
    %cond3A_277 = arith.cmpi ne, %convert_element_type3A_275, %cond3A_276 : i32
    scf.if %cond3A_277 {
      %get3A_278 = arith.constant 0 : index
      %get3A_279 = memref.load %arg19[%get3A_278] : memref<2xf32, #tpu.memory_space<smem>>
      %mul3A_280 = arith.constant 1.000000e+03 : f32
      %mul3A_281 = arith.mulf %mul3A_280, %get3A_279 : f32
      %mul3A_282 = arith.mulf %convert_element_type3A_170, %convert_element_type3A_171 : f32
      %div3A_283 = arith.divf %mul3A_281, %mul3A_282 : f32
      %get3A_284 = arith.constant 1 : index
      %get3A_285 = memref.load %arg19[%get3A_284] : memref<2xf32, #tpu.memory_space<smem>>
      %div3A_286 = arith.divf %get3A_285, %convert_element_type3A_170 : f32
      %add3A_287 = arith.addf %div3A_283, %div3A_286 : f32
      %reshape3A = vector.broadcast %add3A_287 : f32 to vector<1x1xf32>
      %swap3A_288 = arith.constant 0 : index
      %swap3A_289 = arith.constant 0 : index
      %swap3A_290 = vector.load %arg15[%swap3A_288, %swap3A_289] : memref<1x1xf32, #tpu.memory_space<vmem>>, vector<1x1xf32>
      tpu.vector_store %arg15[%swap3A_288, %swap3A_289], %reshape3A {strides = array<i32>} : memref<1x1xf32, #tpu.memory_space<vmem>>, vector<1x1xf32>,
    } else {
    }
    return
  }
  func.func @transform_0(%arg0: i32) -> i32 {
    %c0_i32 = arith.constant 0 : i32
    %c0_i32_0 = arith.constant 0 : i32
    return %c0_i32 : i32
  }
  func.func @transform_1(%arg0: i32) -> (i32, i32) {
    %c0_i32 = arith.constant 0 : i32
    %c0_i32_0 = arith.constant 0 : i32
    return %arg0, %c0_i32 : i32, i32
  }
  func.func @transform_2(%arg0: i32) -> (i32, i32) {
    %c0_i32 = arith.constant 0 : i32
    %c0_i32_0 = arith.constant 0 : i32
    return %arg0, %c0_i32 : i32, i32
  }
  func.func @transform_3(%arg0: i32) -> (i32, i32) {
    %c0_i32 = arith.constant 0 : i32
    %c0_i32_0 = arith.constant 0 : i32
    return %arg0, %c0_i32 : i32, i32
  }
  func.func @transform_4(%arg0: i32) -> (i32, i32) {
    %c0_i32 = arith.constant 0 : i32
    %c0_i32_0 = arith.constant 0 : i32
    return %arg0, %c0_i32 : i32, i32
  }
  func.func @transform_5(%arg0: i32) -> (i32, i32) {
    %c0_i32 = arith.constant 0 : i32
    %c0_i32_0 = arith.constant 0 : i32
    return %arg0, %c0_i32 : i32, i32
  }
  func.func @transform_6(%arg0: i32) -> (i32, i32) {
    %c0_i32 = arith.constant 0 : i32
    %c0_i32_0 = arith.constant 0 : i32
    return %arg0, %c0_i32 : i32, i32
  }
  func.func @transform_7(%arg0: i32) -> (i32, i32) {
    %c0_i32 = arith.constant 0 : i32
    %c0_i32_0 = arith.constant 0 : i32
    %c0_i32_1 = arith.constant 0 : i32
    return %c0_i32, %c0_i32_0 : i32, i32
  }
  func.func @transform_8(%arg0: i32) -> (i32, i32) {
    %c0_i32 = arith.constant 0 : i32
    %c0_i32_0 = arith.constant 0 : i32
    %c0_i32_1 = arith.constant 0 : i32
    return %c0_i32, %c0_i32_0 : i32, i32
  }
  func.func @transform_9(%arg0: i32) -> (i32, i32) {
    %c0_i32 = arith.constant 0 : i32
    %c0_i32_0 = arith.constant 0 : i32
    %c0_i32_1 = arith.constant 0 : i32
    return %c0_i32, %c0_i32_0 : i32, i32
  }
  func.func @transform_10(%arg0: i32) -> (i32, i32) {
    %c0_i32 = arith.constant 0 : i32
    %c0_i32_0 = arith.constant 0 : i32
    %c0_i32_1 = arith.constant 0 : i32
    return %c0_i32, %c0_i32_0 : i32, i32
  }
  func.func @transform_11(%arg0: i32) -> (i32, i32) {
    %c0_i32 = arith.constant 0 : i32
    %c0_i32_0 = arith.constant 0 : i32
    return %arg0, %c0_i32 : i32, i32
  }
  func.func @transform_12(%arg0: i32) -> (i32, i32) {
    %c0_i32 = arith.constant 0 : i32
    %c0_i32_0 = arith.constant 0 : i32
    return %arg0, %c0_i32 : i32, i32
  }
  func.func @transform_13(%arg0: i32) -> (i32, i32) {
    %c0_i32 = arith.constant 0 : i32
    %c0_i32_0 = arith.constant 0 : i32
    return %arg0, %c0_i32 : i32, i32
  }
  func.func @transform_14(%arg0: i32) -> (i32, i32) {
    %c0_i32 = arith.constant 0 : i32
    %c0_i32_0 = arith.constant 0 : i32
    %c0_i32_1 = arith.constant 0 : i32
    return %c0_i32, %c0_i32_0 : i32, i32
  }
}

</mosaic_0001>

<sc_bundles>
// kernel: kernel.5.cloned.1.call-start
scs
__scs_entry_jumppad:
0x0: {  	(pc) =	sbr.rel $0x88, $3  }
0x1: {  	(tag) =	ssettag $0x0;
	lr =	simm.s32 $0x1  }
0x2: {  	[smem:$0x3F9D] =	sst lr;
	_ =	strace $0xD0000000  }
0x3: {  	_ = 	snop  }
0x4: {  	_ = 	snop  }
0x5: {  	_ = 	snop  }
0x6: {  	_ = 	snop  }
0x7: {  	_ = 	snop  }
__scs_overlays_trampoline_lowered:
0x8: {  	[smem:$0x3FAC] =	sst s0  }
0x9: {  	[smem:$0x3FAD] =	sst s1  }
0xa: {  	[smem:$0x3FAE] =	sst s2  }
0xb: {  	[smem:$0x3FAF] =	sst s3  }
0xc: {  	[smem:$0x3FB0] =	sst s4  }
0xd: {  	[smem:$0x3FB1] =	sst s5  }
0xe: {  	[smem:$0x3FB2] =	sst s6  }
0xf: {  	[smem:$0x3FB3] =	sst s7  }
0x10: {  	[smem:$0x3FB4] =	sst s8  }
0x11: {  	[smem:$0x3FB5] =	sst s9;
	s0 =	simm.s32 @!p0 $0x0  }
0x12: {  	s1 =	sld [smem:$0x3F9B];
	s0 =	simm.s32 @p0 $0x1  }
0x13: {  	[smem:$0x3FB6] =	sst s0;
	s0 =	simm.s32 @!p1 $0x0  }
0x14: {  	s2 =	sld [smem:$0x3F9A];
	s0 =	simm.s32 @p1 $0x1  }
0x15: {  	[smem:$0x3FB7] =	sst s0;
	s0 =	simm.s32 @!p2 $0x0  }
0x16: {  	s3 =	sld [smem:$0x3FDB];
	s0 =	simm.s32 @p2 $0x1  }
0x17: {  	s4 =	simm.s32 $0x1BF5;
	[smem:$0x3FB9] =	sst s0  }
0x18: {  	s0 =	sld [smem:$0x3F9C];
	_ =	swait.ge [sflag:s4], $0x0  }
0x19: {  	s7 =	sld [smem:$0x3F9D]  }
0x1a: {  	s8 =	sadd.s32 $0xFFFFE003, lr  }
0x1b: {  	s9 =	sadd.s32 $0xFFFFFEF7, lr;
	s5 =	simm.s32 $0xFFFFFFFF;
	p2 =	slt.u32 s8, $0xFFFFF086  }
0x1c: {  	p1 =	slt.u32 s9, $0xF7A;
	s5 =	simm.s32 @!p2 $0x0  }
0x1d: {  	s5 =	simm.s32 @p1 $0x1;
	p0 =	seq.s32 s7, s2  }
0x1e: {  	s7 =	smul.u32 @!p0 $0xF7A, s2;
	p2 =	seq.s32 @!p0 s5, $0x0  }
0x1f: {  	s9 =	smul.u32 $0xF7A, s1;
	s8 =	simm.s32 @!p0 $0x1BF5;
	p2 =	por !p2, p0  }
0x20: {  	[sflag:s8] =	ssyncset.s32 @!p0 $0xFFFFF086;
	s6 =	sadd.s32 @!p0 s3, s7;
	s7 =	simm.s32 @!p0 $0x108  }
0x21: {  	s3 =	sadd.s32 s3, s9;
	s6 =	sadd.s32 @!p0 $0x88, s6;
	s7 =	simm.s32 @p2 $0x1082  }
0x22: {  	[simem:s7], [sflag:s8] =	dma.local @!p0 [hbm:s6], $0xF7A  }
0x23: {  	s9 =	sor.u32 $0xD0000000, s2;
	s6 =	simm.s32 $0x108;
	_ =	swait.ge @!p0 [sflag:s8], $0x0  }
0x24: {  	s3 =	sadd.s32 $0x88, s3;
	s6 =	simm.s32 @!p1 $0x1082;
	[sflag:s4] =	ssyncset.s32 $0xFFFFF086  }
0x25: {  	[simem:s6], [sflag:s4] =	dma.local [hbm:s3], $0xF7A  }
0x26: {  	[smem:$0x3F9D] =	sst s1;
	(tag) =	ssettag s2;
	_ =	strace s9  }
0x27: {  	s1 =	sld [smem:$0x3FAD]  }
0x28: {  	s2 =	sld [smem:$0x3FAE]  }
0x29: {  	s4 =	sld [smem:$0x3FB0]  }
0x2a: {  	p0 =	seq.s32 s5, $0x0;
	s5 =	sld [smem:$0x3FB1]  }
0x2b: {  	s6 =	sld [smem:$0x3FB2]  }
0x2c: {  	s7 =	sld [smem:$0x3FB3]  }
0x2d: {  	s3 =	simm.s32 $0x108;
	s8 =	sld [smem:$0x3FB4]  }
0x2e: {  	s3 =	simm.s32 @!p0 $0x1082;
	s9 =	sld [smem:$0x3FB5]  }
0x2f: {  	lr =	sadd.s32 s0, s3;
	s0 =	sld [smem:$0x3FAC]  }
0x30: {  	s3 =	sld [smem:$0x3FAF]  }
0x31: {  	[smem:$0x3FB8] =	sst s10  }
0x32: {  	s10 =	sld [smem:$0x3FB6];
	_ =	sdelay $0x3  }
0x33: {  	p0 =	seq.s32 s10, $0x1;
	s10 =	sld [smem:$0x3FB8];
	_ =	sdelay $0x3  }
0x34: {  	[smem:$0x3FB8] =	sst s10  }
0x35: {  	s10 =	sld [smem:$0x3FB7];
	_ =	sdelay $0x3  }
0x36: {  	p1 =	seq.s32 s10, $0x1;
	s10 =	sld [smem:$0x3FB8];
	_ =	sdelay $0x3  }
0x37: {  	[smem:$0x3FB8] =	sst s10  }
0x38: {  	s10 =	sld [smem:$0x3FB9]  }
0x39: {  	_ = 	snop;
	(pc) =	sbr.ind lr, $3  }
0x3a: {  	_ = 	snop  }
0x3b: {  	_ = 	snop  }
0x3c: {  	p2 =	seq.s32 s10, $0x1;
	s10 =	sld [smem:$0x3FB8]  }
0x3d: {  	_ =	shalt  }
0x3e: {  	_ =	shalt  }
0x3f: {  	_ =	shalt  }
0x40: {  	_ =	shalt  }
0x41: {  	_ =	shalt  }
0x42: {  	_ =	shalt  }
0x43: {  	_ =	shalt  }
0x44: {  	_ =	shalt  }
0x45: {  	_ =	shalt  }
0x46: {  	_ =	shalt  }
0x47: {  	_ =	shalt  }
0x48: {  	_ =	shalt  }
0x49: {  	_ =	shalt  }
0x4a: {  	_ =	shalt  }
0x4b: {  	_ =	shalt  }
0x4c: {  	_ =	shalt  }
0x4d: {  	_ =	shalt  }
0x4e: {  	_ =	shalt  }
0x4f: {  	_ =	shalt  }
0x50: {  	_ =	shalt  }
0x51: {  	_ =	shalt  }
0x52: {  	_ =	shalt  }
0x53: {  	_ =	shalt  }
0x54: {  	_ =	shalt  }
0x55: {  	_ =	shalt  }
0x56: {  	_ =	shalt  }
0x57: {  	_ =	shalt  }
0x58: {  	_ =	shalt  }
0x59: {  	_ =	shalt  }
0x5a: {  	_ =	shalt  }
0x5b: {  	_ =	shalt  }
0x5c: {  	_ =	shalt  }
0x5d: {  	_ =	shalt  }
0x5e: {  	_ =	shalt  }
0x5f: {  	_ =	shalt  }
0x60: {  	_ =	shalt  }
0x61: {  	_ =	shalt  }
0x62: {  	_ =	shalt  }
0x63: {  	_ =	shalt  }
0x64: {  	_ =	shalt  }
0x65: {  	_ =	shalt  }
0x66: {  	_ =	shalt  }
0x67: {  	_ =	shalt  }
0x68: {  	_ =	shalt  }
0x69: {  	_ =	shalt  }
0x6a: {  	_ =	shalt  }
0x6b: {  	_ =	shalt  }
0x6c: {  	_ =	shalt  }
0x6d: {  	_ =	shalt  }
0x6e: {  	_ =	shalt  }
0x6f: {  	_ =	shalt  }
0x70: {  	_ =	shalt  }
0x71: {  	_ =	shalt  }
0x72: {  	_ =	shalt  }
0x73: {  	_ =	shalt  }
0x74: {  	_ =	shalt  }
0x75: {  	_ =	shalt  }
0x76: {  	_ =	shalt  }
0x77: {  	_ =	shalt  }
0x78: {  	_ =	shalt  }
0x79: {  	_ =	shalt  }
0x7a: {  	_ =	shalt  }
0x7b: {  	_ =	shalt  }
0x7c: {  	_ =	shalt  }
0x7d: {  	_ =	shalt  }
0x7e: {  	_ =	shalt  }
0x7f: {  	_ =	shalt  }
0x80: {  	_ =	shalt  }
0x81: {  	_ =	shalt  }
0x82: {  	_ =	shalt  }
0x83: {  	_ =	shalt  }
0x84: {  	_ =	shalt  }
0x85: {  	_ =	shalt  }
0x86: {  	_ =	shalt  }
0x87: {  	_ =	shalt  }
.Lfunc_end0:
.L_simem_size_0:
called_computation_lowered:
.L_overlay_start_0:
0x88: {  	s2 =	sld [smem:$0x3FD9]  }
0x89: {  	s3 =	sld [smem:$0x3FFE];
	_ =	sdelay $0x1  }
0x8a: {  	s1 =	srdreg.scid  }
0x8b: {  	s0 =	sand.u32 $0x1, s1  }
0x8c: {  	s14 =	sshll.u32 s0, $0xA;
	s2 =	sadd.s32 s3, s2  }
0x8d: {  	s2 =	sadd.s32 s2, s14  }
0x8e: {  	[smem:$0x3FC4] =	sst s2  }
0x8f: {  	_ = 	snop  }
0x90: {  	s2 =	sld [smem:$0x3FD0];
	_ =	sdelay $0x1  }
0x91: {  	s15 =	sld [smem:$0x3FC8]  }
0x92: {  	s5 =	simm.s32 $0xA;
	s6 =	simm.s32 $0x10;
	s4 =	sld [smem:$0x3FC7]  }
0x93: {  	[smem:s6], [sflag:s5] =	dma.local [hbm:s2], $0x1  }
0x94: {  	_ =	swait.eq [sflag:s5], $0x1  }
0x95: {  	[sflag:s5] =	ssyncset.done $0x0  }
0x96: {  	s16 =	sld [smem:$0x10];
	[sflag:s5] =	ssyncadd.s32 $0xFFFFFFFF  }
0x97: {  	s17 =	sld [smem:$0x11];
	(tm) =	ssettm $0x1  }
0x98: {  	s18 =	sld [smem:$0x3FFB];
	_ =	sdelay $0x3  }
0x99: {  	_ =	strace s18  }
0x9a: {  	s6 =	sld [smem:$0x3FFC];
	_ =	sdelay $0x3  }
0x9b: {  	_ =	strace s6  }
0x9c: {  	s6 =	sld [smem:$0x3FFD];
	_ =	sdelay $0x3  }
0x9d: {  	_ =	strace s6  }
0x9e: {  	_ =	strace $0x8FFFFFFF  }
0x9f: {  	s19 =	sld [smem:$0x3FDB];
	_ =	sdelay $0x1  }
0xa0: {  	s7 =	simm.s32 $_scs_section_size  }
0xa1: {  	s8 =	simm.s32 $_size__tile_overlayer_lowered;
	s9 =	simm.s32 $_tile_overlayer_lowered  }
0xa2: {  	s22 =	simm.s32 $0x1BFF;
	s21 =	sshll.u32 s9, $0x1;
	s6 =	sadd.s32 s7, s19  }
0xa3: {  	s10 =	simm.s32 $0x0;
	s20 =	sshll.u32 s8, $0x1;
	s8 =	sadd.s32 s21, s6  }
0xa4: {  	[timem:s10], [sflag:s22] =	dma.local [hbm:s8], s20  }
0xa5: {  	_ =	swait.ge [sflag:s22], s20  }
0xa6: {  	s7 =	ssub.s32 $0x0, s20;
	[sflag:s22] =	ssyncset.done $0x0  }
0xa7: {  	[sflag:s22] =	ssyncadd.s32 s7;
	_ =	sdelay $0x1  }
0xa8: {  	s23 =	simm.s32 $0x1B8B  }
0xa9: {  	_ =	swait.ge [sflag:s23], $0x1  }
0xaa: {  	[sflag:s23] =	ssyncset.done $0x0  }
0xab: {  	s25 =	simm.s32 $0x1B8E;
	s24 =	sld [smem:$0x3FFE];
	[sflag:s23] =	ssyncadd.s32 $0xFFFFFFFF  }
0xac: {  	s26 =	simm.s32 $execute0_lowered;
	[smem:$0x3FD2] =	sst s25  }
0xad: {  	s8 =	sshll.u32 s26, $0x1;
	_ =	strace $0x80000046;
	[dreg:$0x1] =	wrdreg $0xFFFFFFFF  }
0xae: {  	s28 =	simm.s32 $_size_execute0_lowered;
	s6 =	sadd.s32 s6, s8;
	[dreg:$0x0] =	wrdreg $0x0  }
0xaf: {  	s8 =	sshll.u32 s28, $0x1;
	[dreg:$0x2] =	wrdreg s6  }
0xb0: {  	[dreg:$0x3] =	wrdreg s8  }
0xb1: {  	[dreg:$0x4] =	wrdreg $0xC0  }
0xb2: {  	_ =	task [dreg:s10], $0x5FFFF  }
0xb3: {  	[dreg:$0x1] =	wrdreg $0xFFFFFFFF  }
0xb4: {  	[dreg:$0x0] =	wrdreg $0x60  }
0xb5: {  	[dreg:$0x2] =	wrdreg s15  }
0xb6: {  	[dreg:$0x3] =	wrdreg s24  }
0xb7: {  	[dreg:$0x4] =	wrdreg s17  }
0xb8: {  	[dreg:$0x5] =	wrdreg s4  }
0xb9: {  	[dreg:$0x6] =	wrdreg s16  }
0xba: {  	[dreg:$0x7] =	wrdreg $0x14000  }
0xbb: {  	[dreg:$0x8] =	wrdreg $0x16000  }
0xbc: {  	[dreg:$0x9] =	wrdreg $0x18000  }
0xbd: {  	[dreg:$0xa] =	wrdreg $0x1A000  }
0xbe: {  	[dreg:$0xb] =	wrdreg $0x9  }
0xbf: {  	_ =	task.clear_ibuf [dreg:s10], $0xCFFFF;
	_ =	strace $0x90000046  }
0xc0: {  	s29 =	simm.s32 $0x9;
	_ =	strace $0x80000048  }
0xc1: {  	_ =	swait.ge [sflag:s29], $0x1  }
0xc2: {  	[sflag:s29] =	ssyncadd.s32 $0xFFFFFFFF  }
0xc3: {  	_ =	strace $0x90000048  }
0xc4: {  	_ =	sfence  }
0xc5: {  	s30 =	sld [smem:$0x0];
	_ =	sdelay $0x2  }
0xc6: {  	s31 =	sshll.u32 s1, $0xD;
	s1 =	sshrl.u32 s1, $0x2  }
0xc7: {  	s3 =	sand.u32 $0x4000, s31;
	s1 =	sadd.s32 s1, s30  }
0xc8: {  	s0 =	sor.u32 s3, s0;
	s1 =	sshll.u32 s1, $0x11  }
0xc9: {  	s0 =	sor.u32 s1, s0  }
0xca: {  	s0 =	sadd.s32 $0x8F2B, s0  }
0xcb: {  	[sflag:s0] =	ssyncadd.remote.s32 $0x1  }
0xcc: {  	_ =	sfence.sel $0xFFFF  }
0xcd: {  	[dreg:$0x0] =	wrdreg $0xFFFFFFFF;
	(pc) =	sbr.abs _section_cstart, $3  }
0xce: {  	[dreg:$0x1] =	wrdreg $0xFFFFFFFF  }
0xcf: {  	_ =	task.clear_ibuf [dreg:s10], $0x2FFFF;
	_ =	strace $0x9FFFFFFF  }
0xd0: {  	(tm) =	ssettm $0x7FFFFFFF  }
0xd1: {  	_ =	shalt  }
tec
execute0_lowered:
.L_overlay_start_1:
0x0: {  	(tag) =	ssettag $0x1  }
0x1: {  	s0 =	rddreg [dreg:$0x1]  }
0x2: {  	s1 =	rddreg [dreg:$0x2]  }
0x3: {  	s2 =	rddreg [dreg:$0x3]  }
0x4: {  	s10 =	rddreg [dreg:$0x4]  }
0x5: {  	s3 =	rddreg [dreg:$0x5]  }
0x6: {  	s4 =	rddreg [dreg:$0x6]  }
0x7: {  	s5 =	rddreg [dreg:$0x7]  }
0x8: {  	s6 =	rddreg [dreg:$0x8];
	s7 =	srdreg.scid  }
0x9: {  	s22 =	stileid.u32;
	s28 =	simm.s32 $0x1100;
	s29 =	simm.s32 $0x1180  }
0xa: {  	s9 =	sand.u32 $0x1, s7;
	s7 =	simm.s32 $0x0;
	s11 =	sadd.s32 $0x4000, s0  }
0xb: {  	s16 =	sadd.s32 $0x4200, s0;
	s17 =	sadd.s32 $0x4A00, s0;
	s12 =	sadd.s32 $0x4C00, s0  }
0xc: {  	s13 =	sadd.s32 $0x4400, s0;
	s14 =	sadd.s32 $0x4600, s0;
	s15 =	sadd.s32 $0x4800, s0  }
0xd: {  	s24 =	sshll.u32 s22, $0x3;
	p3 =	seq.s32 s22, $0xF;
	p1 =	sne.s32 s22, $0x0  }
0xe: {  	s26 =	sadd.s32 $0x1, s10;
	s8 =	sshll.u32 s9, $0x4;
	[smem:$0x7FF] =	sst s7  }
0xf: {  	p0 =	seq.s32 s9, $0x1;
	_ =	strace $0x80000047;
	[dreg:$0xa] =	wrdreg s11  }
0x10: {  	s20 =	sshll.u32 s9, $0x7;
	s23 =	sor.u32 s22, s8;
	[dreg:$0xb] =	wrdreg s16  }
0x11: {  	s8 =	sadd.s32 $0xE00, s0;
	[dreg:$0xc] =	wrdreg s17;
	s17 =	ssub.s32 $0x2, s9  }
0x12: {  	s16 =	sadd.s32 $0x4E00, s0;
	p4 =	por !p0, p1;
	p5 =	por p0, p1  }
0x13: {  	[dreg:$0xd] =	wrdreg s26;
	s26 =	simm.s32 $0x1080;
	s18 =	sshll.u32 s23, $0x4  }
0x14: {  	s19 =	sshrl.u32 s17, $0x1;
	p2 =	seq.s32 s23, $0x0;
	s21 =	sadd.s32 s18, s0  }
0x15: {  	s0 =	ssub.s32 s17, s19;
	s17 =	sadd.s32 s1, s18;
	s18 =	sadd.s32 s2, s18  }
0x16: {  	s19 =	sshll.u32 s23, $0x7;
	s1 =	sor.u32 s24, s20;
	s2 =	simm.s32 $0x1200  }
0x17: {  	s20 =	sadd.s32 $0xC00, s21;
	s21 =	sadd.s32 $0xA00, s21;
	s25 =	sor.u32 $0x1000, s19  }
.Ltmp0:
0x18: {  	s9 =	sor.u32 $0x1010, s19;
	s22 =	smax.u32 s0, $0x1;
	(pc) =	sbr.rel .LBB2_1-.Ltmp0, $4  }
0x19: {  	v0 =	vlaneseq.u32;
	v9 =	vimm.s32 $0x0;
	s23 =	smax.u32 s1, $0x1;
	s0 =	sor.u32 $0x1020, s19;
	s1 =	sor.u32 $0x1030, s19  }
0x1a: {  	vm0 =	vcmask $0x300;
	s24 =	sor.u32 $0x1040, s19;
	s30 =	sor.u32 $0x1050, s19;
	s31 =	sor.u32 $0x1060, s19;
	v1 =	vor.u32 s25, v0;
	v2 =	vor.u32 s9, v0  }
0x1b: {  	s11 =	sor.u32 $0x1070, s19;
	s25 =	simm.s32 $0x1000;
	v3 =	vor.u32 s0, v0;
	v4 =	vor.u32 s1, v0;
	v6 =	vor.u32 s30, v0;
	s30 =	simm.s32 $0x1  }
0x1c: {  	v5 =	vor.u32 s24, v0;
	v7 =	vor.u32 s31, v0;
	s31 =	simm.s32 $0x80;
	v8 =	vor.u32 s11, v0;
	s1 =	simm.s32 $0x1280;
	s0 =	simm.s32 $0x0  }
.LBB2_6:
0x1d: {  	s9 =	simm.s32 @!p1 $0x1C02;
	s10 =	sshrl.u32 @!p4 s3, $0x3  }
0x1e: {  	[hbm:s13], [sflag:s9] =	dma.local @!p4 [spmem:s10], $0x200  }
0x1f: {  	s10 =	simm.s32 @!p4 $0x2  }
0x20: {  	_ =	swait.ge @!p4 [sflag:s10], $0x200  }
0x21: {  	[sflag:s10] =	ssyncset.done @!p4 $0x0  }
0x22: {  	s11 =	sshrl.u32 @!p4 s4, $0x3;
	[sflag:s10] =	ssyncadd.s32 @!p4 $0xFFFFFE00  }
0x23: {  	[hbm:s14], [sflag:s9] =	dma.local @!p4 [spmem:s11], $0x200  }
0x24: {  	_ =	swait.ge @!p4 [sflag:s10], $0x200  }
0x25: {  	[sflag:s10] =	ssyncset.done @!p4 $0x0  }
0x26: {  	s11 =	sshrl.u32 @!p4 s5, $0x3;
	[sflag:s10] =	ssyncadd.s32 @!p4 $0xFFFFFE00  }
0x27: {  	[hbm:s15], [sflag:s9] =	dma.local @!p4 [spmem:s11], $0x200  }
0x28: {  	_ =	swait.ge @!p4 [sflag:s10], $0x200  }
0x29: {  	[sflag:s10] =	ssyncset.done @!p4 $0x0  }
0x2a: {  	s11 =	sshrl.u32 @!p4 s6, $0x3;
	[sflag:s10] =	ssyncadd.s32 @!p4 $0xFFFFFE00  }
0x2b: {  	[hbm:s16], [sflag:s9] =	dma.local @!p4 [spmem:s11], $0x200  }
0x2c: {  	_ =	swait.ge @!p4 [sflag:s10], $0x200  }
0x2d: {  	[sflag:s10] =	ssyncset.done @!p4 $0x0  }
0x2e: {  	s11 =	rddreg [dreg:$0xa];
	[sflag:s10] =	ssyncadd.s32 @!p4 $0xFFFFFE00;
	s10 =	sshrl.u32 @!p5 s3, $0x3  }
0x2f: {  	[hbm:s11], [sflag:s9] =	dma.local @!p5 [spmem:s10], $0x200  }
0x30: {  	s10 =	simm.s32 @!p5 $0x2  }
0x31: {  	_ =	swait.ge @!p5 [sflag:s10], $0x200  }
0x32: {  	[sflag:s10] =	ssyncset.done @!p5 $0x0  }
0x33: {  	s11 =	sshrl.u32 @!p5 s4, $0x3;
	s24 =	rddreg [dreg:$0xb];
	[sflag:s10] =	ssyncadd.s32 @!p5 $0xFFFFFE00  }
0x34: {  	[hbm:s24], [sflag:s9] =	dma.local @!p5 [spmem:s11], $0x200  }
0x35: {  	_ =	swait.ge @!p5 [sflag:s10], $0x200  }
0x36: {  	[sflag:s10] =	ssyncset.done @!p5 $0x0  }
0x37: {  	s11 =	sshrl.u32 @!p5 s5, $0x3;
	s24 =	rddreg [dreg:$0xc];
	[sflag:s10] =	ssyncadd.s32 @!p5 $0xFFFFFE00  }
0x38: {  	[hbm:s24], [sflag:s9] =	dma.local @!p5 [spmem:s11], $0x200  }
0x39: {  	_ =	swait.ge @!p5 [sflag:s10], $0x200  }
0x3a: {  	[sflag:s10] =	ssyncset.done @!p5 $0x0  }
0x3b: {  	s11 =	sshrl.u32 @!p5 s6, $0x3;
	[sflag:s10] =	ssyncadd.s32 @!p5 $0xFFFFFE00  }
0x3c: {  	[hbm:s12], [sflag:s9] =	dma.local @!p5 [spmem:s11], $0x200  }
0x3d: {  	_ =	swait.ge @!p5 [sflag:s10], $0x200  }
0x3e: {  	[sflag:s10] =	ssyncset.done @!p5 $0x0  }
0x3f: {  	[sflag:s10] =	ssyncadd.s32 @!p5 $0xFFFFFE00  }
.LBB2_8:
0x40: {  	s0 =	sadd.s32 $0x1, s0  }
0x41: {  	p6 =	sne.s32 s0, s22  }
.Ltmp1:
0x42: {  	_ = 	snop;
	(pc) =	sbr.rel @!p6 .LBB2_9-.Ltmp1, $1  }
0x43: {  	_ =	sdelay $0x3  }
.LBB2_1:
0x44: {  	s9 =	rddreg [dreg:$0x0]  }
0x45: {  	[tilespmem:s7], [sflag:$0x1] =	stream.linear.gather [hbm4b:s9+s7], $0x1000, $0x38;
	[tilespmem:$0x1C00] =	vst v63  }
0x46: {  	_ = 	snop  }
0x47: {  	[tilespmem:s25], [sflag:$0x1] =	stream.linear.gather [hbm4b:s20+s7], $0x80, $0x38;
	[tilespmem:$0x1C00] =	vst v63  }
0x48: {  	_ = 	snop  }
0x49: {  	[tilespmem:s26], [sflag:$0x1] =	stream.linear.gather [hbm4b:s17+s7], $0x80, $0x38;
	[tilespmem:$0x1C00] =	vst v63  }
0x4a: {  	_ = 	snop  }
0x4b: {  	[tilespmem:s28], [sflag:$0x1] =	stream.linear.gather [hbm4b:s21+s7], $0x80, $0x38;
	[tilespmem:$0x1C00] =	vst v63  }
0x4c: {  	_ = 	snop  }
0x4d: {  	[tilespmem:s29], [sflag:$0x1] =	stream.linear.gather [hbm4b:s18+s7], $0x80, $0x38;
	[tilespmem:$0x1C00] =	vst v63  }
0x4e: {  	_ =	swait.ge [sflag:s30], $0x80  }
0x4f: {  	[sflag:s30] =	ssyncset.done $0x0  }
.Ltmp2:
0x50: {  	[sflag:s30] =	ssyncadd.s32 $0xFFFFFF80;
	(pc) =	sbr.rel @p2 .LBB2_5-.Ltmp2, $4  }
0x51: {  	[tilespmem:s2], [sflag:$0x1] =	stream.indirect.gather [hbm4b:s8+s31], $0x1, s29, s31, $0xb8;
	[tilespmem:$0x1C00] =	vst v63  }
0x52: {  	_ =	swait.ge [sflag:s30], $0x1000  }
0x53: {  	[sflag:s30] =	ssyncset.done $0x0  }
0x54: {  	v10 =	vimm.f32 $0.0e+00;
	[sflag:s30] =	ssyncadd.s32 $0xFFFFF000  }
0x55: {  	p6 =	sne.s32 s23, $0x1  }
.Ltmp3:
0x56: {  	_ = 	snop;
	(pc) =	sbr.rel @!p6 .LBB2_4-.Ltmp3, $2  }
0x57: {  	_ =	sdelay $0x2  }
0x58: {  	s24 =	sadd.s32 $0xFFFFFFFF, s23;
	v11 =	vld [tilespmem:s7+$0x0];
	s9 =	simm.s32 $0x0  }
.LBB2_3:
0x59: {  	p6 =	sne.s32 s24, $0x1  }
.Ltmp4:
0x5a: {  	_ = 	snop;
	(pc) =	sbr.rel @p6 .LBB2_3-.Ltmp4, $3  }
0x5b: {  	_ =	sdelay $0x1  }
0x5c: {  	s24 =	sadd.s32 $0xFFFFFFFF, s24;
	s9 =	sadd.s32 $0x10, s9;
	v10 =	vadd.f32 v11, v10  }
0x5d: {  	v11 =	vld [tilespmem:s9+$0x0]  }
.LBB2_4:
0x5e: {  	_ =	sdelay $0x3  }
0x5f: {  	v10 =	vadd.f32 v11, v10  }
.LBB2_5:
0x60: {  	_ = 	snop  }
0x61: {  	(xrf2) =	vadd.scan.msk.f32 $0xffff, v10;
	_ =	sdelay $0x9  }
0x62: {  	v10, _, _ =	vpop (xrf2)  }
0x63: {  	(v2sf) =	vpush v10, $0xF;
	_ =	sdelay $0x4  }
0x64: {  	v10 =	vld [tilespmem:s19+$0x0];
	_ =	sdelay $0x4  }
0x65: {  	vm1 =	veq.f32 v10, $1.000000000e+00  }
0x66: {  	v10 =	vsel vm1, $0x1, v9  }
0x67: {  	(xrf0) =	vadd.scan.msk.s32 $0xffff, v10;
	_ =	sdelay $0x2  }
0x68: {  	s9 =	spop (v2sf)  }
0x69: {  	s9 =	scvt.f32.s32 s9;
	_ =	sdelay $0x1  }
0x6a: {  	v10, _, _ =	vpop (xrf0);
	v11 =	vmov s9  }
0x6b: {  	(v2sf) =	vpush v10, $0xF;
	v11 =	vadd.s32 $0xFFFFFFFF, v11  }
0x6c: {  	v11 =	vbroadcast v11, $0x0  }
0x6d: {  	s24 =	ssub.s32 s19, s9  }
0x6e: {  	v11 =	vadd.s32 v10, v11;
	v10 =	vsub.s32 s24, v10  }
0x6f: {  	v11 =	vsel vm1, v11, v1;
	v10 =	vadd.s32 v0, v10  }
0x70: {  	v10 =	vsel vm1, v1, v10;
	[tilespmem:$0x1280] =	vst v11  }
0x71: {  	[tilespmem:$0x1300] =	vst v10  }
0x72: {  	v10 =	vld [tilespmem:s19+$0x10];
	_ =	sdelay $0x4  }
0x73: {  	vm1 =	veq.f32 v10, $1.000000000e+00  }
0x74: {  	v10 =	vsel vm1, $0x1, v9  }
0x75: {  	(xrf0) =	vadd.scan.msk.s32 $0xffff, v10  }
0x76: {  	s10 =	spop (v2sf)  }
0x77: {  	s9 =	sadd.s32 s9, s10  }
0x78: {  	v10 =	vmov s9  }
0x79: {  	v10 =	vadd.s32 $0xFFFFFFFF, v10  }
0x7a: {  	s10 =	ssub.s32 $0x10, s10;
	v10 =	vbroadcast v10, $0x0  }
0x7b: {  	s11 =	sadd.s32 s24, s10;
	v11, _, _ =	vpop (xrf0)  }
0x7c: {  	v10 =	vadd.s32 v11, v10;
	v12 =	vsub.s32 s11, v11;
	(v2sf) =	vpush v11, $0xF  }
0x7d: {  	v10 =	vsel vm1, v10, v2;
	v11 =	vadd.s32 v0, v12  }
0x7e: {  	v11 =	vsel vm1, v2, v11;
	[tilespmem:$0x1290] =	vst v10  }
0x7f: {  	[tilespmem:$0x1310] =	vst v11  }
0x80: {  	v10 =	vld [tilespmem:s19+$0x20];
	_ =	sdelay $0x4  }
0x81: {  	vm1 =	veq.f32 v10, $1.000000000e+00  }
0x82: {  	v10 =	vsel vm1, $0x1, v9  }
0x83: {  	(xrf0) =	vadd.scan.msk.s32 $0xffff, v10;
	_ =	sdelay $0x3  }
0x84: {  	s11 =	spop (v2sf)  }
0x85: {  	s9 =	sadd.s32 s11, s9  }
0x86: {  	v10, _, _ =	vpop (xrf0);
	v11 =	vmov s9  }
0x87: {  	s10 =	ssub.s32 s10, s11;
	v11 =	vadd.s32 $0xFFFFFFFF, v11;
	(v2sf) =	vpush v10, $0xF  }
0x88: {  	s11 =	sadd.s32 s10, s24;
	v11 =	vbroadcast v11, $0x0  }
0x89: {  	s11 =	sadd.s32 $0x10, s11  }
0x8a: {  	v11 =	vadd.s32 v10, v11;
	v10 =	vsub.s32 s11, v10  }
0x8b: {  	v11 =	vsel vm1, v11, v3;
	v10 =	vadd.s32 v0, v10  }
0x8c: {  	v10 =	vsel vm1, v3, v10;
	[tilespmem:$0x12A0] =	vst v11  }
0x8d: {  	[tilespmem:$0x1320] =	vst v10  }
0x8e: {  	v10 =	vld [tilespmem:s19+$0x30];
	_ =	sdelay $0x4  }
0x8f: {  	vm1 =	veq.f32 v10, $1.000000000e+00  }
0x90: {  	v10 =	vsel vm1, $0x1, v9  }
0x91: {  	(xrf0) =	vadd.scan.msk.s32 $0xffff, v10  }
0x92: {  	s11 =	spop (v2sf)  }
0x93: {  	s9 =	sadd.s32 s11, s9  }
0x94: {  	v10 =	vmov s9  }
0x95: {  	s10 =	ssub.s32 s10, s11;
	v10 =	vadd.s32 $0xFFFFFFFF, v10  }
0x96: {  	s11 =	sadd.s32 s10, s24;
	v10 =	vbroadcast v10, $0x0  }
0x97: {  	s11 =	sadd.s32 $0x20, s11;
	v11, _, _ =	vpop (xrf0)  }
0x98: {  	v10 =	vadd.s32 v11, v10;
	v61 =	vsub.s32 s11, v11;
	(v2sf) =	vpush v11, $0xF  }
0x99: {  	v10 =	vsel vm1, v10, v4;
	v11 =	vadd.s32 v0, v61  }
0x9a: {  	v11 =	vsel vm1, v4, v11;
	[tilespmem:$0x12B0] =	vst v10  }
0x9b: {  	[tilespmem:$0x1330] =	vst v11  }
0x9c: {  	v10 =	vld [tilespmem:s19+$0x40];
	_ =	sdelay $0x4  }
0x9d: {  	vm1 =	veq.f32 v10, $1.000000000e+00  }
0x9e: {  	v10 =	vsel vm1, $0x1, v9  }
0x9f: {  	(xrf0) =	vadd.scan.msk.s32 $0xffff, v10;
	_ =	sdelay $0x3  }
0xa0: {  	s11 =	spop (v2sf)  }
0xa1: {  	s9 =	sadd.s32 s11, s9  }
0xa2: {  	v10, _, _ =	vpop (xrf0);
	v11 =	vmov s9  }
0xa3: {  	s10 =	ssub.s32 s10, s11;
	v11 =	vadd.s32 $0xFFFFFFFF, v11;
	(v2sf) =	vpush v10, $0xF  }
0xa4: {  	s11 =	sadd.s32 s10, s24;
	v11 =	vbroadcast v11, $0x0  }
0xa5: {  	s11 =	sadd.s32 $0x30, s11  }
0xa6: {  	v11 =	vadd.s32 v10, v11;
	v10 =	vsub.s32 s11, v10  }
0xa7: {  	v11 =	vsel vm1, v11, v5;
	v10 =	vadd.s32 v0, v10  }
0xa8: {  	v10 =	vsel vm1, v5, v10;
	[tilespmem:$0x12C0] =	vst v11  }
0xa9: {  	[tilespmem:$0x1340] =	vst v10  }
0xaa: {  	v10 =	vld [tilespmem:s19+$0x50];
	_ =	sdelay $0x4  }
0xab: {  	vm1 =	veq.f32 v10, $1.000000000e+00  }
0xac: {  	v10 =	vsel vm1, $0x1, v9  }
0xad: {  	(xrf0) =	vadd.scan.msk.s32 $0xffff, v10  }
0xae: {  	s11 =	spop (v2sf)  }
0xaf: {  	s9 =	sadd.s32 s11, s9  }
0xb0: {  	v10 =	vmov s9  }
0xb1: {  	s10 =	ssub.s32 s10, s11;
	v10 =	vadd.s32 $0xFFFFFFFF, v10  }
0xb2: {  	s11 =	sadd.s32 s10, s24;
	v10 =	vbroadcast v10, $0x0  }
0xb3: {  	s11 =	sadd.s32 $0x40, s11;
	v11, _, _ =	vpop (xrf0)  }
0xb4: {  	v10 =	vadd.s32 v11, v10;
	v62 =	vsub.s32 s11, v11  }
0xb5: {  	(v2sf) =	vpush v11, $0xF;
	v10 =	vsel vm1, v10, v6;
	v11 =	vadd.s32 v0, v62  }
0xb6: {  	v11 =	vsel vm1, v6, v11;
	[tilespmem:$0x12D0] =	vst v10  }
0xb7: {  	[tilespmem:$0x1350] =	vst v11  }
0xb8: {  	v10 =	vld [tilespmem:s19+$0x60];
	_ =	sdelay $0x4  }
0xb9: {  	vm1 =	veq.f32 v10, $1.000000000e+00  }
0xba: {  	v10 =	vsel vm1, $0x1, v9  }
0xbb: {  	(xrf0) =	vadd.scan.msk.s32 $0xffff, v10;
	_ =	sdelay $0x4  }
0xbc: {  	s11 =	spop (v2sf)  }
0xbd: {  	s9 =	sadd.s32 s11, s9;
	v10, _, _ =	vpop (xrf0)  }
0xbe: {  	v11 =	vmov s9;
	(v2sf) =	vpush v10, $0xF  }
0xbf: {  	s10 =	ssub.s32 s10, s11;
	v11 =	vadd.s32 $0xFFFFFFFF, v11  }
0xc0: {  	s10 =	sadd.s32 s10, s24;
	v11 =	vbroadcast v11, $0x0  }
0xc1: {  	s24 =	sadd.s32 $0x50, s10  }
0xc2: {  	v11 =	vadd.s32 v10, v11;
	v10 =	vsub.s32 s24, v10  }
0xc3: {  	v11 =	vsel vm1, v11, v7;
	v10 =	vadd.s32 v0, v10  }
0xc4: {  	v10 =	vsel vm1, v7, v10;
	[tilespmem:$0x12E0] =	vst v11  }
0xc5: {  	[tilespmem:$0x1360] =	vst v10  }
0xc6: {  	v10 =	vld [tilespmem:s19+$0x70];
	_ =	sdelay $0x4  }
0xc7: {  	vm1 =	veq.f32 v10, $1.000000000e+00  }
0xc8: {  	v10 =	vsel vm1, $0x1, v9  }
0xc9: {  	(xrf0) =	vadd.scan.msk.s32 $0xffff, v10;
	s11 =	spop (v2sf)  }
0xca: {  	s24 =	sadd.s32 s11, s9  }
0xcb: {  	v10 =	vmov s24  }
0xcc: {  	v10 =	vadd.s32 $0xFFFFFFFF, v10;
	_ =	sdelay $0x1  }
0xcd: {  	s10 =	ssub.s32 s10, s11;
	v11 =	vbroadcast v10, $0x0  }
0xce: {  	s9 =	sadd.s32 $0x60, s10;
	v10, _, _ =	vpop (xrf0)  }
0xcf: {  	v11 =	vadd.s32 v10, v11;
	v63 =	vsub.s32 s9, v10  }
0xd0: {  	v11 =	vsel vm1, v11, v8;
	v12 =	vadd.s32 v0, v63  }
0xd1: {  	v12 =	vsel vm1, v8, v12;
	[tilespmem:$0x12F0] =	vst v11  }
0xd2: {  	[tilespmem:$0x1370] =	vst v12  }
0xd3: {  	_ =	swait.ge [sflag:s30], $0x80  }
0xd4: {  	[sflag:s30] =	ssyncset.done $0x0  }
0xd5: {  	[sflag:s30] =	ssyncadd.s32 $0xFFFFFF80  }
0xd6: {  	_ =	swait.ge [sflag:s30], $0x80  }
0xd7: {  	[sflag:s30] =	ssyncset.done $0x0  }
0xd8: {  	[sflag:s30] =	ssyncadd.s32 $0xFFFFFF80  }
0xd9: {  	_ =	swait.ge [sflag:s30], $0x80  }
0xda: {  	[sflag:s30] =	ssyncset.done $0x0  }
0xdb: {  	[sflag:s30] =	ssyncadd.s32 $0xFFFFFF80  }
0xdc: {  	_ =	swait.ge [sflag:s30], $0x80  }
0xdd: {  	[sflag:s30] =	ssyncset.done $0x0  }
0xde: {  	[sflag:s30] =	ssyncadd.s32 $0xFFFFFF80  }
0xdf: {  	[spmem:s3] =	stream.indirect.scatter [tilespmem:s25], [sflag:$0x1], $0x1, s1, s31, $0xb8;
	[tilespmem:$0x1C00] =	vst v63  }
0xe0: {  	_ = 	snop  }
0xe1: {  	[spmem:s4] =	stream.indirect.scatter [tilespmem:s2], [sflag:$0x1], $0x1, s1, s31, $0xb8;
	[tilespmem:$0x1C00] =	vst v63  }
0xe2: {  	_ = 	snop  }
0xe3: {  	[spmem:s5] =	stream.indirect.scatter [tilespmem:s28], [sflag:$0x1], $0x1, s1, s31, $0xb8;
	[tilespmem:$0x1C00] =	vst v63  }
0xe4: {  	s11 =	simm.s32 $0x1300  }
0xe5: {  	[spmem:s6] =	stream.indirect.scatter [tilespmem:s26], [sflag:$0x1], $0x1, s11, s31, $0xb8;
	[tilespmem:$0x1C00] =	vst v63  }
0xe6: {  	_ =	swait.ge [sflag:s30], $0x80  }
0xe7: {  	[sflag:s30] =	ssyncset.done $0x0  }
0xe8: {  	[sflag:s30] =	ssyncadd.s32 $0xFFFFFF80  }
0xe9: {  	_ =	swait.ge [sflag:s30], $0x80  }
0xea: {  	[sflag:s30] =	ssyncset.done $0x0  }
0xeb: {  	[sflag:s30] =	ssyncadd.s32 $0xFFFFFF80  }
0xec: {  	_ =	swait.ge [sflag:s30], $0x80  }
0xed: {  	[sflag:s30] =	ssyncset.done $0x0  }
0xee: {  	[sflag:s30] =	ssyncadd.s32 $0xFFFFFF80  }
.Ltmp5:
0xef: {  	_ =	swait.ge [sflag:s30], $0x80;
	(pc) =	sbr.rel @!p3 .LBB2_6-.Ltmp5, $3  }
0xf0: {  	[sflag:s30] =	ssyncset.done $0x0  }
0xf1: {  	[sflag:s30] =	ssyncadd.s32 $0xFFFFFF80  }
0xf2: {  	[bflag:$0x0] =	sbarrier.arrive $0xFFFF;
	_ =	sdelay $0x1  }
0xf3: {  	(v2sf) =	vpush v10, $0xF;
	_ =	sdelay $0xe  }
0xf4: {  	s9 =	spop (v2sf)  }
0xf5: {  	s9 =	sadd.s32 s9, s24  }
0xf6: {  	v11 =	vlaneseq.u32 @!p0;
	v10 =	vmov s9  }
0xf7: {  	vm1 =	veq.s32 @!p0 v11, $0x1;
	s10 =	ssub.s32 @!p0 $0x800, s9;
	v10 =	vnsel vm0, $0x0, v10  }
0xf8: {  	v11 =	vsel @!p0 vm1, s10, v10  }
0xf9: {  	s11 =	simm.s32 @!p0 $0x1380;
	s24 =	rddreg [dreg:$0xd];
	s10 =	simm.s32 @!p0 $0x0;
	[tilespmem:$0x1380] =	vst @!p0 v11  }
0xfa: {  	[hbm4b:s24+s10] =	stream.linear.scatter @!p0 [tilespmem:s11], [sflag:$0x2], $0x8, $0x38;
	[tilespmem:$0x1C00] =	vst v63  }
0xfb: {  	s10 =	simm.s32 @!p0 $0x2  }
0xfc: {  	v11 =	vlaneseq.u32 @p0;
	_ =	swait.ge @!p0 [sflag:s10], $0x8  }
0xfd: {  	s9 =	ssub.s32 @p0 $0x1000, s9;
	vm1 =	veq.s32 @p0 v11, $0x1;
	[sflag:s10] =	ssyncset.done @!p0 $0x0  }
0xfe: {  	v10 =	vsel @p0 vm1, s9, v10;
	[sflag:s10] =	ssyncadd.s32 @!p0 $0xFFFFFFF8  }
0xff: {  	s9 =	simm.s32 @p0 $0x0;
	s10 =	simm.s32 @p0 $0x1380;
	[tilespmem:$0x1380] =	vst @p0 v10;
	s11 =	rddreg [dreg:$0x4]  }
0x100: {  	[hbm4b:s11+s9] =	stream.linear.scatter @p0 [tilespmem:s10], [sflag:$0x2], $0x8, $0x38;
	[tilespmem:$0x1C00] =	vst v63  }
.Ltmp6:
0x101: {  	_ = 	snop;
	(pc) =	sbr.rel .LBB2_8-.Ltmp6, $4  }
0x102: {  	s9 =	simm.s32 @p0 $0x2  }
0x103: {  	_ =	swait.ge @p0 [sflag:s9], $0x8  }
0x104: {  	[sflag:s9] =	ssyncset.done @p0 $0x0  }
0x105: {  	[sflag:s9] =	ssyncadd.s32 @p0 $0xFFFFFFF8  }
.LBB2_9:
0x106: {  	_ =	sfence.sel $0x180000  }
0x107: {  	[bflag:$0x0] =	sbarrier.arrive $0xFFFF  }
0x108: {  	_ =	strace $0x90000047  }
0x109: {  	[bflag:$0x2] =	sbarrier.arrive $0xFFFF  }
0x10a: {  	s0 =	rddreg [dreg:$0x9]  }
0x10b: {  	s0 =	sadd.s32 @!p1 $0x100000, s0  }
0x10c: {  	[sflag:s0] =	ssyncadd.tile.s32 @!p1 $0x1;
	_ =	shalt  }
.Lfunc_end2:
_tile_overlayer_lowered:
.L_overlay_start_2:
0x10d: {  	(tag) =	ssettag $0x2  }
0x10e: {  	s0 =	rddreg [dreg:$0x0];
	s2 =	stileid.u32  }
0x10f: {  	s1 =	rddreg [dreg:$0x1];
	p0 =	sne.s32 s2, $0x0  }
0x110: {  	s3 =	rddreg [dreg:$0x2];
	[bflag:$0x3] =	sbarrier.arrive $0xFFFF;
	s2 =	simm.s32 @!p0 $0x1C02  }
0x111: {  	[timem:s3], [sflag:s2] =	dma.local @!p0 [hbm:s0], s1  }
0x112: {  	s0 =	simm.s32 @!p0 $0x2  }
0x113: {  	_ =	swait.ge @!p0 [sflag:s0], s1  }
0x114: {  	s1 =	ssub.s32 @!p0 $0x0, s1;
	[sflag:s0] =	ssyncset.done @!p0 $0x0  }
0x115: {  	[sflag:s0] =	ssyncadd.s32 @!p0 s1  }
0x116: {  	[bflag:$0x3] =	sbarrier.arrive $0xFFFF  }
0x117: {  	_ =	shalt  }

// kernel: kernel.8.cloned.1.call-start
scs
__scs_entry_jumppad:
0x0: {  	(pc) =	sbr.rel $0x88, $3  }
0x1: {  	(tag) =	ssettag $0x0;
	lr =	simm.s32 $0x1  }
0x2: {  	[smem:$0x3F9D] =	sst lr;
	_ =	strace $0xD0000000  }
0x3: {  	_ = 	snop  }
0x4: {  	_ = 	snop  }
0x5: {  	_ = 	snop  }
0x6: {  	_ = 	snop  }
0x7: {  	_ = 	snop  }
__scs_overlays_trampoline_lowered:
0x8: {  	[smem:$0x3FAC] =	sst s0  }
0x9: {  	[smem:$0x3FAD] =	sst s1  }
0xa: {  	[smem:$0x3FAE] =	sst s2  }
0xb: {  	[smem:$0x3FAF] =	sst s3  }
0xc: {  	[smem:$0x3FB0] =	sst s4  }
0xd: {  	[smem:$0x3FB1] =	sst s5  }
0xe: {  	[smem:$0x3FB2] =	sst s6  }
0xf: {  	[smem:$0x3FB3] =	sst s7  }
0x10: {  	[smem:$0x3FB4] =	sst s8  }
0x11: {  	[smem:$0x3FB5] =	sst s9;
	s0 =	simm.s32 @!p0 $0x0  }
0x12: {  	s1 =	sld [smem:$0x3F9B];
	s0 =	simm.s32 @p0 $0x1  }
0x13: {  	[smem:$0x3FB6] =	sst s0;
	s0 =	simm.s32 @!p1 $0x0  }
0x14: {  	s2 =	sld [smem:$0x3F9A];
	s0 =	simm.s32 @p1 $0x1  }
0x15: {  	[smem:$0x3FB7] =	sst s0;
	s0 =	simm.s32 @!p2 $0x0  }
0x16: {  	s3 =	sld [smem:$0x3FDB];
	s0 =	simm.s32 @p2 $0x1  }
0x17: {  	s4 =	simm.s32 $0x1BF5;
	[smem:$0x3FB9] =	sst s0  }
0x18: {  	s0 =	sld [smem:$0x3F9C];
	_ =	swait.ge [sflag:s4], $0x0  }
0x19: {  	s7 =	sld [smem:$0x3F9D]  }
0x1a: {  	s8 =	sadd.s32 $0xFFFFE003, lr  }
0x1b: {  	s9 =	sadd.s32 $0xFFFFFEF7, lr;
	s5 =	simm.s32 $0xFFFFFFFF;
	p2 =	slt.u32 s8, $0xFFFFF086  }
0x1c: {  	p1 =	slt.u32 s9, $0xF7A;
	s5 =	simm.s32 @!p2 $0x0  }
0x1d: {  	s5 =	simm.s32 @p1 $0x1;
	p0 =	seq.s32 s7, s2  }
0x1e: {  	s7 =	smul.u32 @!p0 $0xF7A, s2;
	p2 =	seq.s32 @!p0 s5, $0x0  }
0x1f: {  	s9 =	smul.u32 $0xF7A, s1;
	s8 =	simm.s32 @!p0 $0x1BF5;
	p2 =	por !p2, p0  }
0x20: {  	[sflag:s8] =	ssyncset.s32 @!p0 $0xFFFFF086;
	s6 =	sadd.s32 @!p0 s3, s7;
	s7 =	simm.s32 @!p0 $0x108  }
0x21: {  	s3 =	sadd.s32 s3, s9;
	s6 =	sadd.s32 @!p0 $0x88, s6;
	s7 =	simm.s32 @p2 $0x1082  }
0x22: {  	[simem:s7], [sflag:s8] =	dma.local @!p0 [hbm:s6], $0xF7A  }
0x23: {  	s9 =	sor.u32 $0xD0000000, s2;
	s6 =	simm.s32 $0x108;
	_ =	swait.ge @!p0 [sflag:s8], $0x0  }
0x24: {  	s3 =	sadd.s32 $0x88, s3;
	s6 =	simm.s32 @!p1 $0x1082;
	[sflag:s4] =	ssyncset.s32 $0xFFFFF086  }
0x25: {  	[simem:s6], [sflag:s4] =	dma.local [hbm:s3], $0xF7A  }
0x26: {  	[smem:$0x3F9D] =	sst s1;
	(tag) =	ssettag s2;
	_ =	strace s9  }
0x27: {  	s1 =	sld [smem:$0x3FAD]  }
0x28: {  	s2 =	sld [smem:$0x3FAE]  }
0x29: {  	s4 =	sld [smem:$0x3FB0]  }
0x2a: {  	p0 =	seq.s32 s5, $0x0;
	s5 =	sld [smem:$0x3FB1]  }
0x2b: {  	s6 =	sld [smem:$0x3FB2]  }
0x2c: {  	s7 =	sld [smem:$0x3FB3]  }
0x2d: {  	s3 =	simm.s32 $0x108;
	s8 =	sld [smem:$0x3FB4]  }
0x2e: {  	s3 =	simm.s32 @!p0 $0x1082;
	s9 =	sld [smem:$0x3FB5]  }
0x2f: {  	lr =	sadd.s32 s0, s3;
	s0 =	sld [smem:$0x3FAC]  }
0x30: {  	s3 =	sld [smem:$0x3FAF]  }
0x31: {  	[smem:$0x3FB8] =	sst s10  }
0x32: {  	s10 =	sld [smem:$0x3FB6];
	_ =	sdelay $0x3  }
0x33: {  	p0 =	seq.s32 s10, $0x1;
	s10 =	sld [smem:$0x3FB8];
	_ =	sdelay $0x3  }
0x34: {  	[smem:$0x3FB8] =	sst s10  }
0x35: {  	s10 =	sld [smem:$0x3FB7];
	_ =	sdelay $0x3  }
0x36: {  	p1 =	seq.s32 s10, $0x1;
	s10 =	sld [smem:$0x3FB8];
	_ =	sdelay $0x3  }
0x37: {  	[smem:$0x3FB8] =	sst s10  }
0x38: {  	s10 =	sld [smem:$0x3FB9]  }
0x39: {  	_ = 	snop;
	(pc) =	sbr.ind lr, $3  }
0x3a: {  	_ = 	snop  }
0x3b: {  	_ = 	snop  }
0x3c: {  	p2 =	seq.s32 s10, $0x1;
	s10 =	sld [smem:$0x3FB8]  }
0x3d: {  	_ =	shalt  }
0x3e: {  	_ =	shalt  }
0x3f: {  	_ =	shalt  }
0x40: {  	_ =	shalt  }
0x41: {  	_ =	shalt  }
0x42: {  	_ =	shalt  }
0x43: {  	_ =	shalt  }
0x44: {  	_ =	shalt  }
0x45: {  	_ =	shalt  }
0x46: {  	_ =	shalt  }
0x47: {  	_ =	shalt  }
0x48: {  	_ =	shalt  }
0x49: {  	_ =	shalt  }
0x4a: {  	_ =	shalt  }
0x4b: {  	_ =	shalt  }
0x4c: {  	_ =	shalt  }
0x4d: {  	_ =	shalt  }
0x4e: {  	_ =	shalt  }
0x4f: {  	_ =	shalt  }
0x50: {  	_ =	shalt  }
0x51: {  	_ =	shalt  }
0x52: {  	_ =	shalt  }
0x53: {  	_ =	shalt  }
0x54: {  	_ =	shalt  }
0x55: {  	_ =	shalt  }
0x56: {  	_ =	shalt  }
0x57: {  	_ =	shalt  }
0x58: {  	_ =	shalt  }
0x59: {  	_ =	shalt  }
0x5a: {  	_ =	shalt  }
0x5b: {  	_ =	shalt  }
0x5c: {  	_ =	shalt  }
0x5d: {  	_ =	shalt  }
0x5e: {  	_ =	shalt  }
0x5f: {  	_ =	shalt  }
0x60: {  	_ =	shalt  }
0x61: {  	_ =	shalt  }
0x62: {  	_ =	shalt  }
0x63: {  	_ =	shalt  }
0x64: {  	_ =	shalt  }
0x65: {  	_ =	shalt  }
0x66: {  	_ =	shalt  }
0x67: {  	_ =	shalt  }
0x68: {  	_ =	shalt  }
0x69: {  	_ =	shalt  }
0x6a: {  	_ =	shalt  }
0x6b: {  	_ =	shalt  }
0x6c: {  	_ =	shalt  }
0x6d: {  	_ =	shalt  }
0x6e: {  	_ =	shalt  }
0x6f: {  	_ =	shalt  }
0x70: {  	_ =	shalt  }
0x71: {  	_ =	shalt  }
0x72: {  	_ =	shalt  }
0x73: {  	_ =	shalt  }
0x74: {  	_ =	shalt  }
0x75: {  	_ =	shalt  }
0x76: {  	_ =	shalt  }
0x77: {  	_ =	shalt  }
0x78: {  	_ =	shalt  }
0x79: {  	_ =	shalt  }
0x7a: {  	_ =	shalt  }
0x7b: {  	_ =	shalt  }
0x7c: {  	_ =	shalt  }
0x7d: {  	_ =	shalt  }
0x7e: {  	_ =	shalt  }
0x7f: {  	_ =	shalt  }
0x80: {  	_ =	shalt  }
0x81: {  	_ =	shalt  }
0x82: {  	_ =	shalt  }
0x83: {  	_ =	shalt  }
0x84: {  	_ =	shalt  }
0x85: {  	_ =	shalt  }
0x86: {  	_ =	shalt  }
0x87: {  	_ =	shalt  }
.Lfunc_end0:
.L_simem_size_0:
called_computation.1_lowered:
.L_overlay_start_0:
0x88: {  	s2 =	sld [smem:$0x3FD9]  }
0x89: {  	s3 =	sld [smem:$0x3FFE];
	_ =	sdelay $0x1  }
0x8a: {  	s1 =	srdreg.scid  }
0x8b: {  	s0 =	sand.u32 $0x1, s1  }
0x8c: {  	s14 =	sshll.u32 s0, $0xA;
	s2 =	sadd.s32 s3, s2  }
0x8d: {  	s2 =	sadd.s32 s2, s14  }
0x8e: {  	[smem:$0x3FC4] =	sst s2  }
0x8f: {  	_ = 	snop  }
0x90: {  	s2 =	sld [smem:$0x3FD0];
	_ =	sdelay $0x2  }
0x91: {  	s15 =	simm.s32 $0xA;
	s4 =	simm.s32 $0x10  }
0x92: {  	[smem:s4], [sflag:s15] =	dma.local [hbm:s2], $0x1  }
0x93: {  	_ =	swait.eq [sflag:s15], $0x1  }
0x94: {  	[sflag:s15] =	ssyncset.done $0x0  }
0x95: {  	[sflag:s15] =	ssyncadd.s32 $0xFFFFFFFF  }
0x96: {  	s16 =	sld [smem:$0x11];
	(tm) =	ssettm $0x1  }
0x97: {  	s17 =	sld [smem:$0x3FFB];
	_ =	sdelay $0x3  }
0x98: {  	_ =	strace s17  }
0x99: {  	s3 =	sld [smem:$0x3FFC];
	_ =	sdelay $0x3  }
0x9a: {  	_ =	strace s3  }
0x9b: {  	s3 =	sld [smem:$0x3FFD];
	_ =	sdelay $0x3  }
0x9c: {  	_ =	strace s3  }
0x9d: {  	_ =	strace $0x8FFFFFFF  }
0x9e: {  	s18 =	sld [smem:$0x3FDB];
	_ =	sdelay $0x1  }
0x9f: {  	s19 =	simm.s32 $_scs_section_size  }
0xa0: {  	s5 =	simm.s32 $_size__tile_overlayer_lowered;
	s6 =	simm.s32 $_tile_overlayer_lowered  }
0xa1: {  	s22 =	simm.s32 $0x1BFF;
	s21 =	sshll.u32 s6, $0x1;
	s3 =	sadd.s32 s19, s18  }
0xa2: {  	s7 =	simm.s32 $0x0;
	s20 =	sshll.u32 s5, $0x1;
	s5 =	sadd.s32 s21, s3  }
0xa3: {  	[timem:s7], [sflag:s22] =	dma.local [hbm:s5], s20  }
0xa4: {  	_ =	swait.ge [sflag:s22], s20  }
0xa5: {  	s4 =	ssub.s32 $0x0, s20;
	[sflag:s22] =	ssyncset.done $0x0  }
0xa6: {  	[sflag:s22] =	ssyncadd.s32 s4;
	_ =	sdelay $0x1  }
0xa7: {  	s23 =	simm.s32 $0x1B8B  }
0xa8: {  	_ =	swait.ge [sflag:s23], $0x1  }
0xa9: {  	[sflag:s23] =	ssyncset.done $0x0  }
0xaa: {  	s25 =	simm.s32 $0x1B8E;
	s24 =	sld [smem:$0x3FFE];
	[sflag:s23] =	ssyncadd.s32 $0xFFFFFFFF  }
0xab: {  	s26 =	simm.s32 $execute0_lowered;
	[smem:$0x3FD2] =	sst s25  }
0xac: {  	s5 =	sshll.u32 s26, $0x1;
	_ =	strace $0x80000049;
	[dreg:$0x1] =	wrdreg $0xFFFFFFFF  }
0xad: {  	s28 =	simm.s32 $_size_execute0_lowered;
	s3 =	sadd.s32 s3, s5;
	[dreg:$0x0] =	wrdreg $0x0  }
0xae: {  	s5 =	sshll.u32 s28, $0x1;
	[dreg:$0x2] =	wrdreg s3  }
0xaf: {  	[dreg:$0x3] =	wrdreg s5  }
0xb0: {  	[dreg:$0x4] =	wrdreg $0xC0  }
0xb1: {  	_ =	task [dreg:s7], $0x5FFFF  }
0xb2: {  	[dreg:$0x1] =	wrdreg $0xFFFFFFFF  }
0xb3: {  	[dreg:$0x0] =	wrdreg $0x60  }
0xb4: {  	[dreg:$0x2] =	wrdreg s24  }
0xb5: {  	[dreg:$0x3] =	wrdreg s16  }
0xb6: {  	[dreg:$0x4] =	wrdreg $0x9  }
0xb7: {  	_ =	task.clear_ibuf [dreg:s7], $0x5FFFF;
	_ =	strace $0x90000049  }
0xb8: {  	s29 =	simm.s32 $0x9;
	_ =	strace $0x8000004B  }
0xb9: {  	_ =	swait.ge [sflag:s29], $0x1  }
0xba: {  	[sflag:s29] =	ssyncadd.s32 $0xFFFFFFFF  }
0xbb: {  	_ =	strace $0x9000004B  }
0xbc: {  	_ =	sfence  }
0xbd: {  	s30 =	sld [smem:$0x0];
	_ =	sdelay $0x2  }
0xbe: {  	s31 =	sshll.u32 s1, $0xD;
	s1 =	sshrl.u32 s1, $0x2  }
0xbf: {  	s3 =	sand.u32 $0x4000, s31;
	s1 =	sadd.s32 s1, s30  }
0xc0: {  	s0 =	sor.u32 s3, s0;
	s1 =	sshll.u32 s1, $0x11  }
0xc1: {  	s0 =	sor.u32 s1, s0  }
0xc2: {  	s0 =	sadd.s32 $0x8F2B, s0  }
0xc3: {  	[sflag:s0] =	ssyncadd.remote.s32 $0x1  }
0xc4: {  	_ =	sfence.sel $0xFFFF  }
0xc5: {  	[dreg:$0x0] =	wrdreg $0xFFFFFFFF;
	(pc) =	sbr.abs _section_cstart, $3  }
0xc6: {  	[dreg:$0x1] =	wrdreg $0xFFFFFFFF  }
0xc7: {  	_ =	task.clear_ibuf [dreg:s7], $0x2FFFF;
	_ =	strace $0x9FFFFFFF  }
0xc8: {  	(tm) =	ssettm $0x7FFFFFFF  }
0xc9: {  	_ =	shalt  }
tec
execute0_lowered:
.L_overlay_start_1:
0x0: {  	(tag) =	ssettag $0x1  }
0x1: {  	s6 =	rddreg [dreg:$0x0];
	s1 =	srdreg.scid  }
0x2: {  	s0 =	stileid.u32;
	s2 =	rddreg [dreg:$0x1]  }
0x3: {  	s3 =	simm.s32 $0x0;
	s4 =	sand.u32 $0x1, s1;
	s5 =	sshll.u32 s0, $0x1  }
0x4: {  	s10 =	simm.s32 $0xC80;
	s1 =	rddreg [dreg:$0x2];
	s5 =	sor.u32 s4, s5  }
0x5: {  	s13 =	simm.s32 $0x0;
	[smem:$0x7FF] =	sst s3;
	s11 =	smul.u32 $0xC40, s5  }
0x6: {  	_ =	strace $0x8000004A;
	s7 =	ssub.s32 $0x2, s4;
	s4 =	sadd.s32 $0xA00, s6  }
0x7: {  	s9 =	sshrl.u32 s7, $0x1;
	s5 =	sadd.s32 $0xC00, s6;
	s8 =	sshrl.u32 s11, $0x3  }
0x8: {  	s9 =	ssub.s32 s7, s9;
	s12 =	sadd.s32 $0xC40, s11;
	s8 =	sadd.s32 s8, s6  }
0x9: {  	v0 =	vmov s11;
	s11 =	simm.s32 $0x1C80;
	v1 =	vmov s12;
	s12 =	simm.s32 $0x2C80;
	s6 =	sadd.s32 $0xE00, s8  }
0xa: {  	s7 =	sadd.s32 $0x4000, s8;
	s8 =	smax.u32 s9, $0x1;
	s9 =	simm.s32 $0x1  }
.LBB2_1:
0xb: {  	[tilespmem:s3], [sflag:$0x1] =	stream.linear.gather [hbm4b:s6+s3], $0xC40, $0x38;
	[tilespmem:$0x3C80] =	vst v63  }
0xc: {  	_ =	swait.ge [sflag:s9], $0xC40  }
0xd: {  	[sflag:s9] =	ssyncset.done $0x0  }
0xe: {  	[sflag:s9] =	ssyncadd.s32 $0xFFFFF3C0  }
0xf: {  	[tilespmem:s10], [sflag:$0x1] =	stream.linear.gather [hbm4b:s2+s3], $0x1000, $0x38;
	[tilespmem:$0x3C80] =	vst v63  }
0x10: {  	_ =	swait.ge [sflag:s9], $0x1000  }
0x11: {  	[sflag:s9] =	ssyncset.done $0x0  }
0x12: {  	[sflag:s9] =	ssyncadd.s32 $0xFFFFF000  }
0x13: {  	[tilespmem:s11], [sflag:$0x1] =	stream.linear.gather [hbm4b:s4+s3], $0x1000, $0x38;
	[tilespmem:$0x3C80] =	vst v63  }
0x14: {  	_ =	swait.ge [sflag:s9], $0x1000  }
0x15: {  	[sflag:s9] =	ssyncset.done $0x0  }
0x16: {  	[sflag:s9] =	ssyncadd.s32 $0xFFFFF000  }
0x17: {  	[tilespmem:s12], [sflag:$0x1] =	stream.linear.gather [hbm4b:s5+s3], $0x1000, $0x38;
	[tilespmem:$0x3C80] =	vst v63  }
0x18: {  	_ =	swait.ge [sflag:s9], $0x1000  }
0x19: {  	s14 =	simm.s32 $0xFFFFFFF8;
	s15 =	simm.s32 $0xCC0;
	[sflag:s9] =	ssyncset.done $0x0  }
0x1a: {  	s16 =	simm.s32 $0x1CC0;
	s17 =	simm.s32 $0x2CC0;
	[sflag:s9] =	ssyncadd.s32 $0xFFFFF000  }
.LBB2_2:
0x1b: {  	v2 =	vld [tilespmem:s15+$0xFFFFFFC0];
	_ =	sdelay $0x1  }
0x1c: {  	v3 =	vld [tilespmem:s17+$0xFFFFFFC0];
	_ =	sdelay $0x2  }
0x1d: {  	v2 =	vshra.s32 v2, $0xD  }
0x1e: {  	vm0 =	vge.s32 v2, v0;
	vm1 =	vlt.s32 v2, v1  }
0x1f: {  	vm6 =	vgt.f32 v3, $0.0e+00;
	vm0 =	vmand vm0, vm1  }
0x20: {  	vm0 =	vmand vm0, vm6  }
0x21: {  	v3 =	vld [tilespmem:s16+$0xFFFFFFC0];
	v2 =	vsub.s32 v2, v0;
	_ =	sdelay $0x4  }
0x22: {  	[tilespmem:v2+s3+$0x0] =	vst.idx.msk vm0, v3  }
0x23: {  	v2 =	vld [tilespmem:s15+$0xFFFFFFD0];
	_ =	sdelay $0x1  }
0x24: {  	v3 =	vld [tilespmem:s17+$0xFFFFFFD0];
	_ =	sdelay $0x2  }
0x25: {  	v2 =	vshra.s32 v2, $0xD  }
0x26: {  	vm7 =	vge.s32 v2, v0;
	vm8 =	vlt.s32 v2, v1  }
0x27: {  	vm9 =	vgt.f32 v3, $0.0e+00;
	vm0 =	vmand vm7, vm8  }
0x28: {  	vm0 =	vmand vm0, vm9  }
0x29: {  	v3 =	vld [tilespmem:s16+$0xFFFFFFD0];
	v2 =	vsub.s32 v2, v0;
	_ =	sdelay $0x4  }
0x2a: {  	[tilespmem:v2+s3+$0x0] =	vst.idx.msk vm0, v3  }
0x2b: {  	v2 =	vld [tilespmem:s15+$0xFFFFFFE0];
	_ =	sdelay $0x1  }
0x2c: {  	v3 =	vld [tilespmem:s17+$0xFFFFFFE0];
	_ =	sdelay $0x2  }
0x2d: {  	v2 =	vshra.s32 v2, $0xD  }
0x2e: {  	vm10 =	vge.s32 v2, v0;
	vm11 =	vlt.s32 v2, v1  }
0x2f: {  	vm12 =	vgt.f32 v3, $0.0e+00;
	vm0 =	vmand vm10, vm11  }
0x30: {  	vm0 =	vmand vm0, vm12  }
0x31: {  	v3 =	vld [tilespmem:s16+$0xFFFFFFE0];
	v2 =	vsub.s32 v2, v0;
	_ =	sdelay $0x4  }
0x32: {  	[tilespmem:v2+s3+$0x0] =	vst.idx.msk vm0, v3  }
0x33: {  	v2 =	vld [tilespmem:s15+$0xFFFFFFF0];
	_ =	sdelay $0x1  }
0x34: {  	v3 =	vld [tilespmem:s17+$0xFFFFFFF0];
	_ =	sdelay $0x2  }
0x35: {  	v2 =	vshra.s32 v2, $0xD  }
0x36: {  	vm13 =	vge.s32 v2, v0;
	vm14 =	vlt.s32 v2, v1  }
0x37: {  	vm15 =	vgt.f32 v3, $0.0e+00;
	vm0 =	vmand vm13, vm14  }
0x38: {  	vm0 =	vmand vm0, vm15  }
0x39: {  	v3 =	vld [tilespmem:s16+$0xFFFFFFF0];
	v2 =	vsub.s32 v2, v0;
	_ =	sdelay $0x4  }
0x3a: {  	[tilespmem:v2+s3+$0x0] =	vst.idx.msk vm0, v3  }
0x3b: {  	v2 =	vld [tilespmem:s15+$0x0];
	_ =	sdelay $0x1  }
0x3c: {  	v3 =	vld [tilespmem:s17+$0x0];
	_ =	sdelay $0x2  }
0x3d: {  	v2 =	vshra.s32 v2, $0xD  }
0x3e: {  	vm4 =	vge.s32 v2, v0;
	vm5 =	vlt.s32 v2, v1  }
0x3f: {  	vm6 =	vgt.f32 v3, $0.0e+00;
	vm0 =	vmand vm4, vm5  }
0x40: {  	vm0 =	vmand vm0, vm6  }
0x41: {  	v3 =	vld [tilespmem:s16+$0x0];
	v2 =	vsub.s32 v2, v0;
	_ =	sdelay $0x4  }
0x42: {  	[tilespmem:v2+s3+$0x0] =	vst.idx.msk vm0, v3  }
0x43: {  	v2 =	vld [tilespmem:s15+$0x10];
	_ =	sdelay $0x1  }
0x44: {  	v3 =	vld [tilespmem:s17+$0x10];
	_ =	sdelay $0x2  }
0x45: {  	v2 =	vshra.s32 v2, $0xD  }
0x46: {  	vm7 =	vge.s32 v2, v0;
	vm8 =	vlt.s32 v2, v1  }
0x47: {  	vm9 =	vgt.f32 v3, $0.0e+00;
	vm0 =	vmand vm7, vm8  }
0x48: {  	vm0 =	vmand vm0, vm9  }
0x49: {  	v3 =	vld [tilespmem:s16+$0x10];
	v2 =	vsub.s32 v2, v0;
	_ =	sdelay $0x4  }
0x4a: {  	[tilespmem:v2+s3+$0x0] =	vst.idx.msk vm0, v3  }
0x4b: {  	v2 =	vld [tilespmem:s15+$0x20];
	_ =	sdelay $0x1  }
0x4c: {  	v3 =	vld [tilespmem:s17+$0x20];
	_ =	sdelay $0x2  }
0x4d: {  	v2 =	vshra.s32 v2, $0xD  }
0x4e: {  	vm10 =	vge.s32 v2, v0;
	vm11 =	vlt.s32 v2, v1  }
0x4f: {  	vm12 =	vgt.f32 v3, $0.0e+00;
	vm0 =	vmand vm10, vm11  }
0x50: {  	vm0 =	vmand vm0, vm12  }
0x51: {  	v3 =	vld [tilespmem:s16+$0x20];
	v2 =	vsub.s32 v2, v0;
	_ =	sdelay $0x4  }
0x52: {  	[tilespmem:v2+s3+$0x0] =	vst.idx.msk vm0, v3  }
0x53: {  	v2 =	vld [tilespmem:s15+$0x30];
	_ =	sdelay $0x1  }
0x54: {  	v3 =	vld [tilespmem:s17+$0x30];
	_ =	sdelay $0x2  }
0x55: {  	v2 =	vshra.s32 v2, $0xD  }
0x56: {  	vm13 =	vge.s32 v2, v0;
	vm14 =	vlt.s32 v2, v1  }
0x57: {  	vm15 =	vgt.f32 v3, $0.0e+00;
	vm0 =	vmand vm13, vm14  }
0x58: {  	s14 =	sadd.s32 $0x8, s14;
	vm0 =	vmand vm0, vm15  }
0x59: {  	p0 =	slt.u32 s14, $0xF8;
	v3 =	vld [tilespmem:s16+$0x30];
	v2 =	vsub.s32 v2, v0  }
.Ltmp0:
0x5a: {  	_ = 	snop;
	(pc) =	sbr.rel @p0 .LBB2_2-.Ltmp0, $2  }
0x5b: {  	_ =	sdelay $0x2  }
0x5c: {  	s15 =	sadd.s32 $0x80, s15;
	s17 =	sadd.s32 $0x80, s17;
	s16 =	sadd.s32 $0x80, s16;
	[tilespmem:v2+s3+$0x0] =	vst.idx.msk vm0, v3  }
0x5d: {  	s13 =	sadd.s32 $0x1, s13  }
0x5e: {  	p0 =	sne.s32 s13, s8  }
.Ltmp1:
0x5f: {  	_ = 	snop;
	(pc) =	sbr.rel @p0 .LBB2_1-.Ltmp1, $4  }
0x60: {  	[hbm4b:s7+s3] =	stream.linear.scatter [tilespmem:s3], [sflag:$0x1], $0xC40, $0x38;
	[tilespmem:$0x3C80] =	vst v63  }
0x61: {  	_ =	swait.ge [sflag:s9], $0xC40  }
0x62: {  	[sflag:s9] =	ssyncset.done $0x0  }
0x63: {  	[sflag:s9] =	ssyncadd.s32 $0xFFFFF3C0  }
0x64: {  	_ =	sfence.sel $0x180000  }
0x65: {  	[bflag:$0x0] =	sbarrier.arrive $0xFFFF  }
0x66: {  	p0 =	sne.s32 s0, $0x0;
	_ =	strace $0x9000004A  }
0x67: {  	s0 =	sadd.s32 @!p0 $0x100000, s1;
	[bflag:$0x2] =	sbarrier.arrive $0xFFFF  }
0x68: {  	[sflag:s0] =	ssyncadd.tile.s32 @!p0 $0x1;
	_ =	shalt  }
.Lfunc_end2:
_tile_overlayer_lowered:
.L_overlay_start_2:
0x69: {  	(tag) =	ssettag $0x2  }
0x6a: {  	s0 =	rddreg [dreg:$0x0];
	s2 =	stileid.u32  }
0x6b: {  	s1 =	rddreg [dreg:$0x1];
	p0 =	sne.s32 s2, $0x0  }
0x6c: {  	s3 =	rddreg [dreg:$0x2];
	[bflag:$0x3] =	sbarrier.arrive $0xFFFF;
	s2 =	simm.s32 @!p0 $0x1C01  }
0x6d: {  	[timem:s3], [sflag:s2] =	dma.local @!p0 [hbm:s0], s1  }
0x6e: {  	s0 =	simm.s32 @!p0 $0x1  }
0x6f: {  	_ =	swait.ge @!p0 [sflag:s0], s1  }
0x70: {  	s1 =	ssub.s32 @!p0 $0x0, s1;
	[sflag:s0] =	ssyncset.done @!p0 $0x0  }
0x71: {  	[sflag:s0] =	ssyncadd.s32 @!p0 s1  }
0x72: {  	[bflag:$0x3] =	sbarrier.arrive $0xFFFF  }
0x73: {  	_ =	shalt  }

</sc_bundles>
